<compile_context>
chip_gen: v7x
topology: tpu7x:2x2x1
jax: 0.10.2.dev20260603
libtpu: 0.0.44.dev20260713+nightly
codegen_flags: <defaults>
</compile_context>

<pallas_src>
import functools

import jax
import jax.numpy as jnp
from jax import lax
from jax.experimental import pallas as pl
from jax.experimental.pallas import tpu as pltpu
from jax.experimental.pallas import tpu_sc as plsc

N = 100000
E = 1600000
B = 1024
NPAD = 100352
RPT = NPAD // 16
EW = 2000
EW2 = 800
F32 = jnp.float32

_MESH = plsc.VectorSubcoreMesh(core_axis_name="c", subcore_axis_name="s")


def _fill(ref, n, value):
    vec = jnp.full((16,), value, F32)

    def body(i, carry):
        ref[pl.ds(i * 16, 16)] = vec
        return carry

    lax.fori_loop(0, n // 16, body, 0)


@functools.partial(
    pl.kernel,
    out_type=jax.ShapeDtypeStruct((2, NPAD), F32),
    mesh=_MESH,
    compiler_params=pltpu.CompilerParams(use_tc_tiling_on_sc=False),
    scratch_types=[
        pltpu.VMEM((EW,), jnp.int32),
        pltpu.VMEM((EW,), F32),
        pltpu.VMEM((RPT,), F32),
        pltpu.VMEM_SHARED((NPAD,), F32),
    ],
)
def _deg_kernel(ei_hbm, deg_hbm, dst_v, ones_v, zero_v, acc):
    c = lax.axis_index("c")
    s = lax.axis_index("s")
    _fill(zero_v, RPT, 0.0)
    _fill(ones_v, EW, 1.0)
    sl = pl.ds(s * RPT, RPT)
    pltpu.sync_copy(zero_v, acc.at[sl])
    plsc.subcore_barrier()

    share = E // 32
    base = (c * 16 + s) * share

    def win(i, carry):
        pltpu.sync_copy(ei_hbm.at[1, pl.ds(base + i * EW, EW)], dst_v)
        pltpu.sync_copy(ones_v, acc.at[dst_v], add=True)
        return carry

    lax.fori_loop(0, share // EW, win, 0)
    plsc.subcore_barrier()
    pltpu.sync_copy(acc.at[sl], deg_hbm.at[c, sl])


@functools.partial(
    pl.kernel,
    out_type=jax.ShapeDtypeStruct((2, 2 * NPAD), F32),
    mesh=_MESH,
    compiler_params=pltpu.CompilerParams(use_tc_tiling_on_sc=False),
    scratch_types=[
        pltpu.VMEM((EW,), jnp.int32),
        pltpu.VMEM((EW,), jnp.int32),
        pltpu.VMEM((EW,), jnp.int32),
        pltpu.VMEM((EW,), F32),
        pltpu.VMEM((2 * RPT,), F32),
        pltpu.VMEM_SHARED((2 * NPAD,), F32),
    ],
)
def _l1_kernel(ei_hbm, xzf_hbm, t_hbm,
               src_v, dst_v, idx_v, val_v, zero_v, acc):
    c = lax.axis_index("c")
    s = lax.axis_index("s")
    _fill(zero_v, 2 * RPT, 0.0)
    sl = pl.ds(s * 2 * RPT, 2 * RPT)
    pltpu.sync_copy(zero_v, acc.at[sl])
    plsc.subcore_barrier()

    share = E // 32
    base = (c * 16 + s) * share

    def dbl(col_ref, off):
        def g(i, carry):
            v16 = col_ref[pl.ds(i * 16, 16)]
            idx_v[pl.ds(i * 16, 16)] = v16 + off
            return carry
        lax.fori_loop(0, EW // 16, g, 0)

    def win(i, carry):
        off = base + i * EW
        pltpu.sync_copy(ei_hbm.at[0, pl.ds(off, EW)], src_v)
        pltpu.sync_copy(ei_hbm.at[1, pl.ds(off, EW)], dst_v)
        for col in (0, 1):
            dbl(src_v, col * NPAD)
            pltpu.sync_copy(xzf_hbm.at[idx_v], val_v)
            dbl(dst_v, col * NPAD)
            pltpu.sync_copy(val_v, acc.at[idx_v], add=True)
        return carry

    lax.fori_loop(0, share // EW, win, 0)
    plsc.subcore_barrier()
    pltpu.sync_copy(acc.at[sl], t_hbm.at[c, sl])


@functools.partial(
    pl.kernel,
    out_type=jax.ShapeDtypeStruct((2, NPAD, 16), F32),
    mesh=_MESH,
    compiler_params=pltpu.CompilerParams(use_tc_tiling_on_sc=False),
    scratch_types=[
        pltpu.VMEM((2, EW2), jnp.int32),
        pltpu.VMEM((2, EW2), jnp.int32),
        pltpu.VMEM((2, EW2), jnp.int32),
        pltpu.VMEM((2, EW2, 16), F32),
        pltpu.VMEM_SHARED((NPAD, 16), F32),
        pltpu.SemaphoreType.DMA,
        pltpu.SemaphoreType.DMA,
    ],
)
def _l2_kernel(ei_hbm, z_hbm, zz_hbm, t_hbm,
               src_v, idx_v, dst_v, rows_v, acc, semA, semB):
    c = lax.axis_index("c")
    s = lax.axis_index("s")
    sl = pl.ds(s * RPT, RPT)
    pltpu.sync_copy(zz_hbm, acc.at[sl])
    plsc.subcore_barrier()

    share = E // 16
    base = s * share
    nwin = share // EW2

    def stage(w, p, sem):
        off = base + w * EW2
        pltpu.async_copy(ei_hbm.at[0, pl.ds(off, EW2)], src_v.at[p], sem)
        pltpu.async_copy(ei_hbm.at[1, pl.ds(off, EW2)], dst_v.at[p], sem)

    def wait_stage(p, sem):
        pltpu.make_async_copy(ei_hbm.at[0, pl.ds(0, EW2)],
                              src_v.at[p], sem).wait()
        pltpu.make_async_copy(ei_hbm.at[1, pl.ds(0, EW2)],
                              dst_v.at[p], sem).wait()

    def process(p, sem):
        wait_stage(p, sem)

        def g(j, carry2):
            v16 = src_v[p, pl.ds(j * 16, 16)]
            idx_v[p, pl.ds(j * 16, 16)] = v16 * 2 + c
            return carry2

        lax.fori_loop(0, EW2 // 16, g, 0)
        pltpu.sync_copy(z_hbm.at[idx_v.at[p]], rows_v.at[p])
        pltpu.sync_copy(rows_v.at[p], acc.at[dst_v.at[p]], add=True)

    stage(0, 0, semA)

    def pair(ii, carry):
        w1 = 2 * ii + 1

        @pl.when(w1 < nwin)
        def _():
            stage(w1, 1, semB)

        process(0, semA)

        @pl.when(w1 < nwin)
        def _():
            @pl.when(w1 + 1 < nwin)
            def _():
                stage(w1 + 1, 0, semA)

            process(1, semB)

        return carry

    lax.fori_loop(0, (nwin + 1) // 2, pair, 0)
    plsc.subcore_barrier()
    pltpu.sync_copy(acc.at[sl], t_hbm.at[c, sl])


SEG = NPAD // 32
SUB = SEG // 4
ACC_N = 2050 * 16


@functools.partial(
    pl.kernel,
    out_type=jax.ShapeDtypeStruct((32, 32768), F32),
    mesh=_MESH,
    compiler_params=pltpu.CompilerParams(use_tc_tiling_on_sc=False),
    scratch_types=[
        pltpu.VMEM((SUB,), jnp.int32),
        pltpu.VMEM((SUB,), F32),
        pltpu.VMEM((SUB * 16,), F32),
        pltpu.VMEM((SUB * 16,), F32),
        pltpu.VMEM((SUB * 32,), F32),
        pltpu.VMEM((ACC_N,), F32),
        pltpu.VMEM((32,), F32),
    ],
)
def _pool_kernel(batch_hbm, dinv_hbm, t_hbm, z_hbm, bg2_hbm, p_hbm,
                 bat_v, dinv_v, ta_v, tb_v, zv, acc, bg2_v):
    c = lax.axis_index("c")
    s = lax.axis_index("s")
    w = c * 16 + s
    _fill(acc, ACC_N, -jnp.inf)
    pltpu.sync_copy(bg2_hbm, bg2_v)
    bga = bg2_v[pl.ds(0, 16)]
    bgb = bg2_v[pl.ds(16, 16)]
    nbase = w * SEG

    def sub(k, carry):
        off = nbase + k * SUB
        osl = pl.ds(off, SUB)
        fsl = pl.ds(off * 16, SUB * 16)
        fsl_b = pl.ds((NPAD + off) * 16, SUB * 16)
        pltpu.sync_copy(batch_hbm.at[osl], bat_v)
        pltpu.sync_copy(dinv_hbm.at[osl], dinv_v)
        pltpu.sync_copy(t_hbm.at[fsl], ta_v)
        pltpu.sync_copy(t_hbm.at[fsl_b], tb_v)
        pltpu.sync_copy(z_hbm.at[pl.ds(off * 32, SUB * 32)], zv)

        def grp(g, carry2):
            b16 = bat_v[pl.ds(g * 16, 16)]
            dv16 = dinv_v[pl.ds(g * 16, 16)]
            for j in range(16):
                i = g * 16 + j
                rsl = pl.ds(i * 16, 16)
                b = b16[j]
                dv = dv16[j]
                boff = b * 32
                oa = jnp.maximum(
                    dv * (ta_v[rsl] + zv[pl.ds(i * 32, 16)]) + bga, 0.0)
                acc[pl.ds(boff, 16)] = jnp.maximum(acc[pl.ds(boff, 16)], oa)
                ob = jnp.maximum(
                    dv * (tb_v[rsl] + zv[pl.ds(i * 32 + 16, 16)]) + bgb, 0.0)
                acc[pl.ds(boff + 16, 16)] = jnp.maximum(
                    acc[pl.ds(boff + 16, 16)], ob)
            return carry2

        lax.fori_loop(0, SUB // 16, grp, 0)
        return carry

    lax.fori_loop(0, SEG // SUB, sub, 0)
    pltpu.sync_copy(acc.at[pl.ds(0, 32768)], p_hbm.at[w])


def _dot(a, b):
    return lax.dot_general(a, b, (((1,), (0,)), ((), ())),
                           preferred_element_type=F32,
                           precision=lax.Precision.HIGHEST)


def _prep_body(d_ref, xc_ref, dinv_ref, xz_ref):
    d = d_ref[...]
    deg = d[0] + d[1] + 1.0
    dv = 1.0 / jnp.sqrt(deg)
    dinv_ref[...] = dv
    xc = xc_ref[...]
    xz_ref[0] = xc[0] * dv
    xz_ref[1] = xc[1] * dv


_prep = pl.pallas_call(
    _prep_body,
    in_specs=[pl.BlockSpec((2, 784, 128), lambda: (0, 0, 0)),
              pl.BlockSpec((2, 784, 128), lambda: (0, 0, 0))],
    out_specs=[pl.BlockSpec((784, 128), lambda: (0, 0)),
               pl.BlockSpec((2, 784, 128), lambda: (0, 0, 0))],
    out_shape=[jax.ShapeDtypeStruct((784, 128), F32),
               jax.ShapeDtypeStruct((2, 784, 128), F32)],
)


def _mid_body(t_ref, xz_ref, dinv_ref, w1_ref, b1_ref, w2_ref, z_ref):
    t = t_ref[...]
    xz = xz_ref[...]
    dv = dinv_ref[...]
    u0f = dv * (t[0, 0] + t[1, 0] + xz[0])
    u1f = dv * (t[0, 1] + t[1, 1] + xz[1])
    for s in range(8):
        u = jnp.concatenate([u0f[s:s + 1], u1f[s:s + 1]], axis=0)
        h = jnp.maximum(_dot(w1_ref[...], u) + b1_ref[...], 0.0)
        z2 = _dot(w2_ref[...], h) * dv[s:s + 1]
        z_ref[pl.ds(s * 128, 128), :] = z2.T


_mid = pl.pallas_call(
    _mid_body,
    grid=(98,),
    in_specs=[pl.BlockSpec((2, 2, 8, 128), lambda i: (0, 0, i, 0)),
              pl.BlockSpec((2, 8, 128), lambda i: (0, i, 0)),
              pl.BlockSpec((8, 128), lambda i: (i, 0)),
              pl.BlockSpec((64, 2), lambda i: (0, 0)),
              pl.BlockSpec((64, 1), lambda i: (0, 0)),
              pl.BlockSpec((32, 64), lambda i: (0, 0))],
    out_specs=pl.BlockSpec((1024, 32), lambda i: (i, 0)),
    out_shape=jax.ShapeDtypeStruct((NPAD, 32), F32),
)


def _fc_body(p_ref, wf1_ref, bf1_ref, wf2_ref, bf2_ref, o_ref, pool_ref):
    i = pl.program_id(0)

    @pl.when(i == 0)
    def _():
        pool_ref[...] = jnp.full((1024, 32), -jnp.inf, F32)

    pool_ref[...] = jnp.maximum(pool_ref[...], p_ref[...][0])

    @pl.when(i == 31)
    def _():
        o = jnp.maximum(_dot(pool_ref[...], wf1_ref[...]) + bf1_ref[...], 0.0)
        o_ref[...] = jnp.maximum(_dot(o, wf2_ref[...]) + bf2_ref[...], 0.0)


_fc = pl.pallas_call(
    _fc_body,
    grid=(32,),
    in_specs=[pl.BlockSpec((1, 1024, 32), lambda i: (i, 0, 0)),
              pl.BlockSpec((32, 32), lambda i: (0, 0)),
              pl.BlockSpec((1, 32), lambda i: (0, 0)),
              pl.BlockSpec((32, 28), lambda i: (0, 0)),
              pl.BlockSpec((1, 28), lambda i: (0, 0))],
    out_specs=pl.BlockSpec((1024, 28), lambda i: (0, 0)),
    out_shape=jax.ShapeDtypeStruct((1024, 28), F32),
    scratch_shapes=[pltpu.VMEM((1024, 32), F32)],
)


def kernel(x, edge_index, batch, Wg1, bg1, Wg2, bg2, Wf1, bf1, Wf2, bf2):
    deg = _deg_kernel(edge_index)
    xcols = jnp.concatenate(
        [x.T, jnp.zeros((2, NPAD - N), F32)], axis=1).reshape(2, 784, 128)
    dinv, xz = _prep(deg.reshape(2, 784, 128), xcols)
    t1f = _l1_kernel(edge_index, xz.reshape(2 * NPAD))
    z = _mid(t1f.reshape(2, 2, 784, 128), xz, dinv, Wg1.T,
             bg1.reshape(64, 1), Wg2.T)
    zlin = z.reshape(2 * NPAD, 16)
    t2 = _l2_kernel(edge_index, zlin, jnp.zeros((RPT, 16), F32))
    batp = jnp.concatenate([batch, jnp.full((NPAD - N,), B, jnp.int32)])
    p = _pool_kernel(batp, dinv.reshape(NPAD), t2.reshape(2 * NPAD * 16),
                     zlin.reshape(NPAD * 32), bg2)
    return _fc(p.reshape(32, 1024, 32), Wf1, bf1.reshape(1, 32),
               Wf2, bf2.reshape(1, 28))

# --- scband reference (transcript-rebuilt; emitter-appended) ---
"""Pipeline reference for scband-gcnmodel-16733192585316 (READ-ONLY COPY).

The authoritative reference and input builder live on the scoring server;
editing this copy changes nothing except your own understanding.
"""

import jax, jax.numpy as jnp
import numpy as np

N = 100000
E = 1600000
B = 1024


def setup_inputs(seed: int = 0) -> dict:
    key = jax.random.key(seed)
    ks = jax.random.split(key, 12)
    x = jax.random.normal(ks[0], (N, 2), dtype=jnp.float32)
    edge_index = jax.random.randint(ks[1], (2, E), 0, N, dtype=jnp.int32)
    batch = jnp.sort(jax.random.randint(ks[2], (N,), 0, B, dtype=jnp.int32))
    # GCN layer params per default config [(2,64),(64,32)]
    Wg1 = jax.random.normal(ks[3], (2, 64), dtype=jnp.float32) * 0.1
    bg1 = jnp.zeros((64,), dtype=jnp.float32)
    Wg2 = jax.random.normal(ks[4], (64, 32), dtype=jnp.float32) * 0.1
    bg2 = jnp.zeros((32,), dtype=jnp.float32)
    # FC layer params per default config [(32,32),(32,28)]
    Wf1 = jax.random.normal(ks[5], (32, 32), dtype=jnp.float32) * 0.1
    bf1 = jnp.zeros((32,), dtype=jnp.float32)
    Wf2 = jax.random.normal(ks[6], (32, 28), dtype=jnp.float32) * 0.1
    bf2 = jnp.zeros((28,), dtype=jnp.float32)
    return {"x": x, "edge_index": edge_index, "batch": batch,
            "Wg1": Wg1, "bg1": bg1, "Wg2": Wg2, "bg2": bg2,
            "Wf1": Wf1, "bf1": bf1, "Wf2": Wf2, "bf2": bf2}


def gcn_conv(x, edge_index, W, b):
    # Faithful PyG GCNConv: add self-loops, symmetric normalization, linear, scatter-add, bias
    n = x.shape[0]
    loop = jnp.arange(n, dtype=edge_index.dtype)
    src = jnp.concatenate([edge_index[0], loop])
    dst = jnp.concatenate([edge_index[1], loop])
    ones = jnp.ones(src.shape[0], dtype=x.dtype)
    deg = jax.ops.segment_sum(ones, dst, num_segments=n)
    deg_inv_sqrt = jnp.where(deg > 0, 1.0 / jnp.sqrt(deg), 0.0)
    norm = deg_inv_sqrt[src] * deg_inv_sqrt[dst]
    h = x @ W
    msg = h[src] * norm[:, None]
    out = jax.ops.segment_sum(msg, dst, num_segments=n)
    return out + b


def reference(x, edge_index, batch, Wg1, bg1, Wg2, bg2, Wf1, bf1, Wf2, bf2):
    h = jax.nn.relu(gcn_conv(x, edge_index, Wg1, bg1))
    h = jax.nn.relu(gcn_conv(h, edge_index, Wg2, bg2))
    pooled = jax.ops.segment_max(h, batch, num_segments=B, indices_are_sorted=True)
    o = jax.nn.relu(pooled @ Wf1 + bf1)
    o = jax.nn.relu(o @ Wf2 + bf2)
    return o

if __name__ == "__main__":
    import jax
    _d = setup_inputs()
    print(jax.jit(kernel)(*tuple(_d.values())))

</pallas_src>

<mosaic_0001>
#map = affine_map<(d0, d1) -> (0, 0)>
module attributes {stable_mosaic.version = 14 : i64} {
  func.func @_deg_kernel(%arg0: i32, %arg1: i32, %arg2: memref<2x1600000xi32, #tpu.memory_space<hbm>>, %arg3: memref<2x100352xf32, #tpu.memory_space<hbm>>, %arg4: memref<2000xi32, #tpu.memory_space<vmem>>, %arg5: memref<2000xf32, #tpu.memory_space<vmem>>, %arg6: memref<6272xf32, #tpu.memory_space<vmem>>, %arg7: memref<100352xf32, #tpu.memory_space<vmem_shared>>) attributes {dimension_semantics = [#tpu.dimension_semantics<core_parallel>, #tpu.dimension_semantics<subcore_parallel>], iteration_bounds = array<i64: 2, 16>, scalar_prefetch = 0 : i64, scratch_operands = 4 : i64, tpu.core_type = #tpu.core_type<sc_vector_subcore>, window_params = [{transform_indices = #map}, {transform_indices = #map}]} {
    %broadcast_in_dim3A = arith.constant 0.000000e+00 : f32
    %broadcast_in_dim3A_0 = vector.broadcast %broadcast_in_dim3A : f32 to vector<16xf32>
    %scan3A = arith.constant 0 : i32
    %scan3A_1 = arith.constant 0 : i32
    %scan3A_2 = arith.constant 392 : i32
    %scan3A_3 = arith.addi %scan3A_1, %scan3A_2 : i32
    %scan3A_4 = arith.constant 1 : i32
    scf.for %scan3A_26 = %scan3A_1 to %scan3A_3 step %scan3A_4  : i32 {
      %mul3A_27 = arith.constant 16 : i32
      %mul3A_28 = arith.muli %scan3A_26, %mul3A_27 : i32
      %swap3A = arith.index_cast %mul3A_28 : i32 to index
      %swap3A_29 = tpu.vector_load %arg6[%swap3A] {strides = array<i32>} : memref<6272xf32, #tpu.memory_space<vmem>>, vector<16xf32>,
      %swap3A_30 = vector.shape_cast %swap3A_29 : vector<16xf32> to vector<16xf32>
      %swap3A_31 = vector.shape_cast %broadcast_in_dim3A_0 : vector<16xf32> to vector<16xf32>
      tpu.vector_store %arg6[%swap3A], %swap3A_31 {strides = array<i32>} : memref<6272xf32, #tpu.memory_space<vmem>>, vector<16xf32>,
    }
    %scan3A_5 = arith.constant 392 : i32
    %broadcast_in_dim3A_6 = arith.constant 1.000000e+00 : f32
    %broadcast_in_dim3A_7 = vector.broadcast %broadcast_in_dim3A_6 : f32 to vector<16xf32>
    %scan3A_8 = arith.constant 0 : i32
    %scan3A_9 = arith.constant 0 : i32
    %scan3A_10 = arith.constant 125 : i32
    %scan3A_11 = arith.addi %scan3A_9, %scan3A_10 : i32
    %scan3A_12 = arith.constant 1 : i32
    scf.for %scan3A_26 = %scan3A_9 to %scan3A_11 step %scan3A_12  : i32 {
      %mul3A_27 = arith.constant 16 : i32
      %mul3A_28 = arith.muli %scan3A_26, %mul3A_27 : i32
      %swap3A = arith.index_cast %mul3A_28 : i32 to index
      %swap3A_29 = tpu.vector_load %arg5[%swap3A] {strides = array<i32>} : memref<2000xf32, #tpu.memory_space<vmem>>, vector<16xf32>,
      %swap3A_30 = vector.shape_cast %swap3A_29 : vector<16xf32> to vector<16xf32>
      %swap3A_31 = vector.shape_cast %broadcast_in_dim3A_7 : vector<16xf32> to vector<16xf32>
      tpu.vector_store %arg5[%swap3A], %swap3A_31 {strides = array<i32>} : memref<2000xf32, #tpu.memory_space<vmem>>, vector<16xf32>,
    }
    %scan3A_13 = arith.constant 125 : i32
    %mul3A = arith.constant 6272 : i32
    %mul3A_14 = arith.muli %arg1, %mul3A : i32
    "tpu.region"() ({
      %run_scoped3A = tpu.sem_alloc : memref<!tpu.dma_semaphore, #tpu.memory_space<semaphore_mem>>
      %dma_start3A = tpu.memref_slice %arg7[%mul3A_14] : memref<100352xf32, #tpu.memory_space<vmem_shared>> -> memref<6272xf32, #tpu.memory_space<vmem_shared>>
      %dma_start3A_26 = tpu.memref_slice %arg7[%mul3A_14] : memref<100352xf32, #tpu.memory_space<vmem_shared>> -> memref<6272xf32, #tpu.memory_space<vmem_shared>>
      tpu.enqueue_dma source(%arg6 : memref<6272xf32, #tpu.memory_space<vmem>>) target(%dma_start3A_26 : memref<6272xf32, #tpu.memory_space<vmem_shared>>) target_semaphore(%run_scoped3A : memref<!tpu.dma_semaphore, #tpu.memory_space<semaphore_mem>>)
      %dma_wait3A = tpu.memref_slice %arg7[%mul3A_14] : memref<100352xf32, #tpu.memory_space<vmem_shared>> -> memref<6272xf32, #tpu.memory_space<vmem_shared>>
      %dma_wait3A_27 = tpu.memref_slice %arg7[%mul3A_14] : memref<100352xf32, #tpu.memory_space<vmem_shared>> -> memref<6272xf32, #tpu.memory_space<vmem_shared>>
      tpu.wait_dma2 semaphore(%run_scoped3A : memref<!tpu.dma_semaphore, #tpu.memory_space<semaphore_mem>>) src(%arg6 : memref<6272xf32, #tpu.memory_space<vmem>>) dst(%dma_wait3A_27 : memref<6272xf32, #tpu.memory_space<vmem_shared>>)
      tpu.yield
    }) : () -> ()
    %barrier3A = arith.constant 0 : index
    tpu.barrier barrier_id(%barrier3A)
    %mul3A_15 = arith.constant 16 : i32
    %mul3A_16 = arith.muli %arg0, %mul3A_15 : i32
    %add3A = arith.addi %mul3A_16, %arg1 : i32
    %mul3A_17 = arith.constant 50000 : i32
    %mul3A_18 = arith.muli %add3A, %mul3A_17 : i32
    %scan3A_19 = arith.constant 0 : i32
    %scan3A_20 = arith.constant 0 : i32
    %scan3A_21 = arith.constant 25 : i32
    %scan3A_22 = arith.addi %scan3A_20, %scan3A_21 : i32
    %scan3A_23 = arith.constant 1 : i32
    scf.for %scan3A_26 = %scan3A_20 to %scan3A_22 step %scan3A_23  : i32 {
      %mul3A_27 = arith.constant 2000 : i32
      %mul3A_28 = arith.muli %scan3A_26, %mul3A_27 : i32
      %add3A_29 = arith.addi %mul3A_18, %mul3A_28 : i32
      %run_scoped3A = arith.constant 1 : i32
      "tpu.region"() ({
        %run_scoped3A_30 = tpu.sem_alloc : memref<!tpu.dma_semaphore, #tpu.memory_space<semaphore_mem>>
        %dma_start3A = tpu.memref_slice %arg2[%run_scoped3A, %add3A_29] : memref<2x1600000xi32, #tpu.memory_space<hbm>> -> memref<1x2000xi32, #tpu.memory_space<hbm>>
        %dma_start3A_31 = tpu.memref_squeeze %dma_start3A : memref<1x2000xi32, #tpu.memory_space<hbm>> -> memref<2000xi32, #tpu.memory_space<hbm>>
        %dma_start3A_32 = tpu.memref_slice %arg2[%run_scoped3A, %add3A_29] : memref<2x1600000xi32, #tpu.memory_space<hbm>> -> memref<1x2000xi32, #tpu.memory_space<hbm>>
        %dma_start3A_33 = tpu.memref_squeeze %dma_start3A_32 : memref<1x2000xi32, #tpu.memory_space<hbm>> -> memref<2000xi32, #tpu.memory_space<hbm>>
        tpu.enqueue_dma source(%dma_start3A_33 : memref<2000xi32, #tpu.memory_space<hbm>>) target(%arg4 : memref<2000xi32, #tpu.memory_space<vmem>>) target_semaphore(%run_scoped3A_30 : memref<!tpu.dma_semaphore, #tpu.memory_space<semaphore_mem>>)
        %dma_wait3A = tpu.memref_slice %arg2[%run_scoped3A, %add3A_29] : memref<2x1600000xi32, #tpu.memory_space<hbm>> -> memref<1x2000xi32, #tpu.memory_space<hbm>>
        %dma_wait3A_34 = tpu.memref_squeeze %dma_wait3A : memref<1x2000xi32, #tpu.memory_space<hbm>> -> memref<2000xi32, #tpu.memory_space<hbm>>
        %dma_wait3A_35 = tpu.memref_slice %arg2[%run_scoped3A, %add3A_29] : memref<2x1600000xi32, #tpu.memory_space<hbm>> -> memref<1x2000xi32, #tpu.memory_space<hbm>>
        %dma_wait3A_36 = tpu.memref_squeeze %dma_wait3A_35 : memref<1x2000xi32, #tpu.memory_space<hbm>> -> memref<2000xi32, #tpu.memory_space<hbm>>
        tpu.wait_dma2 semaphore(%run_scoped3A_30 : memref<!tpu.dma_semaphore, #tpu.memory_space<semaphore_mem>>) src(%dma_wait3A_36 : memref<2000xi32, #tpu.memory_space<hbm>>) dst(%arg4 : memref<2000xi32, #tpu.memory_space<vmem>>)
        tpu.yield
      }) : () -> ()
      "tpu.region"() ({
        %run_scoped3A_30 = tpu.sem_alloc : memref<!tpu.dma_semaphore, #tpu.memory_space<semaphore_mem>>
        %dma_start3A = arith.constant 0 : i32
        %dma_start3A_31 = tpu.memref_slice %arg7[%dma_start3A] : memref<100352xf32, #tpu.memory_space<vmem_shared>> -> memref<100352xf32, #tpu.memory_space<vmem_shared>>
        tpu.enqueue_indirect_dma source(%arg5 : memref<2000xf32, #tpu.memory_space<vmem>>) target(%dma_start3A_31 : memref<100352xf32, #tpu.memory_space<vmem_shared>>) offsets(%arg4 : memref<2000xi32, #tpu.memory_space<vmem>>) semaphore(%run_scoped3A_30 : memref<!tpu.dma_semaphore, #tpu.memory_space<semaphore_mem>>) {add = true}
        %dma_wait3A = arith.constant 0 : i32
        %dma_wait3A_32 = tpu.memref_slice %arg7[%dma_wait3A] : memref<100352xf32, #tpu.memory_space<vmem_shared>> -> memref<100352xf32, #tpu.memory_space<vmem_shared>>
        tpu.wait_indirect_dma semaphore(%run_scoped3A_30 : memref<!tpu.dma_semaphore, #tpu.memory_space<semaphore_mem>>) src(%arg5 : memref<2000xf32, #tpu.memory_space<vmem>>) dst(%dma_wait3A_32 : memref<100352xf32, #tpu.memory_space<vmem_shared>>)
        tpu.yield
      }) : () -> ()
    }
    %scan3A_24 = arith.constant 25 : i32
    %barrier3A_25 = arith.constant 0 : index
    tpu.barrier barrier_id(%barrier3A_25)
    "tpu.region"() ({
      %run_scoped3A = tpu.sem_alloc : memref<!tpu.dma_semaphore, #tpu.memory_space<semaphore_mem>>
      %dma_start3A = tpu.memref_slice %arg3[%arg0, %mul3A_14] : memref<2x100352xf32, #tpu.memory_space<hbm>> -> memref<1x6272xf32, #tpu.memory_space<hbm>>
      %dma_start3A_26 = tpu.memref_squeeze %dma_start3A : memref<1x6272xf32, #tpu.memory_space<hbm>> -> memref<6272xf32, #tpu.memory_space<hbm>>
      %dma_start3A_27 = tpu.memref_slice %arg7[%mul3A_14] : memref<100352xf32, #tpu.memory_space<vmem_shared>> -> memref<6272xf32, #tpu.memory_space<vmem_shared>>
      tpu.enqueue_dma source(%dma_start3A_27 : memref<6272xf32, #tpu.memory_space<vmem_shared>>) target(%dma_start3A_26 : memref<6272xf32, #tpu.memory_space<hbm>>) target_semaphore(%run_scoped3A : memref<!tpu.dma_semaphore, #tpu.memory_space<semaphore_mem>>)
      %dma_wait3A = tpu.memref_slice %arg3[%arg0, %mul3A_14] : memref<2x100352xf32, #tpu.memory_space<hbm>> -> memref<1x6272xf32, #tpu.memory_space<hbm>>
      %dma_wait3A_28 = tpu.memref_squeeze %dma_wait3A : memref<1x6272xf32, #tpu.memory_space<hbm>> -> memref<6272xf32, #tpu.memory_space<hbm>>
      %dma_wait3A_29 = tpu.memref_slice %arg7[%mul3A_14] : memref<100352xf32, #tpu.memory_space<vmem_shared>> -> memref<6272xf32, #tpu.memory_space<vmem_shared>>
      tpu.wait_dma2 semaphore(%run_scoped3A : memref<!tpu.dma_semaphore, #tpu.memory_space<semaphore_mem>>) src(%dma_wait3A_29 : memref<6272xf32, #tpu.memory_space<vmem_shared>>) dst(%dma_wait3A_28 : memref<6272xf32, #tpu.memory_space<hbm>>)
      tpu.yield
    }) : () -> ()
    return
  }
}

#map = affine_map<(d0, d1) -> (0, 0)>
#map1 = affine_map<(d0, d1) -> (0)>
module attributes {stable_mosaic.version = 14 : i64} {
  func.func @_l1_kernel(%arg0: i32, %arg1: i32, %arg2: memref<2x1600000xi32, #tpu.memory_space<hbm>>, %arg3: memref<200704xf32, #tpu.memory_space<hbm>>, %arg4: memref<2x200704xf32, #tpu.memory_space<hbm>>, %arg5: memref<2000xi32, #tpu.memory_space<vmem>>, %arg6: memref<2000xi32, #tpu.memory_space<vmem>>, %arg7: memref<2000xi32, #tpu.memory_space<vmem>>, %arg8: memref<2000xf32, #tpu.memory_space<vmem>>, %arg9: memref<12544xf32, #tpu.memory_space<vmem>>, %arg10: memref<200704xf32, #tpu.memory_space<vmem_shared>>) attributes {dimension_semantics = [#tpu.dimension_semantics<core_parallel>, #tpu.dimension_semantics<subcore_parallel>], iteration_bounds = array<i64: 2, 16>, scalar_prefetch = 0 : i64, scratch_operands = 6 : i64, tpu.core_type = #tpu.core_type<sc_vector_subcore>, window_params = [{transform_indices = #map}, {transform_indices = #map1}, {transform_indices = #map}]} {
    %broadcast_in_dim3A = arith.constant 0.000000e+00 : f32
    %broadcast_in_dim3A_0 = vector.broadcast %broadcast_in_dim3A : f32 to vector<16xf32>
    %scan3A = arith.constant 0 : i32
    %scan3A_1 = arith.constant 0 : i32
    %scan3A_2 = arith.constant 784 : i32
    %scan3A_3 = arith.addi %scan3A_1, %scan3A_2 : i32
    %scan3A_4 = arith.constant 1 : i32
    scf.for %scan3A_20 = %scan3A_1 to %scan3A_3 step %scan3A_4  : i32 {
      %mul3A_21 = arith.constant 16 : i32
      %mul3A_22 = arith.muli %scan3A_20, %mul3A_21 : i32
      %swap3A = arith.index_cast %mul3A_22 : i32 to index
      %swap3A_23 = tpu.vector_load %arg9[%swap3A] {strides = array<i32>} : memref<12544xf32, #tpu.memory_space<vmem>>, vector<16xf32>,
      %swap3A_24 = vector.shape_cast %swap3A_23 : vector<16xf32> to vector<16xf32>
      %swap3A_25 = vector.shape_cast %broadcast_in_dim3A_0 : vector<16xf32> to vector<16xf32>
      tpu.vector_store %arg9[%swap3A], %swap3A_25 {strides = array<i32>} : memref<12544xf32, #tpu.memory_space<vmem>>, vector<16xf32>,
    }
    %scan3A_5 = arith.constant 784 : i32
    %mul3A = arith.constant 2 : i32
    %mul3A_6 = arith.muli %arg1, %mul3A : i32
    %mul3A_7 = arith.constant 6272 : i32
    %mul3A_8 = arith.muli %mul3A_6, %mul3A_7 : i32
    "tpu.region"() ({
      %run_scoped3A = tpu.sem_alloc : memref<!tpu.dma_semaphore, #tpu.memory_space<semaphore_mem>>
      %dma_start3A = tpu.memref_slice %arg10[%mul3A_8] : memref<200704xf32, #tpu.memory_space<vmem_shared>> -> memref<12544xf32, #tpu.memory_space<vmem_shared>>
      %dma_start3A_20 = tpu.memref_slice %arg10[%mul3A_8] : memref<200704xf32, #tpu.memory_space<vmem_shared>> -> memref<12544xf32, #tpu.memory_space<vmem_shared>>
      tpu.enqueue_dma source(%arg9 : memref<12544xf32, #tpu.memory_space<vmem>>) target(%dma_start3A_20 : memref<12544xf32, #tpu.memory_space<vmem_shared>>) target_semaphore(%run_scoped3A : memref<!tpu.dma_semaphore, #tpu.memory_space<semaphore_mem>>)
      %dma_wait3A = tpu.memref_slice %arg10[%mul3A_8] : memref<200704xf32, #tpu.memory_space<vmem_shared>> -> memref<12544xf32, #tpu.memory_space<vmem_shared>>
      %dma_wait3A_21 = tpu.memref_slice %arg10[%mul3A_8] : memref<200704xf32, #tpu.memory_space<vmem_shared>> -> memref<12544xf32, #tpu.memory_space<vmem_shared>>
      tpu.wait_dma2 semaphore(%run_scoped3A : memref<!tpu.dma_semaphore, #tpu.memory_space<semaphore_mem>>) src(%arg9 : memref<12544xf32, #tpu.memory_space<vmem>>) dst(%dma_wait3A_21 : memref<12544xf32, #tpu.memory_space<vmem_shared>>)
      tpu.yield
    }) : () -> ()
    %barrier3A = arith.constant 0 : index
    tpu.barrier barrier_id(%barrier3A)
    %mul3A_9 = arith.constant 16 : i32
    %mul3A_10 = arith.muli %arg0, %mul3A_9 : i32
    %add3A = arith.addi %mul3A_10, %arg1 : i32
    %mul3A_11 = arith.constant 50000 : i32
    %mul3A_12 = arith.muli %add3A, %mul3A_11 : i32
    %scan3A_13 = arith.constant 0 : i32
    %scan3A_14 = arith.constant 0 : i32
    %scan3A_15 = arith.constant 25 : i32
    %scan3A_16 = arith.addi %scan3A_14, %scan3A_15 : i32
    %scan3A_17 = arith.constant 1 : i32
    scf.for %scan3A_20 = %scan3A_14 to %scan3A_16 step %scan3A_17  : i32 {
      %mul3A_21 = arith.constant 2000 : i32
      %mul3A_22 = arith.muli %scan3A_20, %mul3A_21 : i32
      %add3A_23 = arith.addi %mul3A_12, %mul3A_22 : i32
      %run_scoped3A = arith.constant 0 : i32
      "tpu.region"() ({
        %run_scoped3A_49 = tpu.sem_alloc : memref<!tpu.dma_semaphore, #tpu.memory_space<semaphore_mem>>
        %dma_start3A = tpu.memref_slice %arg2[%run_scoped3A, %add3A_23] : memref<2x1600000xi32, #tpu.memory_space<hbm>> -> memref<1x2000xi32, #tpu.memory_space<hbm>>
        %dma_start3A_50 = tpu.memref_squeeze %dma_start3A : memref<1x2000xi32, #tpu.memory_space<hbm>> -> memref<2000xi32, #tpu.memory_space<hbm>>
        %dma_start3A_51 = tpu.memref_slice %arg2[%run_scoped3A, %add3A_23] : memref<2x1600000xi32, #tpu.memory_space<hbm>> -> memref<1x2000xi32, #tpu.memory_space<hbm>>
        %dma_start3A_52 = tpu.memref_squeeze %dma_start3A_51 : memref<1x2000xi32, #tpu.memory_space<hbm>> -> memref<2000xi32, #tpu.memory_space<hbm>>
        tpu.enqueue_dma source(%dma_start3A_52 : memref<2000xi32, #tpu.memory_space<hbm>>) target(%arg5 : memref<2000xi32, #tpu.memory_space<vmem>>) target_semaphore(%run_scoped3A_49 : memref<!tpu.dma_semaphore, #tpu.memory_space<semaphore_mem>>)
        %dma_wait3A = tpu.memref_slice %arg2[%run_scoped3A, %add3A_23] : memref<2x1600000xi32, #tpu.memory_space<hbm>> -> memref<1x2000xi32, #tpu.memory_space<hbm>>
        %dma_wait3A_53 = tpu.memref_squeeze %dma_wait3A : memref<1x2000xi32, #tpu.memory_space<hbm>> -> memref<2000xi32, #tpu.memory_space<hbm>>
        %dma_wait3A_54 = tpu.memref_slice %arg2[%run_scoped3A, %add3A_23] : memref<2x1600000xi32, #tpu.memory_space<hbm>> -> memref<1x2000xi32, #tpu.memory_space<hbm>>
        %dma_wait3A_55 = tpu.memref_squeeze %dma_wait3A_54 : memref<1x2000xi32, #tpu.memory_space<hbm>> -> memref<2000xi32, #tpu.memory_space<hbm>>
        tpu.wait_dma2 semaphore(%run_scoped3A_49 : memref<!tpu.dma_semaphore, #tpu.memory_space<semaphore_mem>>) src(%dma_wait3A_55 : memref<2000xi32, #tpu.memory_space<hbm>>) dst(%arg5 : memref<2000xi32, #tpu.memory_space<vmem>>)
        tpu.yield
      }) : () -> ()
      %run_scoped3A_24 = arith.constant 1 : i32
      "tpu.region"() ({
        %run_scoped3A_49 = tpu.sem_alloc : memref<!tpu.dma_semaphore, #tpu.memory_space<semaphore_mem>>
        %dma_start3A = tpu.memref_slice %arg2[%run_scoped3A_24, %add3A_23] : memref<2x1600000xi32, #tpu.memory_space<hbm>> -> memref<1x2000xi32, #tpu.memory_space<hbm>>
        %dma_start3A_50 = tpu.memref_squeeze %dma_start3A : memref<1x2000xi32, #tpu.memory_space<hbm>> -> memref<2000xi32, #tpu.memory_space<hbm>>
        %dma_start3A_51 = tpu.memref_slice %arg2[%run_scoped3A_24, %add3A_23] : memref<2x1600000xi32, #tpu.memory_space<hbm>> -> memref<1x2000xi32, #tpu.memory_space<hbm>>
        %dma_start3A_52 = tpu.memref_squeeze %dma_start3A_51 : memref<1x2000xi32, #tpu.memory_space<hbm>> -> memref<2000xi32, #tpu.memory_space<hbm>>
        tpu.enqueue_dma source(%dma_start3A_52 : memref<2000xi32, #tpu.memory_space<hbm>>) target(%arg6 : memref<2000xi32, #tpu.memory_space<vmem>>) target_semaphore(%run_scoped3A_49 : memref<!tpu.dma_semaphore, #tpu.memory_space<semaphore_mem>>)
        %dma_wait3A = tpu.memref_slice %arg2[%run_scoped3A_24, %add3A_23] : memref<2x1600000xi32, #tpu.memory_space<hbm>> -> memref<1x2000xi32, #tpu.memory_space<hbm>>
        %dma_wait3A_53 = tpu.memref_squeeze %dma_wait3A : memref<1x2000xi32, #tpu.memory_space<hbm>> -> memref<2000xi32, #tpu.memory_space<hbm>>
        %dma_wait3A_54 = tpu.memref_slice %arg2[%run_scoped3A_24, %add3A_23] : memref<2x1600000xi32, #tpu.memory_space<hbm>> -> memref<1x2000xi32, #tpu.memory_space<hbm>>
        %dma_wait3A_55 = tpu.memref_squeeze %dma_wait3A_54 : memref<1x2000xi32, #tpu.memory_space<hbm>> -> memref<2000xi32, #tpu.memory_space<hbm>>
        tpu.wait_dma2 semaphore(%run_scoped3A_49 : memref<!tpu.dma_semaphore, #tpu.memory_space<semaphore_mem>>) src(%dma_wait3A_55 : memref<2000xi32, #tpu.memory_space<hbm>>) dst(%arg6 : memref<2000xi32, #tpu.memory_space<vmem>>)
        tpu.yield
      }) : () -> ()
      %scan3A_25 = arith.constant 0 : i32
      %scan3A_26 = arith.constant 0 : i32
      %scan3A_27 = arith.constant 125 : i32
      %scan3A_28 = arith.addi %scan3A_26, %scan3A_27 : i32
      %scan3A_29 = arith.constant 1 : i32
      scf.for %scan3A_49 = %scan3A_26 to %scan3A_28 step %scan3A_29  : i32 {
        %mul3A_50 = arith.constant 16 : i32
        %mul3A_51 = arith.muli %scan3A_49, %mul3A_50 : i32
        %get3A = arith.index_cast %mul3A_51 : i32 to index
        %get3A_52 = tpu.vector_load %arg5[%get3A] {strides = array<i32>} : memref<2000xi32, #tpu.memory_space<vmem>>, vector<16xi32>,
        %get3A_53 = vector.shape_cast %get3A_52 : vector<16xi32> to vector<16xi32>
        %add3A_54 = arith.constant 0 : i32
        %add3A_55 = vector.broadcast %add3A_54 : i32 to vector<16xi32>
        %add3A_56 = arith.addi %get3A_53, %add3A_55 : vector<16xi32>
        %mul3A_57 = arith.constant 16 : i32
        %mul3A_58 = arith.muli %scan3A_49, %mul3A_57 : i32
        %swap3A = arith.index_cast %mul3A_58 : i32 to index
        %swap3A_59 = tpu.vector_load %arg7[%swap3A] {strides = array<i32>} : memref<2000xi32, #tpu.memory_space<vmem>>, vector<16xi32>,
        %swap3A_60 = vector.shape_cast %swap3A_59 : vector<16xi32> to vector<16xi32>
        %swap3A_61 = vector.shape_cast %add3A_56 : vector<16xi32> to vector<16xi32>
        tpu.vector_store %arg7[%swap3A], %swap3A_61 {strides = array<i32>} : memref<2000xi32, #tpu.memory_space<vmem>>, vector<16xi32>,
      }
      %scan3A_30 = arith.constant 125 : i32
      "tpu.region"() ({
        %run_scoped3A_49 = tpu.sem_alloc : memref<!tpu.dma_semaphore, #tpu.memory_space<semaphore_mem>>
        %dma_start3A = arith.constant 0 : i32
        %dma_start3A_50 = tpu.memref_slice %arg3[%dma_start3A] : memref<200704xf32, #tpu.memory_space<hbm>> -> memref<200704xf32, #tpu.memory_space<hbm>>
        tpu.enqueue_indirect_dma source(%dma_start3A_50 : memref<200704xf32, #tpu.memory_space<hbm>>) target(%arg8 : memref<2000xf32, #tpu.memory_space<vmem>>) offsets(%arg7 : memref<2000xi32, #tpu.memory_space<vmem>>) semaphore(%run_scoped3A_49 : memref<!tpu.dma_semaphore, #tpu.memory_space<semaphore_mem>>)
        %dma_wait3A = arith.constant 0 : i32
        %dma_wait3A_51 = tpu.memref_slice %arg3[%dma_wait3A] : memref<200704xf32, #tpu.memory_space<hbm>> -> memref<200704xf32, #tpu.memory_space<hbm>>
        tpu.wait_indirect_dma semaphore(%run_scoped3A_49 : memref<!tpu.dma_semaphore, #tpu.memory_space<semaphore_mem>>) src(%dma_wait3A_51 : memref<200704xf32, #tpu.memory_space<hbm>>) dst(%arg8 : memref<2000xf32, #tpu.memory_space<vmem>>)
        tpu.yield
      }) : () -> ()
      %scan3A_31 = arith.constant 0 : i32
      %scan3A_32 = arith.constant 0 : i32
      %scan3A_33 = arith.constant 125 : i32
      %scan3A_34 = arith.addi %scan3A_32, %scan3A_33 : i32
      %scan3A_35 = arith.constant 1 : i32
      scf.for %scan3A_49 = %scan3A_32 to %scan3A_34 step %scan3A_35  : i32 {
        %mul3A_50 = arith.constant 16 : i32
        %mul3A_51 = arith.muli %scan3A_49, %mul3A_50 : i32
        %get3A = arith.index_cast %mul3A_51 : i32 to index
        %get3A_52 = tpu.vector_load %arg6[%get3A] {strides = array<i32>} : memref<2000xi32, #tpu.memory_space<vmem>>, vector<16xi32>,
        %get3A_53 = vector.shape_cast %get3A_52 : vector<16xi32> to vector<16xi32>
        %add3A_54 = arith.constant 0 : i32
        %add3A_55 = vector.broadcast %add3A_54 : i32 to vector<16xi32>
        %add3A_56 = arith.addi %get3A_53, %add3A_55 : vector<16xi32>
        %mul3A_57 = arith.constant 16 : i32
        %mul3A_58 = arith.muli %scan3A_49, %mul3A_57 : i32
        %swap3A = arith.index_cast %mul3A_58 : i32 to index
        %swap3A_59 = tpu.vector_load %arg7[%swap3A] {strides = array<i32>} : memref<2000xi32, #tpu.memory_space<vmem>>, vector<16xi32>,
        %swap3A_60 = vector.shape_cast %swap3A_59 : vector<16xi32> to vector<16xi32>
        %swap3A_61 = vector.shape_cast %add3A_56 : vector<16xi32> to vector<16xi32>
        tpu.vector_store %arg7[%swap3A], %swap3A_61 {strides = array<i32>} : memref<2000xi32, #tpu.memory_space<vmem>>, vector<16xi32>,
      }
      %scan3A_36 = arith.constant 125 : i32
      "tpu.region"() ({
        %run_scoped3A_49 = tpu.sem_alloc : memref<!tpu.dma_semaphore, #tpu.memory_space<semaphore_mem>>
        %dma_start3A = arith.constant 0 : i32
        %dma_start3A_50 = tpu.memref_slice %arg10[%dma_start3A] : memref<200704xf32, #tpu.memory_space<vmem_shared>> -> memref<200704xf32, #tpu.memory_space<vmem_shared>>
        tpu.enqueue_indirect_dma source(%arg8 : memref<2000xf32, #tpu.memory_space<vmem>>) target(%dma_start3A_50 : memref<200704xf32, #tpu.memory_space<vmem_shared>>) offsets(%arg7 : memref<2000xi32, #tpu.memory_space<vmem>>) semaphore(%run_scoped3A_49 : memref<!tpu.dma_semaphore, #tpu.memory_space<semaphore_mem>>) {add = true}
        %dma_wait3A = arith.constant 0 : i32
        %dma_wait3A_51 = tpu.memref_slice %arg10[%dma_wait3A] : memref<200704xf32, #tpu.memory_space<vmem_shared>> -> memref<200704xf32, #tpu.memory_space<vmem_shared>>
        tpu.wait_indirect_dma semaphore(%run_scoped3A_49 : memref<!tpu.dma_semaphore, #tpu.memory_space<semaphore_mem>>) src(%arg8 : memref<2000xf32, #tpu.memory_space<vmem>>) dst(%dma_wait3A_51 : memref<200704xf32, #tpu.memory_space<vmem_shared>>)
        tpu.yield
      }) : () -> ()
      %scan3A_37 = arith.constant 0 : i32
      %scan3A_38 = arith.constant 0 : i32
      %scan3A_39 = arith.constant 125 : i32
      %scan3A_40 = arith.addi %scan3A_38, %scan3A_39 : i32
      %scan3A_41 = arith.constant 1 : i32
      scf.for %scan3A_49 = %scan3A_38 to %scan3A_40 step %scan3A_41  : i32 {
        %mul3A_50 = arith.constant 16 : i32
        %mul3A_51 = arith.muli %scan3A_49, %mul3A_50 : i32
        %get3A = arith.index_cast %mul3A_51 : i32 to index
        %get3A_52 = tpu.vector_load %arg5[%get3A] {strides = array<i32>} : memref<2000xi32, #tpu.memory_space<vmem>>, vector<16xi32>,
        %get3A_53 = vector.shape_cast %get3A_52 : vector<16xi32> to vector<16xi32>
        %add3A_54 = arith.constant 100352 : i32
        %add3A_55 = vector.broadcast %add3A_54 : i32 to vector<16xi32>
        %add3A_56 = arith.addi %get3A_53, %add3A_55 : vector<16xi32>
        %mul3A_57 = arith.constant 16 : i32
        %mul3A_58 = arith.muli %scan3A_49, %mul3A_57 : i32
        %swap3A = arith.index_cast %mul3A_58 : i32 to index
        %swap3A_59 = tpu.vector_load %arg7[%swap3A] {strides = array<i32>} : memref<2000xi32, #tpu.memory_space<vmem>>, vector<16xi32>,
        %swap3A_60 = vector.shape_cast %swap3A_59 : vector<16xi32> to vector<16xi32>
        %swap3A_61 = vector.shape_cast %add3A_56 : vector<16xi32> to vector<16xi32>
        tpu.vector_store %arg7[%swap3A], %swap3A_61 {strides = array<i32>} : memref<2000xi32, #tpu.memory_space<vmem>>, vector<16xi32>,
      }
      %scan3A_42 = arith.constant 125 : i32
      "tpu.region"() ({
        %run_scoped3A_49 = tpu.sem_alloc : memref<!tpu.dma_semaphore, #tpu.memory_space<semaphore_mem>>
        %dma_start3A = arith.constant 0 : i32
        %dma_start3A_50 = tpu.memref_slice %arg3[%dma_start3A] : memref<200704xf32, #tpu.memory_space<hbm>> -> memref<200704xf32, #tpu.memory_space<hbm>>
        tpu.enqueue_indirect_dma source(%dma_start3A_50 : memref<200704xf32, #tpu.memory_space<hbm>>) target(%arg8 : memref<2000xf32, #tpu.memory_space<vmem>>) offsets(%arg7 : memref<2000xi32, #tpu.memory_space<vmem>>) semaphore(%run_scoped3A_49 : memref<!tpu.dma_semaphore, #tpu.memory_space<semaphore_mem>>)
        %dma_wait3A = arith.constant 0 : i32
        %dma_wait3A_51 = tpu.memref_slice %arg3[%dma_wait3A] : memref<200704xf32, #tpu.memory_space<hbm>> -> memref<200704xf32, #tpu.memory_space<hbm>>
        tpu.wait_indirect_dma semaphore(%run_scoped3A_49 : memref<!tpu.dma_semaphore, #tpu.memory_space<semaphore_mem>>) src(%dma_wait3A_51 : memref<200704xf32, #tpu.memory_space<hbm>>) dst(%arg8 : memref<2000xf32, #tpu.memory_space<vmem>>)
        tpu.yield
      }) : () -> ()
      %scan3A_43 = arith.constant 0 : i32
      %scan3A_44 = arith.constant 0 : i32
      %scan3A_45 = arith.constant 125 : i32
      %scan3A_46 = arith.addi %scan3A_44, %scan3A_45 : i32
      %scan3A_47 = arith.constant 1 : i32
      scf.for %scan3A_49 = %scan3A_44 to %scan3A_46 step %scan3A_47  : i32 {
        %mul3A_50 = arith.constant 16 : i32
        %mul3A_51 = arith.muli %scan3A_49, %mul3A_50 : i32
        %get3A = arith.index_cast %mul3A_51 : i32 to index
        %get3A_52 = tpu.vector_load %arg6[%get3A] {strides = array<i32>} : memref<2000xi32, #tpu.memory_space<vmem>>, vector<16xi32>,
        %get3A_53 = vector.shape_cast %get3A_52 : vector<16xi32> to vector<16xi32>
        %add3A_54 = arith.constant 100352 : i32
        %add3A_55 = vector.broadcast %add3A_54 : i32 to vector<16xi32>
        %add3A_56 = arith.addi %get3A_53, %add3A_55 : vector<16xi32>
        %mul3A_57 = arith.constant 16 : i32
        %mul3A_58 = arith.muli %scan3A_49, %mul3A_57 : i32
        %swap3A = arith.index_cast %mul3A_58 : i32 to index
        %swap3A_59 = tpu.vector_load %arg7[%swap3A] {strides = array<i32>} : memref<2000xi32, #tpu.memory_space<vmem>>, vector<16xi32>,
        %swap3A_60 = vector.shape_cast %swap3A_59 : vector<16xi32> to vector<16xi32>
        %swap3A_61 = vector.shape_cast %add3A_56 : vector<16xi32> to vector<16xi32>
        tpu.vector_store %arg7[%swap3A], %swap3A_61 {strides = array<i32>} : memref<2000xi32, #tpu.memory_space<vmem>>, vector<16xi32>,
      }
      %scan3A_48 = arith.constant 125 : i32
      "tpu.region"() ({
        %run_scoped3A_49 = tpu.sem_alloc : memref<!tpu.dma_semaphore, #tpu.memory_space<semaphore_mem>>
        %dma_start3A = arith.constant 0 : i32
        %dma_start3A_50 = tpu.memref_slice %arg10[%dma_start3A] : memref<200704xf32, #tpu.memory_space<vmem_shared>> -> memref<200704xf32, #tpu.memory_space<vmem_shared>>
        tpu.enqueue_indirect_dma source(%arg8 : memref<2000xf32, #tpu.memory_space<vmem>>) target(%dma_start3A_50 : memref<200704xf32, #tpu.memory_space<vmem_shared>>) offsets(%arg7 : memref<2000xi32, #tpu.memory_space<vmem>>) semaphore(%run_scoped3A_49 : memref<!tpu.dma_semaphore, #tpu.memory_space<semaphore_mem>>) {add = true}
        %dma_wait3A = arith.constant 0 : i32
        %dma_wait3A_51 = tpu.memref_slice %arg10[%dma_wait3A] : memref<200704xf32, #tpu.memory_space<vmem_shared>> -> memref<200704xf32, #tpu.memory_space<vmem_shared>>
        tpu.wait_indirect_dma semaphore(%run_scoped3A_49 : memref<!tpu.dma_semaphore, #tpu.memory_space<semaphore_mem>>) src(%arg8 : memref<2000xf32, #tpu.memory_space<vmem>>) dst(%dma_wait3A_51 : memref<200704xf32, #tpu.memory_space<vmem_shared>>)
        tpu.yield
      }) : () -> ()
    }
    %scan3A_18 = arith.constant 25 : i32
    %barrier3A_19 = arith.constant 0 : index
    tpu.barrier barrier_id(%barrier3A_19)
    "tpu.region"() ({
      %run_scoped3A = tpu.sem_alloc : memref<!tpu.dma_semaphore, #tpu.memory_space<semaphore_mem>>
      %dma_start3A = tpu.memref_slice %arg4[%arg0, %mul3A_8] : memref<2x200704xf32, #tpu.memory_space<hbm>> -> memref<1x12544xf32, #tpu.memory_space<hbm>>
      %dma_start3A_20 = tpu.memref_squeeze %dma_start3A : memref<1x12544xf32, #tpu.memory_space<hbm>> -> memref<12544xf32, #tpu.memory_space<hbm>>
      %dma_start3A_21 = tpu.memref_slice %arg10[%mul3A_8] : memref<200704xf32, #tpu.memory_space<vmem_shared>> -> memref<12544xf32, #tpu.memory_space<vmem_shared>>
      tpu.enqueue_dma source(%dma_start3A_21 : memref<12544xf32, #tpu.memory_space<vmem_shared>>) target(%dma_start3A_20 : memref<12544xf32, #tpu.memory_space<hbm>>) target_semaphore(%run_scoped3A : memref<!tpu.dma_semaphore, #tpu.memory_space<semaphore_mem>>)
      %dma_wait3A = tpu.memref_slice %arg4[%arg0, %mul3A_8] : memref<2x200704xf32, #tpu.memory_space<hbm>> -> memref<1x12544xf32, #tpu.memory_space<hbm>>
      %dma_wait3A_22 = tpu.memref_squeeze %dma_wait3A : memref<1x12544xf32, #tpu.memory_space<hbm>> -> memref<12544xf32, #tpu.memory_space<hbm>>
      %dma_wait3A_23 = tpu.memref_slice %arg10[%mul3A_8] : memref<200704xf32, #tpu.memory_space<vmem_shared>> -> memref<12544xf32, #tpu.memory_space<vmem_shared>>
      tpu.wait_dma2 semaphore(%run_scoped3A : memref<!tpu.dma_semaphore, #tpu.memory_space<semaphore_mem>>) src(%dma_wait3A_23 : memref<12544xf32, #tpu.memory_space<vmem_shared>>) dst(%dma_wait3A_22 : memref<12544xf32, #tpu.memory_space<hbm>>)
      tpu.yield
    }) : () -> ()
    return
  }
}

#map = affine_map<(d0, d1) -> (0, 0)>
#map1 = affine_map<(d0, d1) -> (0, 0, 0)>
module attributes {stable_mosaic.version = 14 : i64} {
  func.func @_l2_kernel(%arg0: i32, %arg1: i32, %arg2: memref<2x1600000xi32, #tpu.memory_space<hbm>>, %arg3: memref<200704x16xf32, #tpu.memory_space<hbm>>, %arg4: memref<6272x16xf32, #tpu.memory_space<hbm>>, %arg5: memref<2x100352x16xf32, #tpu.memory_space<hbm>>, %arg6: memref<2x800xi32, #tpu.memory_space<vmem>>, %arg7: memref<2x800xi32, #tpu.memory_space<vmem>>, %arg8: memref<2x800xi32, #tpu.memory_space<vmem>>, %arg9: memref<2x800x16xf32, #tpu.memory_space<vmem>>, %arg10: memref<100352x16xf32, #tpu.memory_space<vmem_shared>>, %arg11: memref<!tpu.dma_semaphore, #tpu.memory_space<semaphore_mem>>, %arg12: memref<!tpu.dma_semaphore, #tpu.memory_space<semaphore_mem>>) attributes {dimension_semantics = [#tpu.dimension_semantics<core_parallel>, #tpu.dimension_semantics<subcore_parallel>], iteration_bounds = array<i64: 2, 16>, scalar_prefetch = 0 : i64, scratch_operands = 7 : i64, tpu.core_type = #tpu.core_type<sc_vector_subcore>, window_params = [{transform_indices = #map}, {transform_indices = #map}, {transform_indices = #map}, {transform_indices = #map1}]} {
    %mul3A = arith.constant 6272 : i32
    %mul3A_0 = arith.muli %arg1, %mul3A : i32
    "tpu.region"() ({
      %run_scoped3A = tpu.sem_alloc : memref<!tpu.dma_semaphore, #tpu.memory_space<semaphore_mem>>
      %dma_start3A_33 = arith.constant 0 : i32
      %dma_start3A_34 = tpu.memref_slice %arg10[%mul3A_0, %dma_start3A_33] : memref<100352x16xf32, #tpu.memory_space<vmem_shared>> -> memref<6272x16xf32, #tpu.memory_space<vmem_shared>>
      tpu.enqueue_dma source(%arg4 : memref<6272x16xf32, #tpu.memory_space<hbm>>) target(%dma_start3A_34 : memref<6272x16xf32, #tpu.memory_space<vmem_shared>>) target_semaphore(%run_scoped3A : memref<!tpu.dma_semaphore, #tpu.memory_space<semaphore_mem>>)
      %dma_wait3A = arith.constant 0 : i32
      %dma_wait3A_35 = tpu.memref_slice %arg10[%mul3A_0, %dma_wait3A] : memref<100352x16xf32, #tpu.memory_space<vmem_shared>> -> memref<6272x16xf32, #tpu.memory_space<vmem_shared>>
      tpu.wait_dma2 semaphore(%run_scoped3A : memref<!tpu.dma_semaphore, #tpu.memory_space<semaphore_mem>>) src(%arg4 : memref<6272x16xf32, #tpu.memory_space<hbm>>) dst(%dma_wait3A_35 : memref<6272x16xf32, #tpu.memory_space<vmem_shared>>)
      tpu.yield
    }) : () -> ()
    %barrier3A = arith.constant 0 : index
    tpu.barrier barrier_id(%barrier3A)
    %mul3A_1 = arith.constant 100000 : i32
    %mul3A_2 = arith.muli %arg1, %mul3A_1 : i32
    %add3A = arith.constant 0 : i32
    %add3A_3 = arith.addi %mul3A_2, %add3A : i32
    %dma_start3A = arith.constant 0 : i32
    %dma_start3A_4 = arith.constant 0 : i32
    %dma_start3A_5 = arith.constant 0 : i32
    %dma_start3A_6 = tpu.memref_slice %arg6[%dma_start3A_4, %dma_start3A_5] : memref<2x800xi32, #tpu.memory_space<vmem>> -> memref<1x800xi32, #tpu.memory_space<vmem>>
    %dma_start3A_7 = tpu.memref_squeeze %dma_start3A_6 : memref<1x800xi32, #tpu.memory_space<vmem>> -> memref<800xi32, #tpu.memory_space<vmem>>
    %dma_start3A_8 = tpu.memref_slice %arg2[%dma_start3A, %add3A_3] : memref<2x1600000xi32, #tpu.memory_space<hbm>> -> memref<1x800xi32, #tpu.memory_space<hbm>>
    %dma_start3A_9 = tpu.memref_squeeze %dma_start3A_8 : memref<1x800xi32, #tpu.memory_space<hbm>> -> memref<800xi32, #tpu.memory_space<hbm>>
    %dma_start3A_10 = arith.constant 0 : i32
    %dma_start3A_11 = tpu.memref_slice %arg6[%dma_start3A_4, %dma_start3A_10] : memref<2x800xi32, #tpu.memory_space<vmem>> -> memref<1x800xi32, #tpu.memory_space<vmem>>
    %dma_start3A_12 = tpu.memref_squeeze %dma_start3A_11 : memref<1x800xi32, #tpu.memory_space<vmem>> -> memref<800xi32, #tpu.memory_space<vmem>>
    %dma_start3A_13 = tpu.memref_slice %arg2[%dma_start3A, %add3A_3] : memref<2x1600000xi32, #tpu.memory_space<hbm>> -> memref<1x800xi32, #tpu.memory_space<hbm>>
    %dma_start3A_14 = tpu.memref_squeeze %dma_start3A_13 : memref<1x800xi32, #tpu.memory_space<hbm>> -> memref<800xi32, #tpu.memory_space<hbm>>
    tpu.enqueue_dma source(%dma_start3A_14 : memref<800xi32, #tpu.memory_space<hbm>>) target(%dma_start3A_12 : memref<800xi32, #tpu.memory_space<vmem>>) target_semaphore(%arg11 : memref<!tpu.dma_semaphore, #tpu.memory_space<semaphore_mem>>)
    %dma_start3A_15 = arith.constant 1 : i32
    %dma_start3A_16 = arith.constant 0 : i32
    %dma_start3A_17 = arith.constant 0 : i32
    %dma_start3A_18 = tpu.memref_slice %arg8[%dma_start3A_16, %dma_start3A_17] : memref<2x800xi32, #tpu.memory_space<vmem>> -> memref<1x800xi32, #tpu.memory_space<vmem>>
    %dma_start3A_19 = tpu.memref_squeeze %dma_start3A_18 : memref<1x800xi32, #tpu.memory_space<vmem>> -> memref<800xi32, #tpu.memory_space<vmem>>
    %dma_start3A_20 = tpu.memref_slice %arg2[%dma_start3A_15, %add3A_3] : memref<2x1600000xi32, #tpu.memory_space<hbm>> -> memref<1x800xi32, #tpu.memory_space<hbm>>
    %dma_start3A_21 = tpu.memref_squeeze %dma_start3A_20 : memref<1x800xi32, #tpu.memory_space<hbm>> -> memref<800xi32, #tpu.memory_space<hbm>>
    %dma_start3A_22 = arith.constant 0 : i32
    %dma_start3A_23 = tpu.memref_slice %arg8[%dma_start3A_16, %dma_start3A_22] : memref<2x800xi32, #tpu.memory_space<vmem>> -> memref<1x800xi32, #tpu.memory_space<vmem>>
    %dma_start3A_24 = tpu.memref_squeeze %dma_start3A_23 : memref<1x800xi32, #tpu.memory_space<vmem>> -> memref<800xi32, #tpu.memory_space<vmem>>
    %dma_start3A_25 = tpu.memref_slice %arg2[%dma_start3A_15, %add3A_3] : memref<2x1600000xi32, #tpu.memory_space<hbm>> -> memref<1x800xi32, #tpu.memory_space<hbm>>
    %dma_start3A_26 = tpu.memref_squeeze %dma_start3A_25 : memref<1x800xi32, #tpu.memory_space<hbm>> -> memref<800xi32, #tpu.memory_space<hbm>>
    tpu.enqueue_dma source(%dma_start3A_26 : memref<800xi32, #tpu.memory_space<hbm>>) target(%dma_start3A_24 : memref<800xi32, #tpu.memory_space<vmem>>) target_semaphore(%arg11 : memref<!tpu.dma_semaphore, #tpu.memory_space<semaphore_mem>>)
    %scan3A = arith.constant 0 : i32
    %scan3A_27 = arith.constant 0 : i32
    %scan3A_28 = arith.constant 63 : i32
    %scan3A_29 = arith.addi %scan3A_27, %scan3A_28 : i32
    %scan3A_30 = arith.constant 1 : i32
    scf.for %scan3A_33 = %scan3A_27 to %scan3A_29 step %scan3A_30  : i32 {
      %mul3A_34 = arith.constant 2 : i32
      %mul3A_35 = arith.muli %mul3A_34, %scan3A_33 : i32
      %add3A_36 = arith.constant 1 : i32
      %add3A_37 = arith.addi %mul3A_35, %add3A_36 : i32
      %lt3A = arith.constant 125 : i32
      %lt3A_38 = arith.cmpi slt, %add3A_37, %lt3A : i32
      %convert_element_type3A = arith.extui %lt3A_38 : i1 to i32
      %cond3A = arith.constant 0 : i32
      %cond3A_39 = arith.cmpi ne, %convert_element_type3A, %cond3A : i32
      scf.if %cond3A_39 {
        %mul3A_81 = arith.constant 800 : i32
        %mul3A_82 = arith.muli %add3A_37, %mul3A_81 : i32
        %add3A_83 = arith.addi %mul3A_2, %mul3A_82 : i32
        %dma_start3A_84 = arith.constant 0 : i32
        %dma_start3A_85 = arith.constant 1 : i32
        %dma_start3A_86 = arith.constant 0 : i32
        %dma_start3A_87 = tpu.memref_slice %arg6[%dma_start3A_85, %dma_start3A_86] : memref<2x800xi32, #tpu.memory_space<vmem>> -> memref<1x800xi32, #tpu.memory_space<vmem>>
        %dma_start3A_88 = tpu.memref_squeeze %dma_start3A_87 : memref<1x800xi32, #tpu.memory_space<vmem>> -> memref<800xi32, #tpu.memory_space<vmem>>
        %dma_start3A_89 = tpu.memref_slice %arg2[%dma_start3A_84, %add3A_83] : memref<2x1600000xi32, #tpu.memory_space<hbm>> -> memref<1x800xi32, #tpu.memory_space<hbm>>
        %dma_start3A_90 = tpu.memref_squeeze %dma_start3A_89 : memref<1x800xi32, #tpu.memory_space<hbm>> -> memref<800xi32, #tpu.memory_space<hbm>>
        %dma_start3A_91 = arith.constant 0 : i32
        %dma_start3A_92 = tpu.memref_slice %arg6[%dma_start3A_85, %dma_start3A_91] : memref<2x800xi32, #tpu.memory_space<vmem>> -> memref<1x800xi32, #tpu.memory_space<vmem>>
        %dma_start3A_93 = tpu.memref_squeeze %dma_start3A_92 : memref<1x800xi32, #tpu.memory_space<vmem>> -> memref<800xi32, #tpu.memory_space<vmem>>
        %dma_start3A_94 = tpu.memref_slice %arg2[%dma_start3A_84, %add3A_83] : memref<2x1600000xi32, #tpu.memory_space<hbm>> -> memref<1x800xi32, #tpu.memory_space<hbm>>
        %dma_start3A_95 = tpu.memref_squeeze %dma_start3A_94 : memref<1x800xi32, #tpu.memory_space<hbm>> -> memref<800xi32, #tpu.memory_space<hbm>>
        tpu.enqueue_dma source(%dma_start3A_95 : memref<800xi32, #tpu.memory_space<hbm>>) target(%dma_start3A_93 : memref<800xi32, #tpu.memory_space<vmem>>) target_semaphore(%arg12 : memref<!tpu.dma_semaphore, #tpu.memory_space<semaphore_mem>>)
        %dma_start3A_96 = arith.constant 1 : i32
        %dma_start3A_97 = arith.constant 1 : i32
        %dma_start3A_98 = arith.constant 0 : i32
        %dma_start3A_99 = tpu.memref_slice %arg8[%dma_start3A_97, %dma_start3A_98] : memref<2x800xi32, #tpu.memory_space<vmem>> -> memref<1x800xi32, #tpu.memory_space<vmem>>
        %dma_start3A_100 = tpu.memref_squeeze %dma_start3A_99 : memref<1x800xi32, #tpu.memory_space<vmem>> -> memref<800xi32, #tpu.memory_space<vmem>>
        %dma_start3A_101 = tpu.memref_slice %arg2[%dma_start3A_96, %add3A_83] : memref<2x1600000xi32, #tpu.memory_space<hbm>> -> memref<1x800xi32, #tpu.memory_space<hbm>>
        %dma_start3A_102 = tpu.memref_squeeze %dma_start3A_101 : memref<1x800xi32, #tpu.memory_space<hbm>> -> memref<800xi32, #tpu.memory_space<hbm>>
        %dma_start3A_103 = arith.constant 0 : i32
        %dma_start3A_104 = tpu.memref_slice %arg8[%dma_start3A_97, %dma_start3A_103] : memref<2x800xi32, #tpu.memory_space<vmem>> -> memref<1x800xi32, #tpu.memory_space<vmem>>
        %dma_start3A_105 = tpu.memref_squeeze %dma_start3A_104 : memref<1x800xi32, #tpu.memory_space<vmem>> -> memref<800xi32, #tpu.memory_space<vmem>>
        %dma_start3A_106 = tpu.memref_slice %arg2[%dma_start3A_96, %add3A_83] : memref<2x1600000xi32, #tpu.memory_space<hbm>> -> memref<1x800xi32, #tpu.memory_space<hbm>>
        %dma_start3A_107 = tpu.memref_squeeze %dma_start3A_106 : memref<1x800xi32, #tpu.memory_space<hbm>> -> memref<800xi32, #tpu.memory_space<hbm>>
        tpu.enqueue_dma source(%dma_start3A_107 : memref<800xi32, #tpu.memory_space<hbm>>) target(%dma_start3A_105 : memref<800xi32, #tpu.memory_space<vmem>>) target_semaphore(%arg12 : memref<!tpu.dma_semaphore, #tpu.memory_space<semaphore_mem>>)
      } else {
      }
      %dma_wait3A = arith.constant 0 : i32
      %dma_wait3A_40 = arith.constant 0 : i32
      %dma_wait3A_41 = arith.constant 0 : i32
      %dma_wait3A_42 = tpu.memref_slice %arg6[%dma_wait3A_40, %dma_wait3A_41] : memref<2x800xi32, #tpu.memory_space<vmem>> -> memref<1x800xi32, #tpu.memory_space<vmem>>
      %dma_wait3A_43 = tpu.memref_squeeze %dma_wait3A_42 : memref<1x800xi32, #tpu.memory_space<vmem>> -> memref<800xi32, #tpu.memory_space<vmem>>
      %dma_wait3A_44 = arith.constant 0 : i32
      %dma_wait3A_45 = tpu.memref_slice %arg2[%dma_wait3A, %dma_wait3A_44] : memref<2x1600000xi32, #tpu.memory_space<hbm>> -> memref<1x800xi32, #tpu.memory_space<hbm>>
      %dma_wait3A_46 = tpu.memref_squeeze %dma_wait3A_45 : memref<1x800xi32, #tpu.memory_space<hbm>> -> memref<800xi32, #tpu.memory_space<hbm>>
      %dma_wait3A_47 = arith.constant 0 : i32
      %dma_wait3A_48 = tpu.memref_slice %arg6[%dma_wait3A_40, %dma_wait3A_47] : memref<2x800xi32, #tpu.memory_space<vmem>> -> memref<1x800xi32, #tpu.memory_space<vmem>>
      %dma_wait3A_49 = tpu.memref_squeeze %dma_wait3A_48 : memref<1x800xi32, #tpu.memory_space<vmem>> -> memref<800xi32, #tpu.memory_space<vmem>>
      %dma_wait3A_50 = arith.constant 0 : i32
      %dma_wait3A_51 = tpu.memref_slice %arg2[%dma_wait3A, %dma_wait3A_50] : memref<2x1600000xi32, #tpu.memory_space<hbm>> -> memref<1x800xi32, #tpu.memory_space<hbm>>
      %dma_wait3A_52 = tpu.memref_squeeze %dma_wait3A_51 : memref<1x800xi32, #tpu.memory_space<hbm>> -> memref<800xi32, #tpu.memory_space<hbm>>
      tpu.wait_dma2 semaphore(%arg11 : memref<!tpu.dma_semaphore, #tpu.memory_space<semaphore_mem>>) src(%dma_wait3A_52 : memref<800xi32, #tpu.memory_space<hbm>>) dst(%dma_wait3A_49 : memref<800xi32, #tpu.memory_space<vmem>>)
      %dma_wait3A_53 = arith.constant 1 : i32
      %dma_wait3A_54 = arith.constant 0 : i32
      %dma_wait3A_55 = arith.constant 0 : i32
      %dma_wait3A_56 = tpu.memref_slice %arg8[%dma_wait3A_54, %dma_wait3A_55] : memref<2x800xi32, #tpu.memory_space<vmem>> -> memref<1x800xi32, #tpu.memory_space<vmem>>
      %dma_wait3A_57 = tpu.memref_squeeze %dma_wait3A_56 : memref<1x800xi32, #tpu.memory_space<vmem>> -> memref<800xi32, #tpu.memory_space<vmem>>
      %dma_wait3A_58 = arith.constant 0 : i32
      %dma_wait3A_59 = tpu.memref_slice %arg2[%dma_wait3A_53, %dma_wait3A_58] : memref<2x1600000xi32, #tpu.memory_space<hbm>> -> memref<1x800xi32, #tpu.memory_space<hbm>>
      %dma_wait3A_60 = tpu.memref_squeeze %dma_wait3A_59 : memref<1x800xi32, #tpu.memory_space<hbm>> -> memref<800xi32, #tpu.memory_space<hbm>>
      %dma_wait3A_61 = arith.constant 0 : i32
      %dma_wait3A_62 = tpu.memref_slice %arg8[%dma_wait3A_54, %dma_wait3A_61] : memref<2x800xi32, #tpu.memory_space<vmem>> -> memref<1x800xi32, #tpu.memory_space<vmem>>
      %dma_wait3A_63 = tpu.memref_squeeze %dma_wait3A_62 : memref<1x800xi32, #tpu.memory_space<vmem>> -> memref<800xi32, #tpu.memory_space<vmem>>
      %dma_wait3A_64 = arith.constant 0 : i32
      %dma_wait3A_65 = tpu.memref_slice %arg2[%dma_wait3A_53, %dma_wait3A_64] : memref<2x1600000xi32, #tpu.memory_space<hbm>> -> memref<1x800xi32, #tpu.memory_space<hbm>>
      %dma_wait3A_66 = tpu.memref_squeeze %dma_wait3A_65 : memref<1x800xi32, #tpu.memory_space<hbm>> -> memref<800xi32, #tpu.memory_space<hbm>>
      tpu.wait_dma2 semaphore(%arg11 : memref<!tpu.dma_semaphore, #tpu.memory_space<semaphore_mem>>) src(%dma_wait3A_66 : memref<800xi32, #tpu.memory_space<hbm>>) dst(%dma_wait3A_63 : memref<800xi32, #tpu.memory_space<vmem>>)
      %scan3A_67 = arith.constant 0 : i32
      %scan3A_68 = arith.constant 0 : i32
      %scan3A_69 = arith.constant 50 : i32
      %scan3A_70 = arith.addi %scan3A_68, %scan3A_69 : i32
      %scan3A_71 = arith.constant 1 : i32
      scf.for %scan3A_81 = %scan3A_68 to %scan3A_70 step %scan3A_71  : i32 {
        %mul3A_82 = arith.constant 16 : i32
        %mul3A_83 = arith.muli %scan3A_81, %mul3A_82 : i32
        %get3A = arith.constant 0 : i32
        %get3A_84 = arith.index_cast %get3A : i32 to index
        %get3A_85 = arith.index_cast %mul3A_83 : i32 to index
        %get3A_86 = tpu.vector_load %arg6[%get3A_84, %get3A_85] {strides = array<i32>} : memref<2x800xi32, #tpu.memory_space<vmem>>, vector<1x16xi32>,
        %get3A_87 = vector.shape_cast %get3A_86 : vector<1x16xi32> to vector<16xi32>
        %mul3A_88 = arith.constant 2 : i32
        %mul3A_89 = vector.broadcast %mul3A_88 : i32 to vector<16xi32>
        %mul3A_90 = arith.muli %get3A_87, %mul3A_89 : vector<16xi32>
        %add3A_91 = vector.broadcast %arg0 : i32 to vector<16xi32>
        %add3A_92 = arith.addi %mul3A_90, %add3A_91 : vector<16xi32>
        %mul3A_93 = arith.constant 16 : i32
        %mul3A_94 = arith.muli %scan3A_81, %mul3A_93 : i32
        %swap3A = arith.constant 0 : i32
        %swap3A_95 = arith.index_cast %swap3A : i32 to index
        %swap3A_96 = arith.index_cast %mul3A_94 : i32 to index
        %swap3A_97 = tpu.vector_load %arg7[%swap3A_95, %swap3A_96] {strides = array<i32>} : memref<2x800xi32, #tpu.memory_space<vmem>>, vector<1x16xi32>,
        %swap3A_98 = vector.shape_cast %swap3A_97 : vector<1x16xi32> to vector<16xi32>
        %swap3A_99 = vector.shape_cast %add3A_92 : vector<16xi32> to vector<1x16xi32>
        tpu.vector_store %arg7[%swap3A_95, %swap3A_96], %swap3A_99 {strides = array<i32>} : memref<2x800xi32, #tpu.memory_space<vmem>>, vector<1x16xi32>,
      }
      %scan3A_72 = arith.constant 50 : i32
      %run_scoped3A = arith.constant 0 : i32
      %run_scoped3A_73 = arith.constant 0 : i32
      "tpu.region"() ({
        %run_scoped3A_81 = tpu.sem_alloc : memref<!tpu.dma_semaphore, #tpu.memory_space<semaphore_mem>>
        %dma_start3A_82 = arith.constant 0 : i32
        %dma_start3A_83 = arith.constant 0 : i32
        %dma_start3A_84 = tpu.memref_slice %arg9[%run_scoped3A_73, %dma_start3A_82, %dma_start3A_83] : memref<2x800x16xf32, #tpu.memory_space<vmem>> -> memref<1x800x16xf32, #tpu.memory_space<vmem>>
        %dma_start3A_85 = tpu.memref_squeeze %dma_start3A_84 : memref<1x800x16xf32, #tpu.memory_space<vmem>> -> memref<800x16xf32, #tpu.memory_space<vmem>>
        %dma_start3A_86 = arith.constant 0 : i32
        %dma_start3A_87 = tpu.memref_slice %arg7[%run_scoped3A, %dma_start3A_86] : memref<2x800xi32, #tpu.memory_space<vmem>> -> memref<1x800xi32, #tpu.memory_space<vmem>>
        %dma_start3A_88 = tpu.memref_squeeze %dma_start3A_87 : memref<1x800xi32, #tpu.memory_space<vmem>> -> memref<800xi32, #tpu.memory_space<vmem>>
        %dma_start3A_89 = arith.constant 0 : i32
        %dma_start3A_90 = arith.constant 0 : i32
        %dma_start3A_91 = tpu.memref_slice %arg3[%dma_start3A_89, %dma_start3A_90] : memref<200704x16xf32, #tpu.memory_space<hbm>> -> memref<200704x16xf32, #tpu.memory_space<hbm>>
        tpu.enqueue_indirect_dma source(%dma_start3A_91 : memref<200704x16xf32, #tpu.memory_space<hbm>>) target(%dma_start3A_85 : memref<800x16xf32, #tpu.memory_space<vmem>>) offsets(%dma_start3A_88 : memref<800xi32, #tpu.memory_space<vmem>>) semaphore(%run_scoped3A_81 : memref<!tpu.dma_semaphore, #tpu.memory_space<semaphore_mem>>)
        %dma_wait3A_92 = arith.constant 0 : i32
        %dma_wait3A_93 = arith.constant 0 : i32
        %dma_wait3A_94 = tpu.memref_slice %arg9[%run_scoped3A_73, %dma_wait3A_92, %dma_wait3A_93] : memref<2x800x16xf32, #tpu.memory_space<vmem>> -> memref<1x800x16xf32, #tpu.memory_space<vmem>>
        %dma_wait3A_95 = tpu.memref_squeeze %dma_wait3A_94 : memref<1x800x16xf32, #tpu.memory_space<vmem>> -> memref<800x16xf32, #tpu.memory_space<vmem>>
        %dma_wait3A_96 = arith.constant 0 : i32
        %dma_wait3A_97 = tpu.memref_slice %arg7[%run_scoped3A, %dma_wait3A_96] : memref<2x800xi32, #tpu.memory_space<vmem>> -> memref<1x800xi32, #tpu.memory_space<vmem>>
        %dma_wait3A_98 = tpu.memref_squeeze %dma_wait3A_97 : memref<1x800xi32, #tpu.memory_space<vmem>> -> memref<800xi32, #tpu.memory_space<vmem>>
        %dma_wait3A_99 = arith.constant 0 : i32
        %dma_wait3A_100 = arith.constant 0 : i32
        %dma_wait3A_101 = tpu.memref_slice %arg3[%dma_wait3A_99, %dma_wait3A_100] : memref<200704x16xf32, #tpu.memory_space<hbm>> -> memref<200704x16xf32, #tpu.memory_space<hbm>>
        tpu.wait_indirect_dma semaphore(%run_scoped3A_81 : memref<!tpu.dma_semaphore, #tpu.memory_space<semaphore_mem>>) src(%dma_wait3A_101 : memref<200704x16xf32, #tpu.memory_space<hbm>>) dst(%dma_wait3A_95 : memref<800x16xf32, #tpu.memory_space<vmem>>)
        tpu.yield
      }) : () -> ()
      %run_scoped3A_74 = arith.constant 0 : i32
      %run_scoped3A_75 = arith.constant 0 : i32
      "tpu.region"() ({
        %run_scoped3A_81 = tpu.sem_alloc : memref<!tpu.dma_semaphore, #tpu.memory_space<semaphore_mem>>
        %dma_start3A_82 = arith.constant 0 : i32
        %dma_start3A_83 = arith.constant 0 : i32
        %dma_start3A_84 = tpu.memref_slice %arg9[%run_scoped3A_74, %dma_start3A_82, %dma_start3A_83] : memref<2x800x16xf32, #tpu.memory_space<vmem>> -> memref<1x800x16xf32, #tpu.memory_space<vmem>>
        %dma_start3A_85 = tpu.memref_squeeze %dma_start3A_84 : memref<1x800x16xf32, #tpu.memory_space<vmem>> -> memref<800x16xf32, #tpu.memory_space<vmem>>
        %dma_start3A_86 = arith.constant 0 : i32
        %dma_start3A_87 = tpu.memref_slice %arg8[%run_scoped3A_75, %dma_start3A_86] : memref<2x800xi32, #tpu.memory_space<vmem>> -> memref<1x800xi32, #tpu.memory_space<vmem>>
        %dma_start3A_88 = tpu.memref_squeeze %dma_start3A_87 : memref<1x800xi32, #tpu.memory_space<vmem>> -> memref<800xi32, #tpu.memory_space<vmem>>
        %dma_start3A_89 = arith.constant 0 : i32
        %dma_start3A_90 = arith.constant 0 : i32
        %dma_start3A_91 = tpu.memref_slice %arg10[%dma_start3A_89, %dma_start3A_90] : memref<100352x16xf32, #tpu.memory_space<vmem_shared>> -> memref<100352x16xf32, #tpu.memory_space<vmem_shared>>
        tpu.enqueue_indirect_dma source(%dma_start3A_85 : memref<800x16xf32, #tpu.memory_space<vmem>>) target(%dma_start3A_91 : memref<100352x16xf32, #tpu.memory_space<vmem_shared>>) offsets(%dma_start3A_88 : memref<800xi32, #tpu.memory_space<vmem>>) semaphore(%run_scoped3A_81 : memref<!tpu.dma_semaphore, #tpu.memory_space<semaphore_mem>>) {add = true}
        %dma_wait3A_92 = arith.constant 0 : i32
        %dma_wait3A_93 = arith.constant 0 : i32
        %dma_wait3A_94 = tpu.memref_slice %arg9[%run_scoped3A_74, %dma_wait3A_92, %dma_wait3A_93] : memref<2x800x16xf32, #tpu.memory_space<vmem>> -> memref<1x800x16xf32, #tpu.memory_space<vmem>>
        %dma_wait3A_95 = tpu.memref_squeeze %dma_wait3A_94 : memref<1x800x16xf32, #tpu.memory_space<vmem>> -> memref<800x16xf32, #tpu.memory_space<vmem>>
        %dma_wait3A_96 = arith.constant 0 : i32
        %dma_wait3A_97 = tpu.memref_slice %arg8[%run_scoped3A_75, %dma_wait3A_96] : memref<2x800xi32, #tpu.memory_space<vmem>> -> memref<1x800xi32, #tpu.memory_space<vmem>>
        %dma_wait3A_98 = tpu.memref_squeeze %dma_wait3A_97 : memref<1x800xi32, #tpu.memory_space<vmem>> -> memref<800xi32, #tpu.memory_space<vmem>>
        %dma_wait3A_99 = arith.constant 0 : i32
        %dma_wait3A_100 = arith.constant 0 : i32
        %dma_wait3A_101 = tpu.memref_slice %arg10[%dma_wait3A_99, %dma_wait3A_100] : memref<100352x16xf32, #tpu.memory_space<vmem_shared>> -> memref<100352x16xf32, #tpu.memory_space<vmem_shared>>
        tpu.wait_indirect_dma semaphore(%run_scoped3A_81 : memref<!tpu.dma_semaphore, #tpu.memory_space<semaphore_mem>>) src(%dma_wait3A_95 : memref<800x16xf32, #tpu.memory_space<vmem>>) dst(%dma_wait3A_101 : memref<100352x16xf32, #tpu.memory_space<vmem_shared>>)
        tpu.yield
      }) : () -> ()
      %lt3A_76 = arith.constant 125 : i32
      %lt3A_77 = arith.cmpi slt, %add3A_37, %lt3A_76 : i32
      %convert_element_type3A_78 = arith.extui %lt3A_77 : i1 to i32
      %cond3A_79 = arith.constant 0 : i32
      %cond3A_80 = arith.cmpi ne, %convert_element_type3A_78, %cond3A_79 : i32
      scf.if %cond3A_80 {
        %add3A_81 = arith.constant 1 : i32
        %add3A_82 = arith.addi %add3A_37, %add3A_81 : i32
        %lt3A_83 = arith.constant 125 : i32
        %lt3A_84 = arith.cmpi slt, %add3A_82, %lt3A_83 : i32
        %convert_element_type3A_85 = arith.extui %lt3A_84 : i1 to i32
        %cond3A_86 = arith.constant 0 : i32
        %cond3A_87 = arith.cmpi ne, %convert_element_type3A_85, %cond3A_86 : i32
        scf.if %cond3A_87 {
          %add3A_126 = arith.constant 1 : i32
          %add3A_127 = arith.addi %add3A_37, %add3A_126 : i32
          %mul3A_128 = arith.constant 800 : i32
          %mul3A_129 = arith.muli %add3A_127, %mul3A_128 : i32
          %add3A_130 = arith.addi %mul3A_2, %mul3A_129 : i32
          %dma_start3A_131 = arith.constant 0 : i32
          %dma_start3A_132 = arith.constant 0 : i32
          %dma_start3A_133 = arith.constant 0 : i32
          %dma_start3A_134 = tpu.memref_slice %arg6[%dma_start3A_132, %dma_start3A_133] : memref<2x800xi32, #tpu.memory_space<vmem>> -> memref<1x800xi32, #tpu.memory_space<vmem>>
          %dma_start3A_135 = tpu.memref_squeeze %dma_start3A_134 : memref<1x800xi32, #tpu.memory_space<vmem>> -> memref<800xi32, #tpu.memory_space<vmem>>
          %dma_start3A_136 = tpu.memref_slice %arg2[%dma_start3A_131, %add3A_130] : memref<2x1600000xi32, #tpu.memory_space<hbm>> -> memref<1x800xi32, #tpu.memory_space<hbm>>
          %dma_start3A_137 = tpu.memref_squeeze %dma_start3A_136 : memref<1x800xi32, #tpu.memory_space<hbm>> -> memref<800xi32, #tpu.memory_space<hbm>>
          %dma_start3A_138 = arith.constant 0 : i32
          %dma_start3A_139 = tpu.memref_slice %arg6[%dma_start3A_132, %dma_start3A_138] : memref<2x800xi32, #tpu.memory_space<vmem>> -> memref<1x800xi32, #tpu.memory_space<vmem>>
          %dma_start3A_140 = tpu.memref_squeeze %dma_start3A_139 : memref<1x800xi32, #tpu.memory_space<vmem>> -> memref<800xi32, #tpu.memory_space<vmem>>
          %dma_start3A_141 = tpu.memref_slice %arg2[%dma_start3A_131, %add3A_130] : memref<2x1600000xi32, #tpu.memory_space<hbm>> -> memref<1x800xi32, #tpu.memory_space<hbm>>
          %dma_start3A_142 = tpu.memref_squeeze %dma_start3A_141 : memref<1x800xi32, #tpu.memory_space<hbm>> -> memref<800xi32, #tpu.memory_space<hbm>>
          tpu.enqueue_dma source(%dma_start3A_142 : memref<800xi32, #tpu.memory_space<hbm>>) target(%dma_start3A_140 : memref<800xi32, #tpu.memory_space<vmem>>) target_semaphore(%arg11 : memref<!tpu.dma_semaphore, #tpu.memory_space<semaphore_mem>>)
          %dma_start3A_143 = arith.constant 1 : i32
          %dma_start3A_144 = arith.constant 0 : i32
          %dma_start3A_145 = arith.constant 0 : i32
          %dma_start3A_146 = tpu.memref_slice %arg8[%dma_start3A_144, %dma_start3A_145] : memref<2x800xi32, #tpu.memory_space<vmem>> -> memref<1x800xi32, #tpu.memory_space<vmem>>
          %dma_start3A_147 = tpu.memref_squeeze %dma_start3A_146 : memref<1x800xi32, #tpu.memory_space<vmem>> -> memref<800xi32, #tpu.memory_space<vmem>>
          %dma_start3A_148 = tpu.memref_slice %arg2[%dma_start3A_143, %add3A_130] : memref<2x1600000xi32, #tpu.memory_space<hbm>> -> memref<1x800xi32, #tpu.memory_space<hbm>>
          %dma_start3A_149 = tpu.memref_squeeze %dma_start3A_148 : memref<1x800xi32, #tpu.memory_space<hbm>> -> memref<800xi32, #tpu.memory_space<hbm>>
          %dma_start3A_150 = arith.constant 0 : i32
          %dma_start3A_151 = tpu.memref_slice %arg8[%dma_start3A_144, %dma_start3A_150] : memref<2x800xi32, #tpu.memory_space<vmem>> -> memref<1x800xi32, #tpu.memory_space<vmem>>
          %dma_start3A_152 = tpu.memref_squeeze %dma_start3A_151 : memref<1x800xi32, #tpu.memory_space<vmem>> -> memref<800xi32, #tpu.memory_space<vmem>>
          %dma_start3A_153 = tpu.memref_slice %arg2[%dma_start3A_143, %add3A_130] : memref<2x1600000xi32, #tpu.memory_space<hbm>> -> memref<1x800xi32, #tpu.memory_space<hbm>>
          %dma_start3A_154 = tpu.memref_squeeze %dma_start3A_153 : memref<1x800xi32, #tpu.memory_space<hbm>> -> memref<800xi32, #tpu.memory_space<hbm>>
          tpu.enqueue_dma source(%dma_start3A_154 : memref<800xi32, #tpu.memory_space<hbm>>) target(%dma_start3A_152 : memref<800xi32, #tpu.memory_space<vmem>>) target_semaphore(%arg11 : memref<!tpu.dma_semaphore, #tpu.memory_space<semaphore_mem>>)
        } else {
        }
        %dma_wait3A_88 = arith.constant 0 : i32
        %dma_wait3A_89 = arith.constant 1 : i32
        %dma_wait3A_90 = arith.constant 0 : i32
        %dma_wait3A_91 = tpu.memref_slice %arg6[%dma_wait3A_89, %dma_wait3A_90] : memref<2x800xi32, #tpu.memory_space<vmem>> -> memref<1x800xi32, #tpu.memory_space<vmem>>
        %dma_wait3A_92 = tpu.memref_squeeze %dma_wait3A_91 : memref<1x800xi32, #tpu.memory_space<vmem>> -> memref<800xi32, #tpu.memory_space<vmem>>
        %dma_wait3A_93 = arith.constant 0 : i32
        %dma_wait3A_94 = tpu.memref_slice %arg2[%dma_wait3A_88, %dma_wait3A_93] : memref<2x1600000xi32, #tpu.memory_space<hbm>> -> memref<1x800xi32, #tpu.memory_space<hbm>>
        %dma_wait3A_95 = tpu.memref_squeeze %dma_wait3A_94 : memref<1x800xi32, #tpu.memory_space<hbm>> -> memref<800xi32, #tpu.memory_space<hbm>>
        %dma_wait3A_96 = arith.constant 0 : i32
        %dma_wait3A_97 = tpu.memref_slice %arg6[%dma_wait3A_89, %dma_wait3A_96] : memref<2x800xi32, #tpu.memory_space<vmem>> -> memref<1x800xi32, #tpu.memory_space<vmem>>
        %dma_wait3A_98 = tpu.memref_squeeze %dma_wait3A_97 : memref<1x800xi32, #tpu.memory_space<vmem>> -> memref<800xi32, #tpu.memory_space<vmem>>
        %dma_wait3A_99 = arith.constant 0 : i32
        %dma_wait3A_100 = tpu.memref_slice %arg2[%dma_wait3A_88, %dma_wait3A_99] : memref<2x1600000xi32, #tpu.memory_space<hbm>> -> memref<1x800xi32, #tpu.memory_space<hbm>>
        %dma_wait3A_101 = tpu.memref_squeeze %dma_wait3A_100 : memref<1x800xi32, #tpu.memory_space<hbm>> -> memref<800xi32, #tpu.memory_space<hbm>>
        tpu.wait_dma2 semaphore(%arg12 : memref<!tpu.dma_semaphore, #tpu.memory_space<semaphore_mem>>) src(%dma_wait3A_101 : memref<800xi32, #tpu.memory_space<hbm>>) dst(%dma_wait3A_98 : memref<800xi32, #tpu.memory_space<vmem>>)
        %dma_wait3A_102 = arith.constant 1 : i32
        %dma_wait3A_103 = arith.constant 1 : i32
        %dma_wait3A_104 = arith.constant 0 : i32
        %dma_wait3A_105 = tpu.memref_slice %arg8[%dma_wait3A_103, %dma_wait3A_104] : memref<2x800xi32, #tpu.memory_space<vmem>> -> memref<1x800xi32, #tpu.memory_space<vmem>>
        %dma_wait3A_106 = tpu.memref_squeeze %dma_wait3A_105 : memref<1x800xi32, #tpu.memory_space<vmem>> -> memref<800xi32, #tpu.memory_space<vmem>>
        %dma_wait3A_107 = arith.constant 0 : i32
        %dma_wait3A_108 = tpu.memref_slice %arg2[%dma_wait3A_102, %dma_wait3A_107] : memref<2x1600000xi32, #tpu.memory_space<hbm>> -> memref<1x800xi32, #tpu.memory_space<hbm>>
        %dma_wait3A_109 = tpu.memref_squeeze %dma_wait3A_108 : memref<1x800xi32, #tpu.memory_space<hbm>> -> memref<800xi32, #tpu.memory_space<hbm>>
        %dma_wait3A_110 = arith.constant 0 : i32
        %dma_wait3A_111 = tpu.memref_slice %arg8[%dma_wait3A_103, %dma_wait3A_110] : memref<2x800xi32, #tpu.memory_space<vmem>> -> memref<1x800xi32, #tpu.memory_space<vmem>>
        %dma_wait3A_112 = tpu.memref_squeeze %dma_wait3A_111 : memref<1x800xi32, #tpu.memory_space<vmem>> -> memref<800xi32, #tpu.memory_space<vmem>>
        %dma_wait3A_113 = arith.constant 0 : i32
        %dma_wait3A_114 = tpu.memref_slice %arg2[%dma_wait3A_102, %dma_wait3A_113] : memref<2x1600000xi32, #tpu.memory_space<hbm>> -> memref<1x800xi32, #tpu.memory_space<hbm>>
        %dma_wait3A_115 = tpu.memref_squeeze %dma_wait3A_114 : memref<1x800xi32, #tpu.memory_space<hbm>> -> memref<800xi32, #tpu.memory_space<hbm>>
        tpu.wait_dma2 semaphore(%arg12 : memref<!tpu.dma_semaphore, #tpu.memory_space<semaphore_mem>>) src(%dma_wait3A_115 : memref<800xi32, #tpu.memory_space<hbm>>) dst(%dma_wait3A_112 : memref<800xi32, #tpu.memory_space<vmem>>)
        %scan3A_116 = arith.constant 0 : i32
        %scan3A_117 = arith.constant 0 : i32
        %scan3A_118 = arith.constant 50 : i32
        %scan3A_119 = arith.addi %scan3A_117, %scan3A_118 : i32
        %scan3A_120 = arith.constant 1 : i32
        scf.for %scan3A_126 = %scan3A_117 to %scan3A_119 step %scan3A_120  : i32 {
          %mul3A_127 = arith.constant 16 : i32
          %mul3A_128 = arith.muli %scan3A_126, %mul3A_127 : i32
          %get3A = arith.constant 1 : i32
          %get3A_129 = arith.index_cast %get3A : i32 to index
          %get3A_130 = arith.index_cast %mul3A_128 : i32 to index
          %get3A_131 = tpu.vector_load %arg6[%get3A_129, %get3A_130] {strides = array<i32>} : memref<2x800xi32, #tpu.memory_space<vmem>>, vector<1x16xi32>,
          %get3A_132 = vector.shape_cast %get3A_131 : vector<1x16xi32> to vector<16xi32>
          %mul3A_133 = arith.constant 2 : i32
          %mul3A_134 = vector.broadcast %mul3A_133 : i32 to vector<16xi32>
          %mul3A_135 = arith.muli %get3A_132, %mul3A_134 : vector<16xi32>
          %add3A_136 = vector.broadcast %arg0 : i32 to vector<16xi32>
          %add3A_137 = arith.addi %mul3A_135, %add3A_136 : vector<16xi32>
          %mul3A_138 = arith.constant 16 : i32
          %mul3A_139 = arith.muli %scan3A_126, %mul3A_138 : i32
          %swap3A = arith.constant 1 : i32
          %swap3A_140 = arith.index_cast %swap3A : i32 to index
          %swap3A_141 = arith.index_cast %mul3A_139 : i32 to index
          %swap3A_142 = tpu.vector_load %arg7[%swap3A_140, %swap3A_141] {strides = array<i32>} : memref<2x800xi32, #tpu.memory_space<vmem>>, vector<1x16xi32>,
          %swap3A_143 = vector.shape_cast %swap3A_142 : vector<1x16xi32> to vector<16xi32>
          %swap3A_144 = vector.shape_cast %add3A_137 : vector<16xi32> to vector<1x16xi32>
          tpu.vector_store %arg7[%swap3A_140, %swap3A_141], %swap3A_144 {strides = array<i32>} : memref<2x800xi32, #tpu.memory_space<vmem>>, vector<1x16xi32>,
        }
        %scan3A_121 = arith.constant 50 : i32
        %run_scoped3A_122 = arith.constant 1 : i32
        %run_scoped3A_123 = arith.constant 1 : i32
        "tpu.region"() ({
          %run_scoped3A_126 = tpu.sem_alloc : memref<!tpu.dma_semaphore, #tpu.memory_space<semaphore_mem>>
          %dma_start3A_127 = arith.constant 0 : i32
          %dma_start3A_128 = arith.constant 0 : i32
          %dma_start3A_129 = tpu.memref_slice %arg9[%run_scoped3A_123, %dma_start3A_127, %dma_start3A_128] : memref<2x800x16xf32, #tpu.memory_space<vmem>> -> memref<1x800x16xf32, #tpu.memory_space<vmem>>
          %dma_start3A_130 = tpu.memref_squeeze %dma_start3A_129 : memref<1x800x16xf32, #tpu.memory_space<vmem>> -> memref<800x16xf32, #tpu.memory_space<vmem>>
          %dma_start3A_131 = arith.constant 0 : i32
          %dma_start3A_132 = tpu.memref_slice %arg7[%run_scoped3A_122, %dma_start3A_131] : memref<2x800xi32, #tpu.memory_space<vmem>> -> memref<1x800xi32, #tpu.memory_space<vmem>>
          %dma_start3A_133 = tpu.memref_squeeze %dma_start3A_132 : memref<1x800xi32, #tpu.memory_space<vmem>> -> memref<800xi32, #tpu.memory_space<vmem>>
          %dma_start3A_134 = arith.constant 0 : i32
          %dma_start3A_135 = arith.constant 0 : i32
          %dma_start3A_136 = tpu.memref_slice %arg3[%dma_start3A_134, %dma_start3A_135] : memref<200704x16xf32, #tpu.memory_space<hbm>> -> memref<200704x16xf32, #tpu.memory_space<hbm>>
          tpu.enqueue_indirect_dma source(%dma_start3A_136 : memref<200704x16xf32, #tpu.memory_space<hbm>>) target(%dma_start3A_130 : memref<800x16xf32, #tpu.memory_space<vmem>>) offsets(%dma_start3A_133 : memref<800xi32, #tpu.memory_space<vmem>>) semaphore(%run_scoped3A_126 : memref<!tpu.dma_semaphore, #tpu.memory_space<semaphore_mem>>)
          %dma_wait3A_137 = arith.constant 0 : i32
          %dma_wait3A_138 = arith.constant 0 : i32
          %dma_wait3A_139 = tpu.memref_slice %arg9[%run_scoped3A_123, %dma_wait3A_137, %dma_wait3A_138] : memref<2x800x16xf32, #tpu.memory_space<vmem>> -> memref<1x800x16xf32, #tpu.memory_space<vmem>>
          %dma_wait3A_140 = tpu.memref_squeeze %dma_wait3A_139 : memref<1x800x16xf32, #tpu.memory_space<vmem>> -> memref<800x16xf32, #tpu.memory_space<vmem>>
          %dma_wait3A_141 = arith.constant 0 : i32
          %dma_wait3A_142 = tpu.memref_slice %arg7[%run_scoped3A_122, %dma_wait3A_141] : memref<2x800xi32, #tpu.memory_space<vmem>> -> memref<1x800xi32, #tpu.memory_space<vmem>>
          %dma_wait3A_143 = tpu.memref_squeeze %dma_wait3A_142 : memref<1x800xi32, #tpu.memory_space<vmem>> -> memref<800xi32, #tpu.memory_space<vmem>>
          %dma_wait3A_144 = arith.constant 0 : i32
          %dma_wait3A_145 = arith.constant 0 : i32
          %dma_wait3A_146 = tpu.memref_slice %arg3[%dma_wait3A_144, %dma_wait3A_145] : memref<200704x16xf32, #tpu.memory_space<hbm>> -> memref<200704x16xf32, #tpu.memory_space<hbm>>
          tpu.wait_indirect_dma semaphore(%run_scoped3A_126 : memref<!tpu.dma_semaphore, #tpu.memory_space<semaphore_mem>>) src(%dma_wait3A_146 : memref<200704x16xf32, #tpu.memory_space<hbm>>) dst(%dma_wait3A_140 : memref<800x16xf32, #tpu.memory_space<vmem>>)
          tpu.yield
        }) : () -> ()
        %run_scoped3A_124 = arith.constant 1 : i32
        %run_scoped3A_125 = arith.constant 1 : i32
        "tpu.region"() ({
          %run_scoped3A_126 = tpu.sem_alloc : memref<!tpu.dma_semaphore, #tpu.memory_space<semaphore_mem>>
          %dma_start3A_127 = arith.constant 0 : i32
          %dma_start3A_128 = arith.constant 0 : i32
          %dma_start3A_129 = tpu.memref_slice %arg9[%run_scoped3A_124, %dma_start3A_127, %dma_start3A_128] : memref<2x800x16xf32, #tpu.memory_space<vmem>> -> memref<1x800x16xf32, #tpu.memory_space<vmem>>
          %dma_start3A_130 = tpu.memref_squeeze %dma_start3A_129 : memref<1x800x16xf32, #tpu.memory_space<vmem>> -> memref<800x16xf32, #tpu.memory_space<vmem>>
          %dma_start3A_131 = arith.constant 0 : i32
          %dma_start3A_132 = tpu.memref_slice %arg8[%run_scoped3A_125, %dma_start3A_131] : memref<2x800xi32, #tpu.memory_space<vmem>> -> memref<1x800xi32, #tpu.memory_space<vmem>>
          %dma_start3A_133 = tpu.memref_squeeze %dma_start3A_132 : memref<1x800xi32, #tpu.memory_space<vmem>> -> memref<800xi32, #tpu.memory_space<vmem>>
          %dma_start3A_134 = arith.constant 0 : i32
          %dma_start3A_135 = arith.constant 0 : i32
          %dma_start3A_136 = tpu.memref_slice %arg10[%dma_start3A_134, %dma_start3A_135] : memref<100352x16xf32, #tpu.memory_space<vmem_shared>> -> memref<100352x16xf32, #tpu.memory_space<vmem_shared>>
          tpu.enqueue_indirect_dma source(%dma_start3A_130 : memref<800x16xf32, #tpu.memory_space<vmem>>) target(%dma_start3A_136 : memref<100352x16xf32, #tpu.memory_space<vmem_shared>>) offsets(%dma_start3A_133 : memref<800xi32, #tpu.memory_space<vmem>>) semaphore(%run_scoped3A_126 : memref<!tpu.dma_semaphore, #tpu.memory_space<semaphore_mem>>) {add = true}
          %dma_wait3A_137 = arith.constant 0 : i32
          %dma_wait3A_138 = arith.constant 0 : i32
          %dma_wait3A_139 = tpu.memref_slice %arg9[%run_scoped3A_124, %dma_wait3A_137, %dma_wait3A_138] : memref<2x800x16xf32, #tpu.memory_space<vmem>> -> memref<1x800x16xf32, #tpu.memory_space<vmem>>
          %dma_wait3A_140 = tpu.memref_squeeze %dma_wait3A_139 : memref<1x800x16xf32, #tpu.memory_space<vmem>> -> memref<800x16xf32, #tpu.memory_space<vmem>>
          %dma_wait3A_141 = arith.constant 0 : i32
          %dma_wait3A_142 = tpu.memref_slice %arg8[%run_scoped3A_125, %dma_wait3A_141] : memref<2x800xi32, #tpu.memory_space<vmem>> -> memref<1x800xi32, #tpu.memory_space<vmem>>
          %dma_wait3A_143 = tpu.memref_squeeze %dma_wait3A_142 : memref<1x800xi32, #tpu.memory_space<vmem>> -> memref<800xi32, #tpu.memory_space<vmem>>
          %dma_wait3A_144 = arith.constant 0 : i32
          %dma_wait3A_145 = arith.constant 0 : i32
          %dma_wait3A_146 = tpu.memref_slice %arg10[%dma_wait3A_144, %dma_wait3A_145] : memref<100352x16xf32, #tpu.memory_space<vmem_shared>> -> memref<100352x16xf32, #tpu.memory_space<vmem_shared>>
          tpu.wait_indirect_dma semaphore(%run_scoped3A_126 : memref<!tpu.dma_semaphore, #tpu.memory_space<semaphore_mem>>) src(%dma_wait3A_140 : memref<800x16xf32, #tpu.memory_space<vmem>>) dst(%dma_wait3A_146 : memref<100352x16xf32, #tpu.memory_space<vmem_shared>>)
          tpu.yield
        }) : () -> ()
      } else {
      }
    }
    %scan3A_31 = arith.constant 63 : i32
    %barrier3A_32 = arith.constant 0 : index
    tpu.barrier barrier_id(%barrier3A_32)
    "tpu.region"() ({
      %run_scoped3A = tpu.sem_alloc : memref<!tpu.dma_semaphore, #tpu.memory_space<semaphore_mem>>
      %dma_start3A_33 = arith.constant 0 : i32
      %dma_start3A_34 = tpu.memref_slice %arg5[%arg0, %mul3A_0, %dma_start3A_33] : memref<2x100352x16xf32, #tpu.memory_space<hbm>> -> memref<1x6272x16xf32, #tpu.memory_space<hbm>>
      %dma_start3A_35 = tpu.memref_squeeze %dma_start3A_34 : memref<1x6272x16xf32, #tpu.memory_space<hbm>> -> memref<6272x16xf32, #tpu.memory_space<hbm>>
      %dma_start3A_36 = arith.constant 0 : i32
      %dma_start3A_37 = tpu.memref_slice %arg10[%mul3A_0, %dma_start3A_36] : memref<100352x16xf32, #tpu.memory_space<vmem_shared>> -> memref<6272x16xf32, #tpu.memory_space<vmem_shared>>
      tpu.enqueue_dma source(%dma_start3A_37 : memref<6272x16xf32, #tpu.memory_space<vmem_shared>>) target(%dma_start3A_35 : memref<6272x16xf32, #tpu.memory_space<hbm>>) target_semaphore(%run_scoped3A : memref<!tpu.dma_semaphore, #tpu.memory_space<semaphore_mem>>)
      %dma_wait3A = arith.constant 0 : i32
      %dma_wait3A_38 = tpu.memref_slice %arg5[%arg0, %mul3A_0, %dma_wait3A] : memref<2x100352x16xf32, #tpu.memory_space<hbm>> -> memref<1x6272x16xf32, #tpu.memory_space<hbm>>
      %dma_wait3A_39 = tpu.memref_squeeze %dma_wait3A_38 : memref<1x6272x16xf32, #tpu.memory_space<hbm>> -> memref<6272x16xf32, #tpu.memory_space<hbm>>
      %dma_wait3A_40 = arith.constant 0 : i32
      %dma_wait3A_41 = tpu.memref_slice %arg10[%mul3A_0, %dma_wait3A_40] : memref<100352x16xf32, #tpu.memory_space<vmem_shared>> -> memref<6272x16xf32, #tpu.memory_space<vmem_shared>>
      tpu.wait_dma2 semaphore(%run_scoped3A : memref<!tpu.dma_semaphore, #tpu.memory_space<semaphore_mem>>) src(%dma_wait3A_41 : memref<6272x16xf32, #tpu.memory_space<vmem_shared>>) dst(%dma_wait3A_39 : memref<6272x16xf32, #tpu.memory_space<hbm>>)
      tpu.yield
    }) : () -> ()
    return
  }
}

#map = affine_map<(d0, d1) -> (0)>
#map1 = affine_map<(d0, d1) -> (0, 0)>
module attributes {stable_mosaic.version = 14 : i64} {
  func.func @_pool_kernel(%arg0: i32, %arg1: i32, %arg2: memref<100352xi32, #tpu.memory_space<hbm>>, %arg3: memref<100352xf32, #tpu.memory_space<hbm>>, %arg4: memref<3211264xf32, #tpu.memory_space<hbm>>, %arg5: memref<3211264xf32, #tpu.memory_space<hbm>>, %arg6: memref<32xf32, #tpu.memory_space<hbm>>, %arg7: memref<32x32768xf32, #tpu.memory_space<hbm>>, %arg8: memref<784xi32, #tpu.memory_space<vmem>>, %arg9: memref<784xf32, #tpu.memory_space<vmem>>, %arg10: memref<12544xf32, #tpu.memory_space<vmem>>, %arg11: memref<12544xf32, #tpu.memory_space<vmem>>, %arg12: memref<25088xf32, #tpu.memory_space<vmem>>, %arg13: memref<32800xf32, #tpu.memory_space<vmem>>, %arg14: memref<32xf32, #tpu.memory_space<vmem>>) attributes {dimension_semantics = [#tpu.dimension_semantics<core_parallel>, #tpu.dimension_semantics<subcore_parallel>], iteration_bounds = array<i64: 2, 16>, scalar_prefetch = 0 : i64, scratch_operands = 7 : i64, tpu.core_type = #tpu.core_type<sc_vector_subcore>, window_params = [{transform_indices = #map}, {transform_indices = #map}, {transform_indices = #map}, {transform_indices = #map}, {transform_indices = #map}, {transform_indices = #map1}]} {
    %mul3A = arith.constant 16 : i32
    %mul3A_0 = arith.muli %arg0, %mul3A : i32
    %add3A = arith.addi %mul3A_0, %arg1 : i32
    %broadcast_in_dim3A = arith.constant 0xFF800000 : f32
    %broadcast_in_dim3A_1 = vector.broadcast %broadcast_in_dim3A : f32 to vector<16xf32>
    %scan3A = arith.constant 0 : i32
    %scan3A_2 = arith.constant 0 : i32
    %scan3A_3 = arith.constant 2050 : i32
    %scan3A_4 = arith.addi %scan3A_2, %scan3A_3 : i32
    %scan3A_5 = arith.constant 1 : i32
    scf.for %scan3A_20 = %scan3A_2 to %scan3A_4 step %scan3A_5  : i32 {
      %mul3A_21 = arith.constant 16 : i32
      %mul3A_22 = arith.muli %scan3A_20, %mul3A_21 : i32
      %swap3A = arith.index_cast %mul3A_22 : i32 to index
      %swap3A_23 = tpu.vector_load %arg13[%swap3A] {strides = array<i32>} : memref<32800xf32, #tpu.memory_space<vmem>>, vector<16xf32>,
      %swap3A_24 = vector.shape_cast %swap3A_23 : vector<16xf32> to vector<16xf32>
      %swap3A_25 = vector.shape_cast %broadcast_in_dim3A_1 : vector<16xf32> to vector<16xf32>
      tpu.vector_store %arg13[%swap3A], %swap3A_25 {strides = array<i32>} : memref<32800xf32, #tpu.memory_space<vmem>>, vector<16xf32>,
    }
    %scan3A_6 = arith.constant 2050 : i32
    "tpu.region"() ({
      %run_scoped3A = tpu.sem_alloc : memref<!tpu.dma_semaphore, #tpu.memory_space<semaphore_mem>>
      tpu.enqueue_dma source(%arg6 : memref<32xf32, #tpu.memory_space<hbm>>) target(%arg14 : memref<32xf32, #tpu.memory_space<vmem>>) target_semaphore(%run_scoped3A : memref<!tpu.dma_semaphore, #tpu.memory_space<semaphore_mem>>)
      tpu.wait_dma2 semaphore(%run_scoped3A : memref<!tpu.dma_semaphore, #tpu.memory_space<semaphore_mem>>) src(%arg6 : memref<32xf32, #tpu.memory_space<hbm>>) dst(%arg14 : memref<32xf32, #tpu.memory_space<vmem>>)
      tpu.yield
    }) : () -> ()
    %get3A = arith.constant 0 : index
    %get3A_7 = tpu.vector_load %arg14[%get3A] {strides = array<i32>} : memref<32xf32, #tpu.memory_space<vmem>>, vector<16xf32>,
    %get3A_8 = vector.shape_cast %get3A_7 : vector<16xf32> to vector<16xf32>
    %get3A_9 = arith.constant 16 : index
    %get3A_10 = tpu.vector_load %arg14[%get3A_9] {strides = array<i32>} : memref<32xf32, #tpu.memory_space<vmem>>, vector<16xf32>,
    %get3A_11 = vector.shape_cast %get3A_10 : vector<16xf32> to vector<16xf32>
    %mul3A_12 = arith.constant 3136 : i32
    %mul3A_13 = arith.muli %add3A, %mul3A_12 : i32
    %scan3A_14 = arith.constant 0 : i32
    %scan3A_15 = arith.constant 0 : i32
    %scan3A_16 = arith.constant 4 : i32
    %scan3A_17 = arith.addi %scan3A_15, %scan3A_16 : i32
    %scan3A_18 = arith.constant 1 : i32
    scf.for %scan3A_20 = %scan3A_15 to %scan3A_17 step %scan3A_18  : i32 {
      %mul3A_21 = arith.constant 784 : i32
      %mul3A_22 = arith.muli %scan3A_20, %mul3A_21 : i32
      %add3A_23 = arith.addi %mul3A_13, %mul3A_22 : i32
      %mul3A_24 = arith.constant 16 : i32
      %mul3A_25 = arith.muli %add3A_23, %mul3A_24 : i32
      %add3A_26 = arith.constant 100352 : i32
      %add3A_27 = arith.addi %add3A_26, %add3A_23 : i32
      %mul3A_28 = arith.constant 16 : i32
      %mul3A_29 = arith.muli %add3A_27, %mul3A_28 : i32
      "tpu.region"() ({
        %run_scoped3A = tpu.sem_alloc : memref<!tpu.dma_semaphore, #tpu.memory_space<semaphore_mem>>
        %dma_start3A = tpu.memref_slice %arg2[%add3A_23] : memref<100352xi32, #tpu.memory_space<hbm>> -> memref<784xi32, #tpu.memory_space<hbm>>
        %dma_start3A_38 = tpu.memref_slice %arg2[%add3A_23] : memref<100352xi32, #tpu.memory_space<hbm>> -> memref<784xi32, #tpu.memory_space<hbm>>
        tpu.enqueue_dma source(%dma_start3A_38 : memref<784xi32, #tpu.memory_space<hbm>>) target(%arg8 : memref<784xi32, #tpu.memory_space<vmem>>) target_semaphore(%run_scoped3A : memref<!tpu.dma_semaphore, #tpu.memory_space<semaphore_mem>>)
        %dma_wait3A = tpu.memref_slice %arg2[%add3A_23] : memref<100352xi32, #tpu.memory_space<hbm>> -> memref<784xi32, #tpu.memory_space<hbm>>
        %dma_wait3A_39 = tpu.memref_slice %arg2[%add3A_23] : memref<100352xi32, #tpu.memory_space<hbm>> -> memref<784xi32, #tpu.memory_space<hbm>>
        tpu.wait_dma2 semaphore(%run_scoped3A : memref<!tpu.dma_semaphore, #tpu.memory_space<semaphore_mem>>) src(%dma_wait3A_39 : memref<784xi32, #tpu.memory_space<hbm>>) dst(%arg8 : memref<784xi32, #tpu.memory_space<vmem>>)
        tpu.yield
      }) : () -> ()
      "tpu.region"() ({
        %run_scoped3A = tpu.sem_alloc : memref<!tpu.dma_semaphore, #tpu.memory_space<semaphore_mem>>
        %dma_start3A = tpu.memref_slice %arg3[%add3A_23] : memref<100352xf32, #tpu.memory_space<hbm>> -> memref<784xf32, #tpu.memory_space<hbm>>
        %dma_start3A_38 = tpu.memref_slice %arg3[%add3A_23] : memref<100352xf32, #tpu.memory_space<hbm>> -> memref<784xf32, #tpu.memory_space<hbm>>
        tpu.enqueue_dma source(%dma_start3A_38 : memref<784xf32, #tpu.memory_space<hbm>>) target(%arg9 : memref<784xf32, #tpu.memory_space<vmem>>) target_semaphore(%run_scoped3A : memref<!tpu.dma_semaphore, #tpu.memory_space<semaphore_mem>>)
        %dma_wait3A = tpu.memref_slice %arg3[%add3A_23] : memref<100352xf32, #tpu.memory_space<hbm>> -> memref<784xf32, #tpu.memory_space<hbm>>
        %dma_wait3A_39 = tpu.memref_slice %arg3[%add3A_23] : memref<100352xf32, #tpu.memory_space<hbm>> -> memref<784xf32, #tpu.memory_space<hbm>>
        tpu.wait_dma2 semaphore(%run_scoped3A : memref<!tpu.dma_semaphore, #tpu.memory_space<semaphore_mem>>) src(%dma_wait3A_39 : memref<784xf32, #tpu.memory_space<hbm>>) dst(%arg9 : memref<784xf32, #tpu.memory_space<vmem>>)
        tpu.yield
      }) : () -> ()
      "tpu.region"() ({
        %run_scoped3A = tpu.sem_alloc : memref<!tpu.dma_semaphore, #tpu.memory_space<semaphore_mem>>
        %dma_start3A = tpu.memref_slice %arg4[%mul3A_25] : memref<3211264xf32, #tpu.memory_space<hbm>> -> memref<12544xf32, #tpu.memory_space<hbm>>
        %dma_start3A_38 = tpu.memref_slice %arg4[%mul3A_25] : memref<3211264xf32, #tpu.memory_space<hbm>> -> memref<12544xf32, #tpu.memory_space<hbm>>
        tpu.enqueue_dma source(%dma_start3A_38 : memref<12544xf32, #tpu.memory_space<hbm>>) target(%arg10 : memref<12544xf32, #tpu.memory_space<vmem>>) target_semaphore(%run_scoped3A : memref<!tpu.dma_semaphore, #tpu.memory_space<semaphore_mem>>)
        %dma_wait3A = tpu.memref_slice %arg4[%mul3A_25] : memref<3211264xf32, #tpu.memory_space<hbm>> -> memref<12544xf32, #tpu.memory_space<hbm>>
        %dma_wait3A_39 = tpu.memref_slice %arg4[%mul3A_25] : memref<3211264xf32, #tpu.memory_space<hbm>> -> memref<12544xf32, #tpu.memory_space<hbm>>
        tpu.wait_dma2 semaphore(%run_scoped3A : memref<!tpu.dma_semaphore, #tpu.memory_space<semaphore_mem>>) src(%dma_wait3A_39 : memref<12544xf32, #tpu.memory_space<hbm>>) dst(%arg10 : memref<12544xf32, #tpu.memory_space<vmem>>)
        tpu.yield
      }) : () -> ()
      "tpu.region"() ({
        %run_scoped3A = tpu.sem_alloc : memref<!tpu.dma_semaphore, #tpu.memory_space<semaphore_mem>>
        %dma_start3A = tpu.memref_slice %arg4[%mul3A_29] : memref<3211264xf32, #tpu.memory_space<hbm>> -> memref<12544xf32, #tpu.memory_space<hbm>>
        %dma_start3A_38 = tpu.memref_slice %arg4[%mul3A_29] : memref<3211264xf32, #tpu.memory_space<hbm>> -> memref<12544xf32, #tpu.memory_space<hbm>>
        tpu.enqueue_dma source(%dma_start3A_38 : memref<12544xf32, #tpu.memory_space<hbm>>) target(%arg11 : memref<12544xf32, #tpu.memory_space<vmem>>) target_semaphore(%run_scoped3A : memref<!tpu.dma_semaphore, #tpu.memory_space<semaphore_mem>>)
        %dma_wait3A = tpu.memref_slice %arg4[%mul3A_29] : memref<3211264xf32, #tpu.memory_space<hbm>> -> memref<12544xf32, #tpu.memory_space<hbm>>
        %dma_wait3A_39 = tpu.memref_slice %arg4[%mul3A_29] : memref<3211264xf32, #tpu.memory_space<hbm>> -> memref<12544xf32, #tpu.memory_space<hbm>>
        tpu.wait_dma2 semaphore(%run_scoped3A : memref<!tpu.dma_semaphore, #tpu.memory_space<semaphore_mem>>) src(%dma_wait3A_39 : memref<12544xf32, #tpu.memory_space<hbm>>) dst(%arg11 : memref<12544xf32, #tpu.memory_space<vmem>>)
        tpu.yield
      }) : () -> ()
      %mul3A_30 = arith.constant 32 : i32
      %mul3A_31 = arith.muli %add3A_23, %mul3A_30 : i32
      "tpu.region"() ({
        %run_scoped3A = tpu.sem_alloc : memref<!tpu.dma_semaphore, #tpu.memory_space<semaphore_mem>>
        %dma_start3A = tpu.memref_slice %arg5[%mul3A_31] : memref<3211264xf32, #tpu.memory_space<hbm>> -> memref<25088xf32, #tpu.memory_space<hbm>>
        %dma_start3A_38 = tpu.memref_slice %arg5[%mul3A_31] : memref<3211264xf32, #tpu.memory_space<hbm>> -> memref<25088xf32, #tpu.memory_space<hbm>>
        tpu.enqueue_dma source(%dma_start3A_38 : memref<25088xf32, #tpu.memory_space<hbm>>) target(%arg12 : memref<25088xf32, #tpu.memory_space<vmem>>) target_semaphore(%run_scoped3A : memref<!tpu.dma_semaphore, #tpu.memory_space<semaphore_mem>>)
        %dma_wait3A = tpu.memref_slice %arg5[%mul3A_31] : memref<3211264xf32, #tpu.memory_space<hbm>> -> memref<25088xf32, #tpu.memory_space<hbm>>
        %dma_wait3A_39 = tpu.memref_slice %arg5[%mul3A_31] : memref<3211264xf32, #tpu.memory_space<hbm>> -> memref<25088xf32, #tpu.memory_space<hbm>>
        tpu.wait_dma2 semaphore(%run_scoped3A : memref<!tpu.dma_semaphore, #tpu.memory_space<semaphore_mem>>) src(%dma_wait3A_39 : memref<25088xf32, #tpu.memory_space<hbm>>) dst(%arg12 : memref<25088xf32, #tpu.memory_space<vmem>>)
        tpu.yield
      }) : () -> ()
      %scan3A_32 = arith.constant 0 : i32
      %scan3A_33 = arith.constant 0 : i32
      %scan3A_34 = arith.constant 49 : i32
      %scan3A_35 = arith.addi %scan3A_33, %scan3A_34 : i32
      %scan3A_36 = arith.constant 1 : i32
      scf.for %scan3A_38 = %scan3A_33 to %scan3A_35 step %scan3A_36  : i32 {
        %mul3A_39 = arith.constant 16 : i32
        %mul3A_40 = arith.muli %scan3A_38, %mul3A_39 : i32
        %get3A_41 = arith.index_cast %mul3A_40 : i32 to index
        %get3A_42 = tpu.vector_load %arg8[%get3A_41] {strides = array<i32>} : memref<784xi32, #tpu.memory_space<vmem>>, vector<16xi32>,
        %get3A_43 = vector.shape_cast %get3A_42 : vector<16xi32> to vector<16xi32>
        %mul3A_44 = arith.constant 16 : i32
        %mul3A_45 = arith.muli %scan3A_38, %mul3A_44 : i32
        %get3A_46 = arith.index_cast %mul3A_45 : i32 to index
        %get3A_47 = tpu.vector_load %arg9[%get3A_46] {strides = array<i32>} : memref<784xf32, #tpu.memory_space<vmem>>, vector<16xf32>,
        %get3A_48 = vector.shape_cast %get3A_47 : vector<16xf32> to vector<16xf32>
        %mul3A_49 = arith.constant 16 : i32
        %mul3A_50 = arith.muli %scan3A_38, %mul3A_49 : i32
        %add3A_51 = arith.constant 0 : i32
        %add3A_52 = arith.addi %mul3A_50, %add3A_51 : i32
        %mul3A_53 = arith.constant 16 : i32
        %mul3A_54 = arith.muli %add3A_52, %mul3A_53 : i32
        %slice3A = vector.extract_strided_slice %get3A_43 {offsets = [0], sizes = [1], strides = [1]} : vector<16xi32> to vector<1xi32>
        %squeeze3A = vector.extract %slice3A[0] : i32 from vector<1xi32>
        %slice3A_55 = vector.extract_strided_slice %get3A_48 {offsets = [0], sizes = [1], strides = [1]} : vector<16xf32> to vector<1xf32>
        %squeeze3A_56 = vector.extract %slice3A_55[0] : f32 from vector<1xf32>
        %mul3A_57 = arith.constant 32 : i32
        %mul3A_58 = arith.muli %squeeze3A, %mul3A_57 : i32
        %get3A_59 = arith.index_cast %mul3A_54 : i32 to index
        %get3A_60 = tpu.vector_load %arg10[%get3A_59] {strides = array<i32>} : memref<12544xf32, #tpu.memory_space<vmem>>, vector<16xf32>,
        %get3A_61 = vector.shape_cast %get3A_60 : vector<16xf32> to vector<16xf32>
        %mul3A_62 = arith.constant 32 : i32
        %mul3A_63 = arith.muli %add3A_52, %mul3A_62 : i32
        %get3A_64 = arith.index_cast %mul3A_63 : i32 to index
        %get3A_65 = tpu.vector_load %arg12[%get3A_64] {strides = array<i32>} : memref<25088xf32, #tpu.memory_space<vmem>>, vector<16xf32>,
        %get3A_66 = vector.shape_cast %get3A_65 : vector<16xf32> to vector<16xf32>
        %add3A_67 = arith.addf %get3A_61, %get3A_66 : vector<16xf32>
        %mul3A_68 = vector.broadcast %squeeze3A_56 : f32 to vector<16xf32>
        %mul3A_69 = arith.mulf %mul3A_68, %add3A_67 : vector<16xf32>
        %add3A_70 = arith.addf %mul3A_69, %get3A_8 : vector<16xf32>
        %max3A = arith.constant 0.000000e+00 : f32
        %max3A_71 = vector.broadcast %max3A : f32 to vector<16xf32>
        %max3A_72 = arith.maximumf %add3A_70, %max3A_71 : vector<16xf32>
        %get3A_73 = arith.index_cast %mul3A_58 : i32 to index
        %get3A_74 = tpu.vector_load %arg13[%get3A_73] {strides = array<i32>} : memref<32800xf32, #tpu.memory_space<vmem>>, vector<16xf32>,
        %get3A_75 = vector.shape_cast %get3A_74 : vector<16xf32> to vector<16xf32>
        %max3A_76 = arith.maximumf %get3A_75, %max3A_72 : vector<16xf32>
        %swap3A = arith.index_cast %mul3A_58 : i32 to index
        %swap3A_77 = tpu.vector_load %arg13[%swap3A] {strides = array<i32>} : memref<32800xf32, #tpu.memory_space<vmem>>, vector<16xf32>,
        %swap3A_78 = vector.shape_cast %swap3A_77 : vector<16xf32> to vector<16xf32>
        %swap3A_79 = vector.shape_cast %max3A_76 : vector<16xf32> to vector<16xf32>
        tpu.vector_store %arg13[%swap3A], %swap3A_79 {strides = array<i32>} : memref<32800xf32, #tpu.memory_space<vmem>>, vector<16xf32>,
        %get3A_80 = arith.index_cast %mul3A_54 : i32 to index
        %get3A_81 = tpu.vector_load %arg11[%get3A_80] {strides = array<i32>} : memref<12544xf32, #tpu.memory_space<vmem>>, vector<16xf32>,
        %get3A_82 = vector.shape_cast %get3A_81 : vector<16xf32> to vector<16xf32>
        %mul3A_83 = arith.constant 32 : i32
        %mul3A_84 = arith.muli %add3A_52, %mul3A_83 : i32
        %add3A_85 = arith.constant 16 : i32
        %add3A_86 = arith.addi %mul3A_84, %add3A_85 : i32
        %get3A_87 = arith.index_cast %add3A_86 : i32 to index
        %get3A_88 = tpu.vector_load %arg12[%get3A_87] {strides = array<i32>} : memref<25088xf32, #tpu.memory_space<vmem>>, vector<16xf32>,
        %get3A_89 = vector.shape_cast %get3A_88 : vector<16xf32> to vector<16xf32>
        %add3A_90 = arith.addf %get3A_82, %get3A_89 : vector<16xf32>
        %mul3A_91 = vector.broadcast %squeeze3A_56 : f32 to vector<16xf32>
        %mul3A_92 = arith.mulf %mul3A_91, %add3A_90 : vector<16xf32>
        %add3A_93 = arith.addf %mul3A_92, %get3A_11 : vector<16xf32>
        %max3A_94 = arith.constant 0.000000e+00 : f32
        %max3A_95 = vector.broadcast %max3A_94 : f32 to vector<16xf32>
        %max3A_96 = arith.maximumf %add3A_93, %max3A_95 : vector<16xf32>
        %add3A_97 = arith.constant 16 : i32
        %add3A_98 = arith.addi %mul3A_58, %add3A_97 : i32
        %get3A_99 = arith.index_cast %add3A_98 : i32 to index
        %get3A_100 = tpu.vector_load %arg13[%get3A_99] {strides = array<i32>} : memref<32800xf32, #tpu.memory_space<vmem>>, vector<16xf32>,
        %get3A_101 = vector.shape_cast %get3A_100 : vector<16xf32> to vector<16xf32>
        %max3A_102 = arith.maximumf %get3A_101, %max3A_96 : vector<16xf32>
        %add3A_103 = arith.constant 16 : i32
        %add3A_104 = arith.addi %mul3A_58, %add3A_103 : i32
        %swap3A_105 = arith.index_cast %add3A_104 : i32 to index
        %swap3A_106 = tpu.vector_load %arg13[%swap3A_105] {strides = array<i32>} : memref<32800xf32, #tpu.memory_space<vmem>>, vector<16xf32>,
        %swap3A_107 = vector.shape_cast %swap3A_106 : vector<16xf32> to vector<16xf32>
        %swap3A_108 = vector.shape_cast %max3A_102 : vector<16xf32> to vector<16xf32>
        tpu.vector_store %arg13[%swap3A_105], %swap3A_108 {strides = array<i32>} : memref<32800xf32, #tpu.memory_space<vmem>>, vector<16xf32>,
        %mul3A_109 = arith.constant 16 : i32
        %mul3A_110 = arith.muli %scan3A_38, %mul3A_109 : i32
        %add3A_111 = arith.constant 1 : i32
        %add3A_112 = arith.addi %mul3A_110, %add3A_111 : i32
        %mul3A_113 = arith.constant 16 : i32
        %mul3A_114 = arith.muli %add3A_112, %mul3A_113 : i32
        %slice3A_115 = vector.extract_strided_slice %get3A_43 {offsets = [1], sizes = [1], strides = [1]} : vector<16xi32> to vector<1xi32>
        %squeeze3A_116 = vector.extract %slice3A_115[0] : i32 from vector<1xi32>
        %slice3A_117 = vector.extract_strided_slice %get3A_48 {offsets = [1], sizes = [1], strides = [1]} : vector<16xf32> to vector<1xf32>
        %squeeze3A_118 = vector.extract %slice3A_117[0] : f32 from vector<1xf32>
        %mul3A_119 = arith.constant 32 : i32
        %mul3A_120 = arith.muli %squeeze3A_116, %mul3A_119 : i32
        %get3A_121 = arith.index_cast %mul3A_114 : i32 to index
        %get3A_122 = tpu.vector_load %arg10[%get3A_121] {strides = array<i32>} : memref<12544xf32, #tpu.memory_space<vmem>>, vector<16xf32>,
        %get3A_123 = vector.shape_cast %get3A_122 : vector<16xf32> to vector<16xf32>
        %mul3A_124 = arith.constant 32 : i32
        %mul3A_125 = arith.muli %add3A_112, %mul3A_124 : i32
        %get3A_126 = arith.index_cast %mul3A_125 : i32 to index
        %get3A_127 = tpu.vector_load %arg12[%get3A_126] {strides = array<i32>} : memref<25088xf32, #tpu.memory_space<vmem>>, vector<16xf32>,
        %get3A_128 = vector.shape_cast %get3A_127 : vector<16xf32> to vector<16xf32>
        %add3A_129 = arith.addf %get3A_123, %get3A_128 : vector<16xf32>
        %mul3A_130 = vector.broadcast %squeeze3A_118 : f32 to vector<16xf32>
        %mul3A_131 = arith.mulf %mul3A_130, %add3A_129 : vector<16xf32>
        %add3A_132 = arith.addf %mul3A_131, %get3A_8 : vector<16xf32>
        %max3A_133 = arith.constant 0.000000e+00 : f32
        %max3A_134 = vector.broadcast %max3A_133 : f32 to vector<16xf32>
        %max3A_135 = arith.maximumf %add3A_132, %max3A_134 : vector<16xf32>
        %get3A_136 = arith.index_cast %mul3A_120 : i32 to index
        %get3A_137 = tpu.vector_load %arg13[%get3A_136] {strides = array<i32>} : memref<32800xf32, #tpu.memory_space<vmem>>, vector<16xf32>,
        %get3A_138 = vector.shape_cast %get3A_137 : vector<16xf32> to vector<16xf32>
        %max3A_139 = arith.maximumf %get3A_138, %max3A_135 : vector<16xf32>
        %swap3A_140 = arith.index_cast %mul3A_120 : i32 to index
        %swap3A_141 = tpu.vector_load %arg13[%swap3A_140] {strides = array<i32>} : memref<32800xf32, #tpu.memory_space<vmem>>, vector<16xf32>,
        %swap3A_142 = vector.shape_cast %swap3A_141 : vector<16xf32> to vector<16xf32>
        %swap3A_143 = vector.shape_cast %max3A_139 : vector<16xf32> to vector<16xf32>
        tpu.vector_store %arg13[%swap3A_140], %swap3A_143 {strides = array<i32>} : memref<32800xf32, #tpu.memory_space<vmem>>, vector<16xf32>,
        %get3A_144 = arith.index_cast %mul3A_114 : i32 to index
        %get3A_145 = tpu.vector_load %arg11[%get3A_144] {strides = array<i32>} : memref<12544xf32, #tpu.memory_space<vmem>>, vector<16xf32>,
        %get3A_146 = vector.shape_cast %get3A_145 : vector<16xf32> to vector<16xf32>
        %mul3A_147 = arith.constant 32 : i32
        %mul3A_148 = arith.muli %add3A_112, %mul3A_147 : i32
        %add3A_149 = arith.constant 16 : i32
        %add3A_150 = arith.addi %mul3A_148, %add3A_149 : i32
        %get3A_151 = arith.index_cast %add3A_150 : i32 to index
        %get3A_152 = tpu.vector_load %arg12[%get3A_151] {strides = array<i32>} : memref<25088xf32, #tpu.memory_space<vmem>>, vector<16xf32>,
        %get3A_153 = vector.shape_cast %get3A_152 : vector<16xf32> to vector<16xf32>
        %add3A_154 = arith.addf %get3A_146, %get3A_153 : vector<16xf32>
        %mul3A_155 = vector.broadcast %squeeze3A_118 : f32 to vector<16xf32>
        %mul3A_156 = arith.mulf %mul3A_155, %add3A_154 : vector<16xf32>
        %add3A_157 = arith.addf %mul3A_156, %get3A_11 : vector<16xf32>
        %max3A_158 = arith.constant 0.000000e+00 : f32
        %max3A_159 = vector.broadcast %max3A_158 : f32 to vector<16xf32>
        %max3A_160 = arith.maximumf %add3A_157, %max3A_159 : vector<16xf32>
        %add3A_161 = arith.constant 16 : i32
        %add3A_162 = arith.addi %mul3A_120, %add3A_161 : i32
        %get3A_163 = arith.index_cast %add3A_162 : i32 to index
        %get3A_164 = tpu.vector_load %arg13[%get3A_163] {strides = array<i32>} : memref<32800xf32, #tpu.memory_space<vmem>>, vector<16xf32>,
        %get3A_165 = vector.shape_cast %get3A_164 : vector<16xf32> to vector<16xf32>
        %max3A_166 = arith.maximumf %get3A_165, %max3A_160 : vector<16xf32>
        %add3A_167 = arith.constant 16 : i32
        %add3A_168 = arith.addi %mul3A_120, %add3A_167 : i32
        %swap3A_169 = arith.index_cast %add3A_168 : i32 to index
        %swap3A_170 = tpu.vector_load %arg13[%swap3A_169] {strides = array<i32>} : memref<32800xf32, #tpu.memory_space<vmem>>, vector<16xf32>,
        %swap3A_171 = vector.shape_cast %swap3A_170 : vector<16xf32> to vector<16xf32>
        %swap3A_172 = vector.shape_cast %max3A_166 : vector<16xf32> to vector<16xf32>
        tpu.vector_store %arg13[%swap3A_169], %swap3A_172 {strides = array<i32>} : memref<32800xf32, #tpu.memory_space<vmem>>, vector<16xf32>,
        %mul3A_173 = arith.constant 16 : i32
        %mul3A_174 = arith.muli %scan3A_38, %mul3A_173 : i32
        %add3A_175 = arith.constant 2 : i32
        %add3A_176 = arith.addi %mul3A_174, %add3A_175 : i32
        %mul3A_177 = arith.constant 16 : i32
        %mul3A_178 = arith.muli %add3A_176, %mul3A_177 : i32
        %slice3A_179 = vector.extract_strided_slice %get3A_43 {offsets = [2], sizes = [1], strides = [1]} : vector<16xi32> to vector<1xi32>
        %squeeze3A_180 = vector.extract %slice3A_179[0] : i32 from vector<1xi32>
        %slice3A_181 = vector.extract_strided_slice %get3A_48 {offsets = [2], sizes = [1], strides = [1]} : vector<16xf32> to vector<1xf32>
        %squeeze3A_182 = vector.extract %slice3A_181[0] : f32 from vector<1xf32>
        %mul3A_183 = arith.constant 32 : i32
        %mul3A_184 = arith.muli %squeeze3A_180, %mul3A_183 : i32
        %get3A_185 = arith.index_cast %mul3A_178 : i32 to index
        %get3A_186 = tpu.vector_load %arg10[%get3A_185] {strides = array<i32>} : memref<12544xf32, #tpu.memory_space<vmem>>, vector<16xf32>,
        %get3A_187 = vector.shape_cast %get3A_186 : vector<16xf32> to vector<16xf32>
        %mul3A_188 = arith.constant 32 : i32
        %mul3A_189 = arith.muli %add3A_176, %mul3A_188 : i32
        %get3A_190 = arith.index_cast %mul3A_189 : i32 to index
        %get3A_191 = tpu.vector_load %arg12[%get3A_190] {strides = array<i32>} : memref<25088xf32, #tpu.memory_space<vmem>>, vector<16xf32>,
        %get3A_192 = vector.shape_cast %get3A_191 : vector<16xf32> to vector<16xf32>
        %add3A_193 = arith.addf %get3A_187, %get3A_192 : vector<16xf32>
        %mul3A_194 = vector.broadcast %squeeze3A_182 : f32 to vector<16xf32>
        %mul3A_195 = arith.mulf %mul3A_194, %add3A_193 : vector<16xf32>
        %add3A_196 = arith.addf %mul3A_195, %get3A_8 : vector<16xf32>
        %max3A_197 = arith.constant 0.000000e+00 : f32
        %max3A_198 = vector.broadcast %max3A_197 : f32 to vector<16xf32>
        %max3A_199 = arith.maximumf %add3A_196, %max3A_198 : vector<16xf32>
        %get3A_200 = arith.index_cast %mul3A_184 : i32 to index
        %get3A_201 = tpu.vector_load %arg13[%get3A_200] {strides = array<i32>} : memref<32800xf32, #tpu.memory_space<vmem>>, vector<16xf32>,
        %get3A_202 = vector.shape_cast %get3A_201 : vector<16xf32> to vector<16xf32>
        %max3A_203 = arith.maximumf %get3A_202, %max3A_199 : vector<16xf32>
        %swap3A_204 = arith.index_cast %mul3A_184 : i32 to index
        %swap3A_205 = tpu.vector_load %arg13[%swap3A_204] {strides = array<i32>} : memref<32800xf32, #tpu.memory_space<vmem>>, vector<16xf32>,
        %swap3A_206 = vector.shape_cast %swap3A_205 : vector<16xf32> to vector<16xf32>
        %swap3A_207 = vector.shape_cast %max3A_203 : vector<16xf32> to vector<16xf32>
        tpu.vector_store %arg13[%swap3A_204], %swap3A_207 {strides = array<i32>} : memref<32800xf32, #tpu.memory_space<vmem>>, vector<16xf32>,
        %get3A_208 = arith.index_cast %mul3A_178 : i32 to index
        %get3A_209 = tpu.vector_load %arg11[%get3A_208] {strides = array<i32>} : memref<12544xf32, #tpu.memory_space<vmem>>, vector<16xf32>,
        %get3A_210 = vector.shape_cast %get3A_209 : vector<16xf32> to vector<16xf32>
        %mul3A_211 = arith.constant 32 : i32
        %mul3A_212 = arith.muli %add3A_176, %mul3A_211 : i32
        %add3A_213 = arith.constant 16 : i32
        %add3A_214 = arith.addi %mul3A_212, %add3A_213 : i32
        %get3A_215 = arith.index_cast %add3A_214 : i32 to index
        %get3A_216 = tpu.vector_load %arg12[%get3A_215] {strides = array<i32>} : memref<25088xf32, #tpu.memory_space<vmem>>, vector<16xf32>,
        %get3A_217 = vector.shape_cast %get3A_216 : vector<16xf32> to vector<16xf32>
        %add3A_218 = arith.addf %get3A_210, %get3A_217 : vector<16xf32>
        %mul3A_219 = vector.broadcast %squeeze3A_182 : f32 to vector<16xf32>
        %mul3A_220 = arith.mulf %mul3A_219, %add3A_218 : vector<16xf32>
        %add3A_221 = arith.addf %mul3A_220, %get3A_11 : vector<16xf32>
        %max3A_222 = arith.constant 0.000000e+00 : f32
        %max3A_223 = vector.broadcast %max3A_222 : f32 to vector<16xf32>
        %max3A_224 = arith.maximumf %add3A_221, %max3A_223 : vector<16xf32>
        %add3A_225 = arith.constant 16 : i32
        %add3A_226 = arith.addi %mul3A_184, %add3A_225 : i32
        %get3A_227 = arith.index_cast %add3A_226 : i32 to index
        %get3A_228 = tpu.vector_load %arg13[%get3A_227] {strides = array<i32>} : memref<32800xf32, #tpu.memory_space<vmem>>, vector<16xf32>,
        %get3A_229 = vector.shape_cast %get3A_228 : vector<16xf32> to vector<16xf32>
        %max3A_230 = arith.maximumf %get3A_229, %max3A_224 : vector<16xf32>
        %add3A_231 = arith.constant 16 : i32
        %add3A_232 = arith.addi %mul3A_184, %add3A_231 : i32
        %swap3A_233 = arith.index_cast %add3A_232 : i32 to index
        %swap3A_234 = tpu.vector_load %arg13[%swap3A_233] {strides = array<i32>} : memref<32800xf32, #tpu.memory_space<vmem>>, vector<16xf32>,
        %swap3A_235 = vector.shape_cast %swap3A_234 : vector<16xf32> to vector<16xf32>
        %swap3A_236 = vector.shape_cast %max3A_230 : vector<16xf32> to vector<16xf32>
        tpu.vector_store %arg13[%swap3A_233], %swap3A_236 {strides = array<i32>} : memref<32800xf32, #tpu.memory_space<vmem>>, vector<16xf32>,
        %mul3A_237 = arith.constant 16 : i32
        %mul3A_238 = arith.muli %scan3A_38, %mul3A_237 : i32
        %add3A_239 = arith.constant 3 : i32
        %add3A_240 = arith.addi %mul3A_238, %add3A_239 : i32
        %mul3A_241 = arith.constant 16 : i32
        %mul3A_242 = arith.muli %add3A_240, %mul3A_241 : i32
        %slice3A_243 = vector.extract_strided_slice %get3A_43 {offsets = [3], sizes = [1], strides = [1]} : vector<16xi32> to vector<1xi32>
        %squeeze3A_244 = vector.extract %slice3A_243[0] : i32 from vector<1xi32>
        %slice3A_245 = vector.extract_strided_slice %get3A_48 {offsets = [3], sizes = [1], strides = [1]} : vector<16xf32> to vector<1xf32>
        %squeeze3A_246 = vector.extract %slice3A_245[0] : f32 from vector<1xf32>
        %mul3A_247 = arith.constant 32 : i32
        %mul3A_248 = arith.muli %squeeze3A_244, %mul3A_247 : i32
        %get3A_249 = arith.index_cast %mul3A_242 : i32 to index
        %get3A_250 = tpu.vector_load %arg10[%get3A_249] {strides = array<i32>} : memref<12544xf32, #tpu.memory_space<vmem>>, vector<16xf32>,
        %get3A_251 = vector.shape_cast %get3A_250 : vector<16xf32> to vector<16xf32>
        %mul3A_252 = arith.constant 32 : i32
        %mul3A_253 = arith.muli %add3A_240, %mul3A_252 : i32
        %get3A_254 = arith.index_cast %mul3A_253 : i32 to index
        %get3A_255 = tpu.vector_load %arg12[%get3A_254] {strides = array<i32>} : memref<25088xf32, #tpu.memory_space<vmem>>, vector<16xf32>,
        %get3A_256 = vector.shape_cast %get3A_255 : vector<16xf32> to vector<16xf32>
        %add3A_257 = arith.addf %get3A_251, %get3A_256 : vector<16xf32>
        %mul3A_258 = vector.broadcast %squeeze3A_246 : f32 to vector<16xf32>
        %mul3A_259 = arith.mulf %mul3A_258, %add3A_257 : vector<16xf32>
        %add3A_260 = arith.addf %mul3A_259, %get3A_8 : vector<16xf32>
        %max3A_261 = arith.constant 0.000000e+00 : f32
        %max3A_262 = vector.broadcast %max3A_261 : f32 to vector<16xf32>
        %max3A_263 = arith.maximumf %add3A_260, %max3A_262 : vector<16xf32>
        %get3A_264 = arith.index_cast %mul3A_248 : i32 to index
        %get3A_265 = tpu.vector_load %arg13[%get3A_264] {strides = array<i32>} : memref<32800xf32, #tpu.memory_space<vmem>>, vector<16xf32>,
        %get3A_266 = vector.shape_cast %get3A_265 : vector<16xf32> to vector<16xf32>
        %max3A_267 = arith.maximumf %get3A_266, %max3A_263 : vector<16xf32>
        %swap3A_268 = arith.index_cast %mul3A_248 : i32 to index
        %swap3A_269 = tpu.vector_load %arg13[%swap3A_268] {strides = array<i32>} : memref<32800xf32, #tpu.memory_space<vmem>>, vector<16xf32>,
        %swap3A_270 = vector.shape_cast %swap3A_269 : vector<16xf32> to vector<16xf32>
        %swap3A_271 = vector.shape_cast %max3A_267 : vector<16xf32> to vector<16xf32>
        tpu.vector_store %arg13[%swap3A_268], %swap3A_271 {strides = array<i32>} : memref<32800xf32, #tpu.memory_space<vmem>>, vector<16xf32>,
        %get3A_272 = arith.index_cast %mul3A_242 : i32 to index
        %get3A_273 = tpu.vector_load %arg11[%get3A_272] {strides = array<i32>} : memref<12544xf32, #tpu.memory_space<vmem>>, vector<16xf32>,
        %get3A_274 = vector.shape_cast %get3A_273 : vector<16xf32> to vector<16xf32>
        %mul3A_275 = arith.constant 32 : i32
        %mul3A_276 = arith.muli %add3A_240, %mul3A_275 : i32
        %add3A_277 = arith.constant 16 : i32
        %add3A_278 = arith.addi %mul3A_276, %add3A_277 : i32
        %get3A_279 = arith.index_cast %add3A_278 : i32 to index
        %get3A_280 = tpu.vector_load %arg12[%get3A_279] {strides = array<i32>} : memref<25088xf32, #tpu.memory_space<vmem>>, vector<16xf32>,
        %get3A_281 = vector.shape_cast %get3A_280 : vector<16xf32> to vector<16xf32>
        %add3A_282 = arith.addf %get3A_274, %get3A_281 : vector<16xf32>
        %mul3A_283 = vector.broadcast %squeeze3A_246 : f32 to vector<16xf32>
        %mul3A_284 = arith.mulf %mul3A_283, %add3A_282 : vector<16xf32>
        %add3A_285 = arith.addf %mul3A_284, %get3A_11 : vector<16xf32>
        %max3A_286 = arith.constant 0.000000e+00 : f32
        %max3A_287 = vector.broadcast %max3A_286 : f32 to vector<16xf32>
        %max3A_288 = arith.maximumf %add3A_285, %max3A_287 : vector<16xf32>
        %add3A_289 = arith.constant 16 : i32
        %add3A_290 = arith.addi %mul3A_248, %add3A_289 : i32
        %get3A_291 = arith.index_cast %add3A_290 : i32 to index
        %get3A_292 = tpu.vector_load %arg13[%get3A_291] {strides = array<i32>} : memref<32800xf32, #tpu.memory_space<vmem>>, vector<16xf32>,
        %get3A_293 = vector.shape_cast %get3A_292 : vector<16xf32> to vector<16xf32>
        %max3A_294 = arith.maximumf %get3A_293, %max3A_288 : vector<16xf32>
        %add3A_295 = arith.constant 16 : i32
        %add3A_296 = arith.addi %mul3A_248, %add3A_295 : i32
        %swap3A_297 = arith.index_cast %add3A_296 : i32 to index
        %swap3A_298 = tpu.vector_load %arg13[%swap3A_297] {strides = array<i32>} : memref<32800xf32, #tpu.memory_space<vmem>>, vector<16xf32>,
        %swap3A_299 = vector.shape_cast %swap3A_298 : vector<16xf32> to vector<16xf32>
        %swap3A_300 = vector.shape_cast %max3A_294 : vector<16xf32> to vector<16xf32>
        tpu.vector_store %arg13[%swap3A_297], %swap3A_300 {strides = array<i32>} : memref<32800xf32, #tpu.memory_space<vmem>>, vector<16xf32>,
        %mul3A_301 = arith.constant 16 : i32
        %mul3A_302 = arith.muli %scan3A_38, %mul3A_301 : i32
        %add3A_303 = arith.constant 4 : i32
        %add3A_304 = arith.addi %mul3A_302, %add3A_303 : i32
        %mul3A_305 = arith.constant 16 : i32
        %mul3A_306 = arith.muli %add3A_304, %mul3A_305 : i32
        %slice3A_307 = vector.extract_strided_slice %get3A_43 {offsets = [4], sizes = [1], strides = [1]} : vector<16xi32> to vector<1xi32>
        %squeeze3A_308 = vector.extract %slice3A_307[0] : i32 from vector<1xi32>
        %slice3A_309 = vector.extract_strided_slice %get3A_48 {offsets = [4], sizes = [1], strides = [1]} : vector<16xf32> to vector<1xf32>
        %squeeze3A_310 = vector.extract %slice3A_309[0] : f32 from vector<1xf32>
        %mul3A_311 = arith.constant 32 : i32
        %mul3A_312 = arith.muli %squeeze3A_308, %mul3A_311 : i32
        %get3A_313 = arith.index_cast %mul3A_306 : i32 to index
        %get3A_314 = tpu.vector_load %arg10[%get3A_313] {strides = array<i32>} : memref<12544xf32, #tpu.memory_space<vmem>>, vector<16xf32>,
        %get3A_315 = vector.shape_cast %get3A_314 : vector<16xf32> to vector<16xf32>
        %mul3A_316 = arith.constant 32 : i32
        %mul3A_317 = arith.muli %add3A_304, %mul3A_316 : i32
        %get3A_318 = arith.index_cast %mul3A_317 : i32 to index
        %get3A_319 = tpu.vector_load %arg12[%get3A_318] {strides = array<i32>} : memref<25088xf32, #tpu.memory_space<vmem>>, vector<16xf32>,
        %get3A_320 = vector.shape_cast %get3A_319 : vector<16xf32> to vector<16xf32>
        %add3A_321 = arith.addf %get3A_315, %get3A_320 : vector<16xf32>
        %mul3A_322 = vector.broadcast %squeeze3A_310 : f32 to vector<16xf32>
        %mul3A_323 = arith.mulf %mul3A_322, %add3A_321 : vector<16xf32>
        %add3A_324 = arith.addf %mul3A_323, %get3A_8 : vector<16xf32>
        %max3A_325 = arith.constant 0.000000e+00 : f32
        %max3A_326 = vector.broadcast %max3A_325 : f32 to vector<16xf32>
        %max3A_327 = arith.maximumf %add3A_324, %max3A_326 : vector<16xf32>
        %get3A_328 = arith.index_cast %mul3A_312 : i32 to index
        %get3A_329 = tpu.vector_load %arg13[%get3A_328] {strides = array<i32>} : memref<32800xf32, #tpu.memory_space<vmem>>, vector<16xf32>,
        %get3A_330 = vector.shape_cast %get3A_329 : vector<16xf32> to vector<16xf32>
        %max3A_331 = arith.maximumf %get3A_330, %max3A_327 : vector<16xf32>
        %swap3A_332 = arith.index_cast %mul3A_312 : i32 to index
        %swap3A_333 = tpu.vector_load %arg13[%swap3A_332] {strides = array<i32>} : memref<32800xf32, #tpu.memory_space<vmem>>, vector<16xf32>,
        %swap3A_334 = vector.shape_cast %swap3A_333 : vector<16xf32> to vector<16xf32>
        %swap3A_335 = vector.shape_cast %max3A_331 : vector<16xf32> to vector<16xf32>
        tpu.vector_store %arg13[%swap3A_332], %swap3A_335 {strides = array<i32>} : memref<32800xf32, #tpu.memory_space<vmem>>, vector<16xf32>,
        %get3A_336 = arith.index_cast %mul3A_306 : i32 to index
        %get3A_337 = tpu.vector_load %arg11[%get3A_336] {strides = array<i32>} : memref<12544xf32, #tpu.memory_space<vmem>>, vector<16xf32>,
        %get3A_338 = vector.shape_cast %get3A_337 : vector<16xf32> to vector<16xf32>
        %mul3A_339 = arith.constant 32 : i32
        %mul3A_340 = arith.muli %add3A_304, %mul3A_339 : i32
        %add3A_341 = arith.constant 16 : i32
        %add3A_342 = arith.addi %mul3A_340, %add3A_341 : i32
        %get3A_343 = arith.index_cast %add3A_342 : i32 to index
        %get3A_344 = tpu.vector_load %arg12[%get3A_343] {strides = array<i32>} : memref<25088xf32, #tpu.memory_space<vmem>>, vector<16xf32>,
        %get3A_345 = vector.shape_cast %get3A_344 : vector<16xf32> to vector<16xf32>
        %add3A_346 = arith.addf %get3A_338, %get3A_345 : vector<16xf32>
        %mul3A_347 = vector.broadcast %squeeze3A_310 : f32 to vector<16xf32>
        %mul3A_348 = arith.mulf %mul3A_347, %add3A_346 : vector<16xf32>
        %add3A_349 = arith.addf %mul3A_348, %get3A_11 : vector<16xf32>
        %max3A_350 = arith.constant 0.000000e+00 : f32
        %max3A_351 = vector.broadcast %max3A_350 : f32 to vector<16xf32>
        %max3A_352 = arith.maximumf %add3A_349, %max3A_351 : vector<16xf32>
        %add3A_353 = arith.constant 16 : i32
        %add3A_354 = arith.addi %mul3A_312, %add3A_353 : i32
        %get3A_355 = arith.index_cast %add3A_354 : i32 to index
        %get3A_356 = tpu.vector_load %arg13[%get3A_355] {strides = array<i32>} : memref<32800xf32, #tpu.memory_space<vmem>>, vector<16xf32>,
        %get3A_357 = vector.shape_cast %get3A_356 : vector<16xf32> to vector<16xf32>
        %max3A_358 = arith.maximumf %get3A_357, %max3A_352 : vector<16xf32>
        %add3A_359 = arith.constant 16 : i32
        %add3A_360 = arith.addi %mul3A_312, %add3A_359 : i32
        %swap3A_361 = arith.index_cast %add3A_360 : i32 to index
        %swap3A_362 = tpu.vector_load %arg13[%swap3A_361] {strides = array<i32>} : memref<32800xf32, #tpu.memory_space<vmem>>, vector<16xf32>,
        %swap3A_363 = vector.shape_cast %swap3A_362 : vector<16xf32> to vector<16xf32>
        %swap3A_364 = vector.shape_cast %max3A_358 : vector<16xf32> to vector<16xf32>
        tpu.vector_store %arg13[%swap3A_361], %swap3A_364 {strides = array<i32>} : memref<32800xf32, #tpu.memory_space<vmem>>, vector<16xf32>,
        %mul3A_365 = arith.constant 16 : i32
        %mul3A_366 = arith.muli %scan3A_38, %mul3A_365 : i32
        %add3A_367 = arith.constant 5 : i32
        %add3A_368 = arith.addi %mul3A_366, %add3A_367 : i32
        %mul3A_369 = arith.constant 16 : i32
        %mul3A_370 = arith.muli %add3A_368, %mul3A_369 : i32
        %slice3A_371 = vector.extract_strided_slice %get3A_43 {offsets = [5], sizes = [1], strides = [1]} : vector<16xi32> to vector<1xi32>
        %squeeze3A_372 = vector.extract %slice3A_371[0] : i32 from vector<1xi32>
        %slice3A_373 = vector.extract_strided_slice %get3A_48 {offsets = [5], sizes = [1], strides = [1]} : vector<16xf32> to vector<1xf32>
        %squeeze3A_374 = vector.extract %slice3A_373[0] : f32 from vector<1xf32>
        %mul3A_375 = arith.constant 32 : i32
        %mul3A_376 = arith.muli %squeeze3A_372, %mul3A_375 : i32
        %get3A_377 = arith.index_cast %mul3A_370 : i32 to index
        %get3A_378 = tpu.vector_load %arg10[%get3A_377] {strides = array<i32>} : memref<12544xf32, #tpu.memory_space<vmem>>, vector<16xf32>,
        %get3A_379 = vector.shape_cast %get3A_378 : vector<16xf32> to vector<16xf32>
        %mul3A_380 = arith.constant 32 : i32
        %mul3A_381 = arith.muli %add3A_368, %mul3A_380 : i32
        %get3A_382 = arith.index_cast %mul3A_381 : i32 to index
        %get3A_383 = tpu.vector_load %arg12[%get3A_382] {strides = array<i32>} : memref<25088xf32, #tpu.memory_space<vmem>>, vector<16xf32>,
        %get3A_384 = vector.shape_cast %get3A_383 : vector<16xf32> to vector<16xf32>
        %add3A_385 = arith.addf %get3A_379, %get3A_384 : vector<16xf32>
        %mul3A_386 = vector.broadcast %squeeze3A_374 : f32 to vector<16xf32>
        %mul3A_387 = arith.mulf %mul3A_386, %add3A_385 : vector<16xf32>
        %add3A_388 = arith.addf %mul3A_387, %get3A_8 : vector<16xf32>
        %max3A_389 = arith.constant 0.000000e+00 : f32
        %max3A_390 = vector.broadcast %max3A_389 : f32 to vector<16xf32>
        %max3A_391 = arith.maximumf %add3A_388, %max3A_390 : vector<16xf32>
        %get3A_392 = arith.index_cast %mul3A_376 : i32 to index
        %get3A_393 = tpu.vector_load %arg13[%get3A_392] {strides = array<i32>} : memref<32800xf32, #tpu.memory_space<vmem>>, vector<16xf32>,
        %get3A_394 = vector.shape_cast %get3A_393 : vector<16xf32> to vector<16xf32>
        %max3A_395 = arith.maximumf %get3A_394, %max3A_391 : vector<16xf32>
        %swap3A_396 = arith.index_cast %mul3A_376 : i32 to index
        %swap3A_397 = tpu.vector_load %arg13[%swap3A_396] {strides = array<i32>} : memref<32800xf32, #tpu.memory_space<vmem>>, vector<16xf32>,
        %swap3A_398 = vector.shape_cast %swap3A_397 : vector<16xf32> to vector<16xf32>
        %swap3A_399 = vector.shape_cast %max3A_395 : vector<16xf32> to vector<16xf32>
        tpu.vector_store %arg13[%swap3A_396], %swap3A_399 {strides = array<i32>} : memref<32800xf32, #tpu.memory_space<vmem>>, vector<16xf32>,
        %get3A_400 = arith.index_cast %mul3A_370 : i32 to index
        %get3A_401 = tpu.vector_load %arg11[%get3A_400] {strides = array<i32>} : memref<12544xf32, #tpu.memory_space<vmem>>, vector<16xf32>,
        %get3A_402 = vector.shape_cast %get3A_401 : vector<16xf32> to vector<16xf32>
        %mul3A_403 = arith.constant 32 : i32
        %mul3A_404 = arith.muli %add3A_368, %mul3A_403 : i32
        %add3A_405 = arith.constant 16 : i32
        %add3A_406 = arith.addi %mul3A_404, %add3A_405 : i32
        %get3A_407 = arith.index_cast %add3A_406 : i32 to index
        %get3A_408 = tpu.vector_load %arg12[%get3A_407] {strides = array<i32>} : memref<25088xf32, #tpu.memory_space<vmem>>, vector<16xf32>,
        %get3A_409 = vector.shape_cast %get3A_408 : vector<16xf32> to vector<16xf32>
        %add3A_410 = arith.addf %get3A_402, %get3A_409 : vector<16xf32>
        %mul3A_411 = vector.broadcast %squeeze3A_374 : f32 to vector<16xf32>
        %mul3A_412 = arith.mulf %mul3A_411, %add3A_410 : vector<16xf32>
        %add3A_413 = arith.addf %mul3A_412, %get3A_11 : vector<16xf32>
        %max3A_414 = arith.constant 0.000000e+00 : f32
        %max3A_415 = vector.broadcast %max3A_414 : f32 to vector<16xf32>
        %max3A_416 = arith.maximumf %add3A_413, %max3A_415 : vector<16xf32>
        %add3A_417 = arith.constant 16 : i32
        %add3A_418 = arith.addi %mul3A_376, %add3A_417 : i32
        %get3A_419 = arith.index_cast %add3A_418 : i32 to index
        %get3A_420 = tpu.vector_load %arg13[%get3A_419] {strides = array<i32>} : memref<32800xf32, #tpu.memory_space<vmem>>, vector<16xf32>,
        %get3A_421 = vector.shape_cast %get3A_420 : vector<16xf32> to vector<16xf32>
        %max3A_422 = arith.maximumf %get3A_421, %max3A_416 : vector<16xf32>
        %add3A_423 = arith.constant 16 : i32
        %add3A_424 = arith.addi %mul3A_376, %add3A_423 : i32
        %swap3A_425 = arith.index_cast %add3A_424 : i32 to index
        %swap3A_426 = tpu.vector_load %arg13[%swap3A_425] {strides = array<i32>} : memref<32800xf32, #tpu.memory_space<vmem>>, vector<16xf32>,
        %swap3A_427 = vector.shape_cast %swap3A_426 : vector<16xf32> to vector<16xf32>
        %swap3A_428 = vector.shape_cast %max3A_422 : vector<16xf32> to vector<16xf32>
        tpu.vector_store %arg13[%swap3A_425], %swap3A_428 {strides = array<i32>} : memref<32800xf32, #tpu.memory_space<vmem>>, vector<16xf32>,
        %mul3A_429 = arith.constant 16 : i32
        %mul3A_430 = arith.muli %scan3A_38, %mul3A_429 : i32
        %add3A_431 = arith.constant 6 : i32
        %add3A_432 = arith.addi %mul3A_430, %add3A_431 : i32
        %mul3A_433 = arith.constant 16 : i32
        %mul3A_434 = arith.muli %add3A_432, %mul3A_433 : i32
        %slice3A_435 = vector.extract_strided_slice %get3A_43 {offsets = [6], sizes = [1], strides = [1]} : vector<16xi32> to vector<1xi32>
        %squeeze3A_436 = vector.extract %slice3A_435[0] : i32 from vector<1xi32>
        %slice3A_437 = vector.extract_strided_slice %get3A_48 {offsets = [6], sizes = [1], strides = [1]} : vector<16xf32> to vector<1xf32>
        %squeeze3A_438 = vector.extract %slice3A_437[0] : f32 from vector<1xf32>
        %mul3A_439 = arith.constant 32 : i32
        %mul3A_440 = arith.muli %squeeze3A_436, %mul3A_439 : i32
        %get3A_441 = arith.index_cast %mul3A_434 : i32 to index
        %get3A_442 = tpu.vector_load %arg10[%get3A_441] {strides = array<i32>} : memref<12544xf32, #tpu.memory_space<vmem>>, vector<16xf32>,
        %get3A_443 = vector.shape_cast %get3A_442 : vector<16xf32> to vector<16xf32>
        %mul3A_444 = arith.constant 32 : i32
        %mul3A_445 = arith.muli %add3A_432, %mul3A_444 : i32
        %get3A_446 = arith.index_cast %mul3A_445 : i32 to index
        %get3A_447 = tpu.vector_load %arg12[%get3A_446] {strides = array<i32>} : memref<25088xf32, #tpu.memory_space<vmem>>, vector<16xf32>,
        %get3A_448 = vector.shape_cast %get3A_447 : vector<16xf32> to vector<16xf32>
        %add3A_449 = arith.addf %get3A_443, %get3A_448 : vector<16xf32>
        %mul3A_450 = vector.broadcast %squeeze3A_438 : f32 to vector<16xf32>
        %mul3A_451 = arith.mulf %mul3A_450, %add3A_449 : vector<16xf32>
        %add3A_452 = arith.addf %mul3A_451, %get3A_8 : vector<16xf32>
        %max3A_453 = arith.constant 0.000000e+00 : f32
        %max3A_454 = vector.broadcast %max3A_453 : f32 to vector<16xf32>
        %max3A_455 = arith.maximumf %add3A_452, %max3A_454 : vector<16xf32>
        %get3A_456 = arith.index_cast %mul3A_440 : i32 to index
        %get3A_457 = tpu.vector_load %arg13[%get3A_456] {strides = array<i32>} : memref<32800xf32, #tpu.memory_space<vmem>>, vector<16xf32>,
        %get3A_458 = vector.shape_cast %get3A_457 : vector<16xf32> to vector<16xf32>
        %max3A_459 = arith.maximumf %get3A_458, %max3A_455 : vector<16xf32>
        %swap3A_460 = arith.index_cast %mul3A_440 : i32 to index
        %swap3A_461 = tpu.vector_load %arg13[%swap3A_460] {strides = array<i32>} : memref<32800xf32, #tpu.memory_space<vmem>>, vector<16xf32>,
        %swap3A_462 = vector.shape_cast %swap3A_461 : vector<16xf32> to vector<16xf32>
        %swap3A_463 = vector.shape_cast %max3A_459 : vector<16xf32> to vector<16xf32>
        tpu.vector_store %arg13[%swap3A_460], %swap3A_463 {strides = array<i32>} : memref<32800xf32, #tpu.memory_space<vmem>>, vector<16xf32>,
        %get3A_464 = arith.index_cast %mul3A_434 : i32 to index
        %get3A_465 = tpu.vector_load %arg11[%get3A_464] {strides = array<i32>} : memref<12544xf32, #tpu.memory_space<vmem>>, vector<16xf32>,
        %get3A_466 = vector.shape_cast %get3A_465 : vector<16xf32> to vector<16xf32>
        %mul3A_467 = arith.constant 32 : i32
        %mul3A_468 = arith.muli %add3A_432, %mul3A_467 : i32
        %add3A_469 = arith.constant 16 : i32
        %add3A_470 = arith.addi %mul3A_468, %add3A_469 : i32
        %get3A_471 = arith.index_cast %add3A_470 : i32 to index
        %get3A_472 = tpu.vector_load %arg12[%get3A_471] {strides = array<i32>} : memref<25088xf32, #tpu.memory_space<vmem>>, vector<16xf32>,
        %get3A_473 = vector.shape_cast %get3A_472 : vector<16xf32> to vector<16xf32>
        %add3A_474 = arith.addf %get3A_466, %get3A_473 : vector<16xf32>
        %mul3A_475 = vector.broadcast %squeeze3A_438 : f32 to vector<16xf32>
        %mul3A_476 = arith.mulf %mul3A_475, %add3A_474 : vector<16xf32>
        %add3A_477 = arith.addf %mul3A_476, %get3A_11 : vector<16xf32>
        %max3A_478 = arith.constant 0.000000e+00 : f32
        %max3A_479 = vector.broadcast %max3A_478 : f32 to vector<16xf32>
        %max3A_480 = arith.maximumf %add3A_477, %max3A_479 : vector<16xf32>
        %add3A_481 = arith.constant 16 : i32
        %add3A_482 = arith.addi %mul3A_440, %add3A_481 : i32
        %get3A_483 = arith.index_cast %add3A_482 : i32 to index
        %get3A_484 = tpu.vector_load %arg13[%get3A_483] {strides = array<i32>} : memref<32800xf32, #tpu.memory_space<vmem>>, vector<16xf32>,
        %get3A_485 = vector.shape_cast %get3A_484 : vector<16xf32> to vector<16xf32>
        %max3A_486 = arith.maximumf %get3A_485, %max3A_480 : vector<16xf32>
        %add3A_487 = arith.constant 16 : i32
        %add3A_488 = arith.addi %mul3A_440, %add3A_487 : i32
        %swap3A_489 = arith.index_cast %add3A_488 : i32 to index
        %swap3A_490 = tpu.vector_load %arg13[%swap3A_489] {strides = array<i32>} : memref<32800xf32, #tpu.memory_space<vmem>>, vector<16xf32>,
        %swap3A_491 = vector.shape_cast %swap3A_490 : vector<16xf32> to vector<16xf32>
        %swap3A_492 = vector.shape_cast %max3A_486 : vector<16xf32> to vector<16xf32>
        tpu.vector_store %arg13[%swap3A_489], %swap3A_492 {strides = array<i32>} : memref<32800xf32, #tpu.memory_space<vmem>>, vector<16xf32>,
        %mul3A_493 = arith.constant 16 : i32
        %mul3A_494 = arith.muli %scan3A_38, %mul3A_493 : i32
        %add3A_495 = arith.constant 7 : i32
        %add3A_496 = arith.addi %mul3A_494, %add3A_495 : i32
        %mul3A_497 = arith.constant 16 : i32
        %mul3A_498 = arith.muli %add3A_496, %mul3A_497 : i32
        %slice3A_499 = vector.extract_strided_slice %get3A_43 {offsets = [7], sizes = [1], strides = [1]} : vector<16xi32> to vector<1xi32>
        %squeeze3A_500 = vector.extract %slice3A_499[0] : i32 from vector<1xi32>
        %slice3A_501 = vector.extract_strided_slice %get3A_48 {offsets = [7], sizes = [1], strides = [1]} : vector<16xf32> to vector<1xf32>
        %squeeze3A_502 = vector.extract %slice3A_501[0] : f32 from vector<1xf32>
        %mul3A_503 = arith.constant 32 : i32
        %mul3A_504 = arith.muli %squeeze3A_500, %mul3A_503 : i32
        %get3A_505 = arith.index_cast %mul3A_498 : i32 to index
        %get3A_506 = tpu.vector_load %arg10[%get3A_505] {strides = array<i32>} : memref<12544xf32, #tpu.memory_space<vmem>>, vector<16xf32>,
        %get3A_507 = vector.shape_cast %get3A_506 : vector<16xf32> to vector<16xf32>
        %mul3A_508 = arith.constant 32 : i32
        %mul3A_509 = arith.muli %add3A_496, %mul3A_508 : i32
        %get3A_510 = arith.index_cast %mul3A_509 : i32 to index
        %get3A_511 = tpu.vector_load %arg12[%get3A_510] {strides = array<i32>} : memref<25088xf32, #tpu.memory_space<vmem>>, vector<16xf32>,
        %get3A_512 = vector.shape_cast %get3A_511 : vector<16xf32> to vector<16xf32>
        %add3A_513 = arith.addf %get3A_507, %get3A_512 : vector<16xf32>
        %mul3A_514 = vector.broadcast %squeeze3A_502 : f32 to vector<16xf32>
        %mul3A_515 = arith.mulf %mul3A_514, %add3A_513 : vector<16xf32>
        %add3A_516 = arith.addf %mul3A_515, %get3A_8 : vector<16xf32>
        %max3A_517 = arith.constant 0.000000e+00 : f32
        %max3A_518 = vector.broadcast %max3A_517 : f32 to vector<16xf32>
        %max3A_519 = arith.maximumf %add3A_516, %max3A_518 : vector<16xf32>
        %get3A_520 = arith.index_cast %mul3A_504 : i32 to index
        %get3A_521 = tpu.vector_load %arg13[%get3A_520] {strides = array<i32>} : memref<32800xf32, #tpu.memory_space<vmem>>, vector<16xf32>,
        %get3A_522 = vector.shape_cast %get3A_521 : vector<16xf32> to vector<16xf32>
        %max3A_523 = arith.maximumf %get3A_522, %max3A_519 : vector<16xf32>
        %swap3A_524 = arith.index_cast %mul3A_504 : i32 to index
        %swap3A_525 = tpu.vector_load %arg13[%swap3A_524] {strides = array<i32>} : memref<32800xf32, #tpu.memory_space<vmem>>, vector<16xf32>,
        %swap3A_526 = vector.shape_cast %swap3A_525 : vector<16xf32> to vector<16xf32>
        %swap3A_527 = vector.shape_cast %max3A_523 : vector<16xf32> to vector<16xf32>
        tpu.vector_store %arg13[%swap3A_524], %swap3A_527 {strides = array<i32>} : memref<32800xf32, #tpu.memory_space<vmem>>, vector<16xf32>,
        %get3A_528 = arith.index_cast %mul3A_498 : i32 to index
        %get3A_529 = tpu.vector_load %arg11[%get3A_528] {strides = array<i32>} : memref<12544xf32, #tpu.memory_space<vmem>>, vector<16xf32>,
        %get3A_530 = vector.shape_cast %get3A_529 : vector<16xf32> to vector<16xf32>
        %mul3A_531 = arith.constant 32 : i32
        %mul3A_532 = arith.muli %add3A_496, %mul3A_531 : i32
        %add3A_533 = arith.constant 16 : i32
        %add3A_534 = arith.addi %mul3A_532, %add3A_533 : i32
        %get3A_535 = arith.index_cast %add3A_534 : i32 to index
        %get3A_536 = tpu.vector_load %arg12[%get3A_535] {strides = array<i32>} : memref<25088xf32, #tpu.memory_space<vmem>>, vector<16xf32>,
        %get3A_537 = vector.shape_cast %get3A_536 : vector<16xf32> to vector<16xf32>
        %add3A_538 = arith.addf %get3A_530, %get3A_537 : vector<16xf32>
        %mul3A_539 = vector.broadcast %squeeze3A_502 : f32 to vector<16xf32>
        %mul3A_540 = arith.mulf %mul3A_539, %add3A_538 : vector<16xf32>
        %add3A_541 = arith.addf %mul3A_540, %get3A_11 : vector<16xf32>
        %max3A_542 = arith.constant 0.000000e+00 : f32
        %max3A_543 = vector.broadcast %max3A_542 : f32 to vector<16xf32>
        %max3A_544 = arith.maximumf %add3A_541, %max3A_543 : vector<16xf32>
        %add3A_545 = arith.constant 16 : i32
        %add3A_546 = arith.addi %mul3A_504, %add3A_545 : i32
        %get3A_547 = arith.index_cast %add3A_546 : i32 to index
        %get3A_548 = tpu.vector_load %arg13[%get3A_547] {strides = array<i32>} : memref<32800xf32, #tpu.memory_space<vmem>>, vector<16xf32>,
        %get3A_549 = vector.shape_cast %get3A_548 : vector<16xf32> to vector<16xf32>
        %max3A_550 = arith.maximumf %get3A_549, %max3A_544 : vector<16xf32>
        %add3A_551 = arith.constant 16 : i32
        %add3A_552 = arith.addi %mul3A_504, %add3A_551 : i32
        %swap3A_553 = arith.index_cast %add3A_552 : i32 to index
        %swap3A_554 = tpu.vector_load %arg13[%swap3A_553] {strides = array<i32>} : memref<32800xf32, #tpu.memory_space<vmem>>, vector<16xf32>,
        %swap3A_555 = vector.shape_cast %swap3A_554 : vector<16xf32> to vector<16xf32>
        %swap3A_556 = vector.shape_cast %max3A_550 : vector<16xf32> to vector<16xf32>
        tpu.vector_store %arg13[%swap3A_553], %swap3A_556 {strides = array<i32>} : memref<32800xf32, #tpu.memory_space<vmem>>, vector<16xf32>,
        %mul3A_557 = arith.constant 16 : i32
        %mul3A_558 = arith.muli %scan3A_38, %mul3A_557 : i32
        %add3A_559 = arith.constant 8 : i32
        %add3A_560 = arith.addi %mul3A_558, %add3A_559 : i32
        %mul3A_561 = arith.constant 16 : i32
        %mul3A_562 = arith.muli %add3A_560, %mul3A_561 : i32
        %slice3A_563 = vector.extract_strided_slice %get3A_43 {offsets = [8], sizes = [1], strides = [1]} : vector<16xi32> to vector<1xi32>
        %squeeze3A_564 = vector.extract %slice3A_563[0] : i32 from vector<1xi32>
        %slice3A_565 = vector.extract_strided_slice %get3A_48 {offsets = [8], sizes = [1], strides = [1]} : vector<16xf32> to vector<1xf32>
        %squeeze3A_566 = vector.extract %slice3A_565[0] : f32 from vector<1xf32>
        %mul3A_567 = arith.constant 32 : i32
        %mul3A_568 = arith.muli %squeeze3A_564, %mul3A_567 : i32
        %get3A_569 = arith.index_cast %mul3A_562 : i32 to index
        %get3A_570 = tpu.vector_load %arg10[%get3A_569] {strides = array<i32>} : memref<12544xf32, #tpu.memory_space<vmem>>, vector<16xf32>,
        %get3A_571 = vector.shape_cast %get3A_570 : vector<16xf32> to vector<16xf32>
        %mul3A_572 = arith.constant 32 : i32
        %mul3A_573 = arith.muli %add3A_560, %mul3A_572 : i32
        %get3A_574 = arith.index_cast %mul3A_573 : i32 to index
        %get3A_575 = tpu.vector_load %arg12[%get3A_574] {strides = array<i32>} : memref<25088xf32, #tpu.memory_space<vmem>>, vector<16xf32>,
        %get3A_576 = vector.shape_cast %get3A_575 : vector<16xf32> to vector<16xf32>
        %add3A_577 = arith.addf %get3A_571, %get3A_576 : vector<16xf32>
        %mul3A_578 = vector.broadcast %squeeze3A_566 : f32 to vector<16xf32>
        %mul3A_579 = arith.mulf %mul3A_578, %add3A_577 : vector<16xf32>
        %add3A_580 = arith.addf %mul3A_579, %get3A_8 : vector<16xf32>
        %max3A_581 = arith.constant 0.000000e+00 : f32
        %max3A_582 = vector.broadcast %max3A_581 : f32 to vector<16xf32>
        %max3A_583 = arith.maximumf %add3A_580, %max3A_582 : vector<16xf32>
        %get3A_584 = arith.index_cast %mul3A_568 : i32 to index
        %get3A_585 = tpu.vector_load %arg13[%get3A_584] {strides = array<i32>} : memref<32800xf32, #tpu.memory_space<vmem>>, vector<16xf32>,
        %get3A_586 = vector.shape_cast %get3A_585 : vector<16xf32> to vector<16xf32>
        %max3A_587 = arith.maximumf %get3A_586, %max3A_583 : vector<16xf32>
        %swap3A_588 = arith.index_cast %mul3A_568 : i32 to index
        %swap3A_589 = tpu.vector_load %arg13[%swap3A_588] {strides = array<i32>} : memref<32800xf32, #tpu.memory_space<vmem>>, vector<16xf32>,
        %swap3A_590 = vector.shape_cast %swap3A_589 : vector<16xf32> to vector<16xf32>
        %swap3A_591 = vector.shape_cast %max3A_587 : vector<16xf32> to vector<16xf32>
        tpu.vector_store %arg13[%swap3A_588], %swap3A_591 {strides = array<i32>} : memref<32800xf32, #tpu.memory_space<vmem>>, vector<16xf32>,
        %get3A_592 = arith.index_cast %mul3A_562 : i32 to index
        %get3A_593 = tpu.vector_load %arg11[%get3A_592] {strides = array<i32>} : memref<12544xf32, #tpu.memory_space<vmem>>, vector<16xf32>,
        %get3A_594 = vector.shape_cast %get3A_593 : vector<16xf32> to vector<16xf32>
        %mul3A_595 = arith.constant 32 : i32
        %mul3A_596 = arith.muli %add3A_560, %mul3A_595 : i32
        %add3A_597 = arith.constant 16 : i32
        %add3A_598 = arith.addi %mul3A_596, %add3A_597 : i32
        %get3A_599 = arith.index_cast %add3A_598 : i32 to index
        %get3A_600 = tpu.vector_load %arg12[%get3A_599] {strides = array<i32>} : memref<25088xf32, #tpu.memory_space<vmem>>, vector<16xf32>,
        %get3A_601 = vector.shape_cast %get3A_600 : vector<16xf32> to vector<16xf32>
        %add3A_602 = arith.addf %get3A_594, %get3A_601 : vector<16xf32>
        %mul3A_603 = vector.broadcast %squeeze3A_566 : f32 to vector<16xf32>
        %mul3A_604 = arith.mulf %mul3A_603, %add3A_602 : vector<16xf32>
        %add3A_605 = arith.addf %mul3A_604, %get3A_11 : vector<16xf32>
        %max3A_606 = arith.constant 0.000000e+00 : f32
        %max3A_607 = vector.broadcast %max3A_606 : f32 to vector<16xf32>
        %max3A_608 = arith.maximumf %add3A_605, %max3A_607 : vector<16xf32>
        %add3A_609 = arith.constant 16 : i32
        %add3A_610 = arith.addi %mul3A_568, %add3A_609 : i32
        %get3A_611 = arith.index_cast %add3A_610 : i32 to index
        %get3A_612 = tpu.vector_load %arg13[%get3A_611] {strides = array<i32>} : memref<32800xf32, #tpu.memory_space<vmem>>, vector<16xf32>,
        %get3A_613 = vector.shape_cast %get3A_612 : vector<16xf32> to vector<16xf32>
        %max3A_614 = arith.maximumf %get3A_613, %max3A_608 : vector<16xf32>
        %add3A_615 = arith.constant 16 : i32
        %add3A_616 = arith.addi %mul3A_568, %add3A_615 : i32
        %swap3A_617 = arith.index_cast %add3A_616 : i32 to index
        %swap3A_618 = tpu.vector_load %arg13[%swap3A_617] {strides = array<i32>} : memref<32800xf32, #tpu.memory_space<vmem>>, vector<16xf32>,
        %swap3A_619 = vector.shape_cast %swap3A_618 : vector<16xf32> to vector<16xf32>
        %swap3A_620 = vector.shape_cast %max3A_614 : vector<16xf32> to vector<16xf32>
        tpu.vector_store %arg13[%swap3A_617], %swap3A_620 {strides = array<i32>} : memref<32800xf32, #tpu.memory_space<vmem>>, vector<16xf32>,
        %mul3A_621 = arith.constant 16 : i32
        %mul3A_622 = arith.muli %scan3A_38, %mul3A_621 : i32
        %add3A_623 = arith.constant 9 : i32
        %add3A_624 = arith.addi %mul3A_622, %add3A_623 : i32
        %mul3A_625 = arith.constant 16 : i32
        %mul3A_626 = arith.muli %add3A_624, %mul3A_625 : i32
        %slice3A_627 = vector.extract_strided_slice %get3A_43 {offsets = [9], sizes = [1], strides = [1]} : vector<16xi32> to vector<1xi32>
        %squeeze3A_628 = vector.extract %slice3A_627[0] : i32 from vector<1xi32>
        %slice3A_629 = vector.extract_strided_slice %get3A_48 {offsets = [9], sizes = [1], strides = [1]} : vector<16xf32> to vector<1xf32>
        %squeeze3A_630 = vector.extract %slice3A_629[0] : f32 from vector<1xf32>
        %mul3A_631 = arith.constant 32 : i32
        %mul3A_632 = arith.muli %squeeze3A_628, %mul3A_631 : i32
        %get3A_633 = arith.index_cast %mul3A_626 : i32 to index
        %get3A_634 = tpu.vector_load %arg10[%get3A_633] {strides = array<i32>} : memref<12544xf32, #tpu.memory_space<vmem>>, vector<16xf32>,
        %get3A_635 = vector.shape_cast %get3A_634 : vector<16xf32> to vector<16xf32>
        %mul3A_636 = arith.constant 32 : i32
        %mul3A_637 = arith.muli %add3A_624, %mul3A_636 : i32
        %get3A_638 = arith.index_cast %mul3A_637 : i32 to index
        %get3A_639 = tpu.vector_load %arg12[%get3A_638] {strides = array<i32>} : memref<25088xf32, #tpu.memory_space<vmem>>, vector<16xf32>,
        %get3A_640 = vector.shape_cast %get3A_639 : vector<16xf32> to vector<16xf32>
        %add3A_641 = arith.addf %get3A_635, %get3A_640 : vector<16xf32>
        %mul3A_642 = vector.broadcast %squeeze3A_630 : f32 to vector<16xf32>
        %mul3A_643 = arith.mulf %mul3A_642, %add3A_641 : vector<16xf32>
        %add3A_644 = arith.addf %mul3A_643, %get3A_8 : vector<16xf32>
        %max3A_645 = arith.constant 0.000000e+00 : f32
        %max3A_646 = vector.broadcast %max3A_645 : f32 to vector<16xf32>
        %max3A_647 = arith.maximumf %add3A_644, %max3A_646 : vector<16xf32>
        %get3A_648 = arith.index_cast %mul3A_632 : i32 to index
        %get3A_649 = tpu.vector_load %arg13[%get3A_648] {strides = array<i32>} : memref<32800xf32, #tpu.memory_space<vmem>>, vector<16xf32>,
        %get3A_650 = vector.shape_cast %get3A_649 : vector<16xf32> to vector<16xf32>
        %max3A_651 = arith.maximumf %get3A_650, %max3A_647 : vector<16xf32>
        %swap3A_652 = arith.index_cast %mul3A_632 : i32 to index
        %swap3A_653 = tpu.vector_load %arg13[%swap3A_652] {strides = array<i32>} : memref<32800xf32, #tpu.memory_space<vmem>>, vector<16xf32>,
        %swap3A_654 = vector.shape_cast %swap3A_653 : vector<16xf32> to vector<16xf32>
        %swap3A_655 = vector.shape_cast %max3A_651 : vector<16xf32> to vector<16xf32>
        tpu.vector_store %arg13[%swap3A_652], %swap3A_655 {strides = array<i32>} : memref<32800xf32, #tpu.memory_space<vmem>>, vector<16xf32>,
        %get3A_656 = arith.index_cast %mul3A_626 : i32 to index
        %get3A_657 = tpu.vector_load %arg11[%get3A_656] {strides = array<i32>} : memref<12544xf32, #tpu.memory_space<vmem>>, vector<16xf32>,
        %get3A_658 = vector.shape_cast %get3A_657 : vector<16xf32> to vector<16xf32>
        %mul3A_659 = arith.constant 32 : i32
        %mul3A_660 = arith.muli %add3A_624, %mul3A_659 : i32
        %add3A_661 = arith.constant 16 : i32
        %add3A_662 = arith.addi %mul3A_660, %add3A_661 : i32
        %get3A_663 = arith.index_cast %add3A_662 : i32 to index
        %get3A_664 = tpu.vector_load %arg12[%get3A_663] {strides = array<i32>} : memref<25088xf32, #tpu.memory_space<vmem>>, vector<16xf32>,
        %get3A_665 = vector.shape_cast %get3A_664 : vector<16xf32> to vector<16xf32>
        %add3A_666 = arith.addf %get3A_658, %get3A_665 : vector<16xf32>
        %mul3A_667 = vector.broadcast %squeeze3A_630 : f32 to vector<16xf32>
        %mul3A_668 = arith.mulf %mul3A_667, %add3A_666 : vector<16xf32>
        %add3A_669 = arith.addf %mul3A_668, %get3A_11 : vector<16xf32>
        %max3A_670 = arith.constant 0.000000e+00 : f32
        %max3A_671 = vector.broadcast %max3A_670 : f32 to vector<16xf32>
        %max3A_672 = arith.maximumf %add3A_669, %max3A_671 : vector<16xf32>
        %add3A_673 = arith.constant 16 : i32
        %add3A_674 = arith.addi %mul3A_632, %add3A_673 : i32
        %get3A_675 = arith.index_cast %add3A_674 : i32 to index
        %get3A_676 = tpu.vector_load %arg13[%get3A_675] {strides = array<i32>} : memref<32800xf32, #tpu.memory_space<vmem>>, vector<16xf32>,
        %get3A_677 = vector.shape_cast %get3A_676 : vector<16xf32> to vector<16xf32>
        %max3A_678 = arith.maximumf %get3A_677, %max3A_672 : vector<16xf32>
        %add3A_679 = arith.constant 16 : i32
        %add3A_680 = arith.addi %mul3A_632, %add3A_679 : i32
        %swap3A_681 = arith.index_cast %add3A_680 : i32 to index
        %swap3A_682 = tpu.vector_load %arg13[%swap3A_681] {strides = array<i32>} : memref<32800xf32, #tpu.memory_space<vmem>>, vector<16xf32>,
        %swap3A_683 = vector.shape_cast %swap3A_682 : vector<16xf32> to vector<16xf32>
        %swap3A_684 = vector.shape_cast %max3A_678 : vector<16xf32> to vector<16xf32>
        tpu.vector_store %arg13[%swap3A_681], %swap3A_684 {strides = array<i32>} : memref<32800xf32, #tpu.memory_space<vmem>>, vector<16xf32>,
        %mul3A_685 = arith.constant 16 : i32
        %mul3A_686 = arith.muli %scan3A_38, %mul3A_685 : i32
        %add3A_687 = arith.constant 10 : i32
        %add3A_688 = arith.addi %mul3A_686, %add3A_687 : i32
        %mul3A_689 = arith.constant 16 : i32
        %mul3A_690 = arith.muli %add3A_688, %mul3A_689 : i32
        %slice3A_691 = vector.extract_strided_slice %get3A_43 {offsets = [10], sizes = [1], strides = [1]} : vector<16xi32> to vector<1xi32>
        %squeeze3A_692 = vector.extract %slice3A_691[0] : i32 from vector<1xi32>
        %slice3A_693 = vector.extract_strided_slice %get3A_48 {offsets = [10], sizes = [1], strides = [1]} : vector<16xf32> to vector<1xf32>
        %squeeze3A_694 = vector.extract %slice3A_693[0] : f32 from vector<1xf32>
        %mul3A_695 = arith.constant 32 : i32
        %mul3A_696 = arith.muli %squeeze3A_692, %mul3A_695 : i32
        %get3A_697 = arith.index_cast %mul3A_690 : i32 to index
        %get3A_698 = tpu.vector_load %arg10[%get3A_697] {strides = array<i32>} : memref<12544xf32, #tpu.memory_space<vmem>>, vector<16xf32>,
        %get3A_699 = vector.shape_cast %get3A_698 : vector<16xf32> to vector<16xf32>
        %mul3A_700 = arith.constant 32 : i32
        %mul3A_701 = arith.muli %add3A_688, %mul3A_700 : i32
        %get3A_702 = arith.index_cast %mul3A_701 : i32 to index
        %get3A_703 = tpu.vector_load %arg12[%get3A_702] {strides = array<i32>} : memref<25088xf32, #tpu.memory_space<vmem>>, vector<16xf32>,
        %get3A_704 = vector.shape_cast %get3A_703 : vector<16xf32> to vector<16xf32>
        %add3A_705 = arith.addf %get3A_699, %get3A_704 : vector<16xf32>
        %mul3A_706 = vector.broadcast %squeeze3A_694 : f32 to vector<16xf32>
        %mul3A_707 = arith.mulf %mul3A_706, %add3A_705 : vector<16xf32>
        %add3A_708 = arith.addf %mul3A_707, %get3A_8 : vector<16xf32>
        %max3A_709 = arith.constant 0.000000e+00 : f32
        %max3A_710 = vector.broadcast %max3A_709 : f32 to vector<16xf32>
        %max3A_711 = arith.maximumf %add3A_708, %max3A_710 : vector<16xf32>
        %get3A_712 = arith.index_cast %mul3A_696 : i32 to index
        %get3A_713 = tpu.vector_load %arg13[%get3A_712] {strides = array<i32>} : memref<32800xf32, #tpu.memory_space<vmem>>, vector<16xf32>,
        %get3A_714 = vector.shape_cast %get3A_713 : vector<16xf32> to vector<16xf32>
        %max3A_715 = arith.maximumf %get3A_714, %max3A_711 : vector<16xf32>
        %swap3A_716 = arith.index_cast %mul3A_696 : i32 to index
        %swap3A_717 = tpu.vector_load %arg13[%swap3A_716] {strides = array<i32>} : memref<32800xf32, #tpu.memory_space<vmem>>, vector<16xf32>,
        %swap3A_718 = vector.shape_cast %swap3A_717 : vector<16xf32> to vector<16xf32>
        %swap3A_719 = vector.shape_cast %max3A_715 : vector<16xf32> to vector<16xf32>
        tpu.vector_store %arg13[%swap3A_716], %swap3A_719 {strides = array<i32>} : memref<32800xf32, #tpu.memory_space<vmem>>, vector<16xf32>,
        %get3A_720 = arith.index_cast %mul3A_690 : i32 to index
        %get3A_721 = tpu.vector_load %arg11[%get3A_720] {strides = array<i32>} : memref<12544xf32, #tpu.memory_space<vmem>>, vector<16xf32>,
        %get3A_722 = vector.shape_cast %get3A_721 : vector<16xf32> to vector<16xf32>
        %mul3A_723 = arith.constant 32 : i32
        %mul3A_724 = arith.muli %add3A_688, %mul3A_723 : i32
        %add3A_725 = arith.constant 16 : i32
        %add3A_726 = arith.addi %mul3A_724, %add3A_725 : i32
        %get3A_727 = arith.index_cast %add3A_726 : i32 to index
        %get3A_728 = tpu.vector_load %arg12[%get3A_727] {strides = array<i32>} : memref<25088xf32, #tpu.memory_space<vmem>>, vector<16xf32>,
        %get3A_729 = vector.shape_cast %get3A_728 : vector<16xf32> to vector<16xf32>
        %add3A_730 = arith.addf %get3A_722, %get3A_729 : vector<16xf32>
        %mul3A_731 = vector.broadcast %squeeze3A_694 : f32 to vector<16xf32>
        %mul3A_732 = arith.mulf %mul3A_731, %add3A_730 : vector<16xf32>
        %add3A_733 = arith.addf %mul3A_732, %get3A_11 : vector<16xf32>
        %max3A_734 = arith.constant 0.000000e+00 : f32
        %max3A_735 = vector.broadcast %max3A_734 : f32 to vector<16xf32>
        %max3A_736 = arith.maximumf %add3A_733, %max3A_735 : vector<16xf32>
        %add3A_737 = arith.constant 16 : i32
        %add3A_738 = arith.addi %mul3A_696, %add3A_737 : i32
        %get3A_739 = arith.index_cast %add3A_738 : i32 to index
        %get3A_740 = tpu.vector_load %arg13[%get3A_739] {strides = array<i32>} : memref<32800xf32, #tpu.memory_space<vmem>>, vector<16xf32>,
        %get3A_741 = vector.shape_cast %get3A_740 : vector<16xf32> to vector<16xf32>
        %max3A_742 = arith.maximumf %get3A_741, %max3A_736 : vector<16xf32>
        %add3A_743 = arith.constant 16 : i32
        %add3A_744 = arith.addi %mul3A_696, %add3A_743 : i32
        %swap3A_745 = arith.index_cast %add3A_744 : i32 to index
        %swap3A_746 = tpu.vector_load %arg13[%swap3A_745] {strides = array<i32>} : memref<32800xf32, #tpu.memory_space<vmem>>, vector<16xf32>,
        %swap3A_747 = vector.shape_cast %swap3A_746 : vector<16xf32> to vector<16xf32>
        %swap3A_748 = vector.shape_cast %max3A_742 : vector<16xf32> to vector<16xf32>
        tpu.vector_store %arg13[%swap3A_745], %swap3A_748 {strides = array<i32>} : memref<32800xf32, #tpu.memory_space<vmem>>, vector<16xf32>,
        %mul3A_749 = arith.constant 16 : i32
        %mul3A_750 = arith.muli %scan3A_38, %mul3A_749 : i32
        %add3A_751 = arith.constant 11 : i32
        %add3A_752 = arith.addi %mul3A_750, %add3A_751 : i32
        %mul3A_753 = arith.constant 16 : i32
        %mul3A_754 = arith.muli %add3A_752, %mul3A_753 : i32
        %slice3A_755 = vector.extract_strided_slice %get3A_43 {offsets = [11], sizes = [1], strides = [1]} : vector<16xi32> to vector<1xi32>
        %squeeze3A_756 = vector.extract %slice3A_755[0] : i32 from vector<1xi32>
        %slice3A_757 = vector.extract_strided_slice %get3A_48 {offsets = [11], sizes = [1], strides = [1]} : vector<16xf32> to vector<1xf32>
        %squeeze3A_758 = vector.extract %slice3A_757[0] : f32 from vector<1xf32>
        %mul3A_759 = arith.constant 32 : i32
        %mul3A_760 = arith.muli %squeeze3A_756, %mul3A_759 : i32
        %get3A_761 = arith.index_cast %mul3A_754 : i32 to index
        %get3A_762 = tpu.vector_load %arg10[%get3A_761] {strides = array<i32>} : memref<12544xf32, #tpu.memory_space<vmem>>, vector<16xf32>,
        %get3A_763 = vector.shape_cast %get3A_762 : vector<16xf32> to vector<16xf32>
        %mul3A_764 = arith.constant 32 : i32
        %mul3A_765 = arith.muli %add3A_752, %mul3A_764 : i32
        %get3A_766 = arith.index_cast %mul3A_765 : i32 to index
        %get3A_767 = tpu.vector_load %arg12[%get3A_766] {strides = array<i32>} : memref<25088xf32, #tpu.memory_space<vmem>>, vector<16xf32>,
        %get3A_768 = vector.shape_cast %get3A_767 : vector<16xf32> to vector<16xf32>
        %add3A_769 = arith.addf %get3A_763, %get3A_768 : vector<16xf32>
        %mul3A_770 = vector.broadcast %squeeze3A_758 : f32 to vector<16xf32>
        %mul3A_771 = arith.mulf %mul3A_770, %add3A_769 : vector<16xf32>
        %add3A_772 = arith.addf %mul3A_771, %get3A_8 : vector<16xf32>
        %max3A_773 = arith.constant 0.000000e+00 : f32
        %max3A_774 = vector.broadcast %max3A_773 : f32 to vector<16xf32>
        %max3A_775 = arith.maximumf %add3A_772, %max3A_774 : vector<16xf32>
        %get3A_776 = arith.index_cast %mul3A_760 : i32 to index
        %get3A_777 = tpu.vector_load %arg13[%get3A_776] {strides = array<i32>} : memref<32800xf32, #tpu.memory_space<vmem>>, vector<16xf32>,
        %get3A_778 = vector.shape_cast %get3A_777 : vector<16xf32> to vector<16xf32>
        %max3A_779 = arith.maximumf %get3A_778, %max3A_775 : vector<16xf32>
        %swap3A_780 = arith.index_cast %mul3A_760 : i32 to index
        %swap3A_781 = tpu.vector_load %arg13[%swap3A_780] {strides = array<i32>} : memref<32800xf32, #tpu.memory_space<vmem>>, vector<16xf32>,
        %swap3A_782 = vector.shape_cast %swap3A_781 : vector<16xf32> to vector<16xf32>
        %swap3A_783 = vector.shape_cast %max3A_779 : vector<16xf32> to vector<16xf32>
        tpu.vector_store %arg13[%swap3A_780], %swap3A_783 {strides = array<i32>} : memref<32800xf32, #tpu.memory_space<vmem>>, vector<16xf32>,
        %get3A_784 = arith.index_cast %mul3A_754 : i32 to index
        %get3A_785 = tpu.vector_load %arg11[%get3A_784] {strides = array<i32>} : memref<12544xf32, #tpu.memory_space<vmem>>, vector<16xf32>,
        %get3A_786 = vector.shape_cast %get3A_785 : vector<16xf32> to vector<16xf32>
        %mul3A_787 = arith.constant 32 : i32
        %mul3A_788 = arith.muli %add3A_752, %mul3A_787 : i32
        %add3A_789 = arith.constant 16 : i32
        %add3A_790 = arith.addi %mul3A_788, %add3A_789 : i32
        %get3A_791 = arith.index_cast %add3A_790 : i32 to index
        %get3A_792 = tpu.vector_load %arg12[%get3A_791] {strides = array<i32>} : memref<25088xf32, #tpu.memory_space<vmem>>, vector<16xf32>,
        %get3A_793 = vector.shape_cast %get3A_792 : vector<16xf32> to vector<16xf32>
        %add3A_794 = arith.addf %get3A_786, %get3A_793 : vector<16xf32>
        %mul3A_795 = vector.broadcast %squeeze3A_758 : f32 to vector<16xf32>
        %mul3A_796 = arith.mulf %mul3A_795, %add3A_794 : vector<16xf32>
        %add3A_797 = arith.addf %mul3A_796, %get3A_11 : vector<16xf32>
        %max3A_798 = arith.constant 0.000000e+00 : f32
        %max3A_799 = vector.broadcast %max3A_798 : f32 to vector<16xf32>
        %max3A_800 = arith.maximumf %add3A_797, %max3A_799 : vector<16xf32>
        %add3A_801 = arith.constant 16 : i32
        %add3A_802 = arith.addi %mul3A_760, %add3A_801 : i32
        %get3A_803 = arith.index_cast %add3A_802 : i32 to index
        %get3A_804 = tpu.vector_load %arg13[%get3A_803] {strides = array<i32>} : memref<32800xf32, #tpu.memory_space<vmem>>, vector<16xf32>,
        %get3A_805 = vector.shape_cast %get3A_804 : vector<16xf32> to vector<16xf32>
        %max3A_806 = arith.maximumf %get3A_805, %max3A_800 : vector<16xf32>
        %add3A_807 = arith.constant 16 : i32
        %add3A_808 = arith.addi %mul3A_760, %add3A_807 : i32
        %swap3A_809 = arith.index_cast %add3A_808 : i32 to index
        %swap3A_810 = tpu.vector_load %arg13[%swap3A_809] {strides = array<i32>} : memref<32800xf32, #tpu.memory_space<vmem>>, vector<16xf32>,
        %swap3A_811 = vector.shape_cast %swap3A_810 : vector<16xf32> to vector<16xf32>
        %swap3A_812 = vector.shape_cast %max3A_806 : vector<16xf32> to vector<16xf32>
        tpu.vector_store %arg13[%swap3A_809], %swap3A_812 {strides = array<i32>} : memref<32800xf32, #tpu.memory_space<vmem>>, vector<16xf32>,
        %mul3A_813 = arith.constant 16 : i32
        %mul3A_814 = arith.muli %scan3A_38, %mul3A_813 : i32
        %add3A_815 = arith.constant 12 : i32
        %add3A_816 = arith.addi %mul3A_814, %add3A_815 : i32
        %mul3A_817 = arith.constant 16 : i32
        %mul3A_818 = arith.muli %add3A_816, %mul3A_817 : i32
        %slice3A_819 = vector.extract_strided_slice %get3A_43 {offsets = [12], sizes = [1], strides = [1]} : vector<16xi32> to vector<1xi32>
        %squeeze3A_820 = vector.extract %slice3A_819[0] : i32 from vector<1xi32>
        %slice3A_821 = vector.extract_strided_slice %get3A_48 {offsets = [12], sizes = [1], strides = [1]} : vector<16xf32> to vector<1xf32>
        %squeeze3A_822 = vector.extract %slice3A_821[0] : f32 from vector<1xf32>
        %mul3A_823 = arith.constant 32 : i32
        %mul3A_824 = arith.muli %squeeze3A_820, %mul3A_823 : i32
        %get3A_825 = arith.index_cast %mul3A_818 : i32 to index
        %get3A_826 = tpu.vector_load %arg10[%get3A_825] {strides = array<i32>} : memref<12544xf32, #tpu.memory_space<vmem>>, vector<16xf32>,
        %get3A_827 = vector.shape_cast %get3A_826 : vector<16xf32> to vector<16xf32>
        %mul3A_828 = arith.constant 32 : i32
        %mul3A_829 = arith.muli %add3A_816, %mul3A_828 : i32
        %get3A_830 = arith.index_cast %mul3A_829 : i32 to index
        %get3A_831 = tpu.vector_load %arg12[%get3A_830] {strides = array<i32>} : memref<25088xf32, #tpu.memory_space<vmem>>, vector<16xf32>,
        %get3A_832 = vector.shape_cast %get3A_831 : vector<16xf32> to vector<16xf32>
        %add3A_833 = arith.addf %get3A_827, %get3A_832 : vector<16xf32>
        %mul3A_834 = vector.broadcast %squeeze3A_822 : f32 to vector<16xf32>
        %mul3A_835 = arith.mulf %mul3A_834, %add3A_833 : vector<16xf32>
        %add3A_836 = arith.addf %mul3A_835, %get3A_8 : vector<16xf32>
        %max3A_837 = arith.constant 0.000000e+00 : f32
        %max3A_838 = vector.broadcast %max3A_837 : f32 to vector<16xf32>
        %max3A_839 = arith.maximumf %add3A_836, %max3A_838 : vector<16xf32>
        %get3A_840 = arith.index_cast %mul3A_824 : i32 to index
        %get3A_841 = tpu.vector_load %arg13[%get3A_840] {strides = array<i32>} : memref<32800xf32, #tpu.memory_space<vmem>>, vector<16xf32>,
        %get3A_842 = vector.shape_cast %get3A_841 : vector<16xf32> to vector<16xf32>
        %max3A_843 = arith.maximumf %get3A_842, %max3A_839 : vector<16xf32>
        %swap3A_844 = arith.index_cast %mul3A_824 : i32 to index
        %swap3A_845 = tpu.vector_load %arg13[%swap3A_844] {strides = array<i32>} : memref<32800xf32, #tpu.memory_space<vmem>>, vector<16xf32>,
        %swap3A_846 = vector.shape_cast %swap3A_845 : vector<16xf32> to vector<16xf32>
        %swap3A_847 = vector.shape_cast %max3A_843 : vector<16xf32> to vector<16xf32>
        tpu.vector_store %arg13[%swap3A_844], %swap3A_847 {strides = array<i32>} : memref<32800xf32, #tpu.memory_space<vmem>>, vector<16xf32>,
        %get3A_848 = arith.index_cast %mul3A_818 : i32 to index
        %get3A_849 = tpu.vector_load %arg11[%get3A_848] {strides = array<i32>} : memref<12544xf32, #tpu.memory_space<vmem>>, vector<16xf32>,
        %get3A_850 = vector.shape_cast %get3A_849 : vector<16xf32> to vector<16xf32>
        %mul3A_851 = arith.constant 32 : i32
        %mul3A_852 = arith.muli %add3A_816, %mul3A_851 : i32
        %add3A_853 = arith.constant 16 : i32
        %add3A_854 = arith.addi %mul3A_852, %add3A_853 : i32
        %get3A_855 = arith.index_cast %add3A_854 : i32 to index
        %get3A_856 = tpu.vector_load %arg12[%get3A_855] {strides = array<i32>} : memref<25088xf32, #tpu.memory_space<vmem>>, vector<16xf32>,
        %get3A_857 = vector.shape_cast %get3A_856 : vector<16xf32> to vector<16xf32>
        %add3A_858 = arith.addf %get3A_850, %get3A_857 : vector<16xf32>
        %mul3A_859 = vector.broadcast %squeeze3A_822 : f32 to vector<16xf32>
        %mul3A_860 = arith.mulf %mul3A_859, %add3A_858 : vector<16xf32>
        %add3A_861 = arith.addf %mul3A_860, %get3A_11 : vector<16xf32>
        %max3A_862 = arith.constant 0.000000e+00 : f32
        %max3A_863 = vector.broadcast %max3A_862 : f32 to vector<16xf32>
        %max3A_864 = arith.maximumf %add3A_861, %max3A_863 : vector<16xf32>
        %add3A_865 = arith.constant 16 : i32
        %add3A_866 = arith.addi %mul3A_824, %add3A_865 : i32
        %get3A_867 = arith.index_cast %add3A_866 : i32 to index
        %get3A_868 = tpu.vector_load %arg13[%get3A_867] {strides = array<i32>} : memref<32800xf32, #tpu.memory_space<vmem>>, vector<16xf32>,
        %get3A_869 = vector.shape_cast %get3A_868 : vector<16xf32> to vector<16xf32>
        %max3A_870 = arith.maximumf %get3A_869, %max3A_864 : vector<16xf32>
        %add3A_871 = arith.constant 16 : i32
        %add3A_872 = arith.addi %mul3A_824, %add3A_871 : i32
        %swap3A_873 = arith.index_cast %add3A_872 : i32 to index
        %swap3A_874 = tpu.vector_load %arg13[%swap3A_873] {strides = array<i32>} : memref<32800xf32, #tpu.memory_space<vmem>>, vector<16xf32>,
        %swap3A_875 = vector.shape_cast %swap3A_874 : vector<16xf32> to vector<16xf32>
        %swap3A_876 = vector.shape_cast %max3A_870 : vector<16xf32> to vector<16xf32>
        tpu.vector_store %arg13[%swap3A_873], %swap3A_876 {strides = array<i32>} : memref<32800xf32, #tpu.memory_space<vmem>>, vector<16xf32>,
        %mul3A_877 = arith.constant 16 : i32
        %mul3A_878 = arith.muli %scan3A_38, %mul3A_877 : i32
        %add3A_879 = arith.constant 13 : i32
        %add3A_880 = arith.addi %mul3A_878, %add3A_879 : i32
        %mul3A_881 = arith.constant 16 : i32
        %mul3A_882 = arith.muli %add3A_880, %mul3A_881 : i32
        %slice3A_883 = vector.extract_strided_slice %get3A_43 {offsets = [13], sizes = [1], strides = [1]} : vector<16xi32> to vector<1xi32>
        %squeeze3A_884 = vector.extract %slice3A_883[0] : i32 from vector<1xi32>
        %slice3A_885 = vector.extract_strided_slice %get3A_48 {offsets = [13], sizes = [1], strides = [1]} : vector<16xf32> to vector<1xf32>
        %squeeze3A_886 = vector.extract %slice3A_885[0] : f32 from vector<1xf32>
        %mul3A_887 = arith.constant 32 : i32
        %mul3A_888 = arith.muli %squeeze3A_884, %mul3A_887 : i32
        %get3A_889 = arith.index_cast %mul3A_882 : i32 to index
        %get3A_890 = tpu.vector_load %arg10[%get3A_889] {strides = array<i32>} : memref<12544xf32, #tpu.memory_space<vmem>>, vector<16xf32>,
        %get3A_891 = vector.shape_cast %get3A_890 : vector<16xf32> to vector<16xf32>
        %mul3A_892 = arith.constant 32 : i32
        %mul3A_893 = arith.muli %add3A_880, %mul3A_892 : i32
        %get3A_894 = arith.index_cast %mul3A_893 : i32 to index
        %get3A_895 = tpu.vector_load %arg12[%get3A_894] {strides = array<i32>} : memref<25088xf32, #tpu.memory_space<vmem>>, vector<16xf32>,
        %get3A_896 = vector.shape_cast %get3A_895 : vector<16xf32> to vector<16xf32>
        %add3A_897 = arith.addf %get3A_891, %get3A_896 : vector<16xf32>
        %mul3A_898 = vector.broadcast %squeeze3A_886 : f32 to vector<16xf32>
        %mul3A_899 = arith.mulf %mul3A_898, %add3A_897 : vector<16xf32>
        %add3A_900 = arith.addf %mul3A_899, %get3A_8 : vector<16xf32>
        %max3A_901 = arith.constant 0.000000e+00 : f32
        %max3A_902 = vector.broadcast %max3A_901 : f32 to vector<16xf32>
        %max3A_903 = arith.maximumf %add3A_900, %max3A_902 : vector<16xf32>
        %get3A_904 = arith.index_cast %mul3A_888 : i32 to index
        %get3A_905 = tpu.vector_load %arg13[%get3A_904] {strides = array<i32>} : memref<32800xf32, #tpu.memory_space<vmem>>, vector<16xf32>,
        %get3A_906 = vector.shape_cast %get3A_905 : vector<16xf32> to vector<16xf32>
        %max3A_907 = arith.maximumf %get3A_906, %max3A_903 : vector<16xf32>
        %swap3A_908 = arith.index_cast %mul3A_888 : i32 to index
        %swap3A_909 = tpu.vector_load %arg13[%swap3A_908] {strides = array<i32>} : memref<32800xf32, #tpu.memory_space<vmem>>, vector<16xf32>,
        %swap3A_910 = vector.shape_cast %swap3A_909 : vector<16xf32> to vector<16xf32>
        %swap3A_911 = vector.shape_cast %max3A_907 : vector<16xf32> to vector<16xf32>
        tpu.vector_store %arg13[%swap3A_908], %swap3A_911 {strides = array<i32>} : memref<32800xf32, #tpu.memory_space<vmem>>, vector<16xf32>,
        %get3A_912 = arith.index_cast %mul3A_882 : i32 to index
        %get3A_913 = tpu.vector_load %arg11[%get3A_912] {strides = array<i32>} : memref<12544xf32, #tpu.memory_space<vmem>>, vector<16xf32>,
        %get3A_914 = vector.shape_cast %get3A_913 : vector<16xf32> to vector<16xf32>
        %mul3A_915 = arith.constant 32 : i32
        %mul3A_916 = arith.muli %add3A_880, %mul3A_915 : i32
        %add3A_917 = arith.constant 16 : i32
        %add3A_918 = arith.addi %mul3A_916, %add3A_917 : i32
        %get3A_919 = arith.index_cast %add3A_918 : i32 to index
        %get3A_920 = tpu.vector_load %arg12[%get3A_919] {strides = array<i32>} : memref<25088xf32, #tpu.memory_space<vmem>>, vector<16xf32>,
        %get3A_921 = vector.shape_cast %get3A_920 : vector<16xf32> to vector<16xf32>
        %add3A_922 = arith.addf %get3A_914, %get3A_921 : vector<16xf32>
        %mul3A_923 = vector.broadcast %squeeze3A_886 : f32 to vector<16xf32>
        %mul3A_924 = arith.mulf %mul3A_923, %add3A_922 : vector<16xf32>
        %add3A_925 = arith.addf %mul3A_924, %get3A_11 : vector<16xf32>
        %max3A_926 = arith.constant 0.000000e+00 : f32
        %max3A_927 = vector.broadcast %max3A_926 : f32 to vector<16xf32>
        %max3A_928 = arith.maximumf %add3A_925, %max3A_927 : vector<16xf32>
        %add3A_929 = arith.constant 16 : i32
        %add3A_930 = arith.addi %mul3A_888, %add3A_929 : i32
        %get3A_931 = arith.index_cast %add3A_930 : i32 to index
        %get3A_932 = tpu.vector_load %arg13[%get3A_931] {strides = array<i32>} : memref<32800xf32, #tpu.memory_space<vmem>>, vector<16xf32>,
        %get3A_933 = vector.shape_cast %get3A_932 : vector<16xf32> to vector<16xf32>
        %max3A_934 = arith.maximumf %get3A_933, %max3A_928 : vector<16xf32>
        %add3A_935 = arith.constant 16 : i32
        %add3A_936 = arith.addi %mul3A_888, %add3A_935 : i32
        %swap3A_937 = arith.index_cast %add3A_936 : i32 to index
        %swap3A_938 = tpu.vector_load %arg13[%swap3A_937] {strides = array<i32>} : memref<32800xf32, #tpu.memory_space<vmem>>, vector<16xf32>,
        %swap3A_939 = vector.shape_cast %swap3A_938 : vector<16xf32> to vector<16xf32>
        %swap3A_940 = vector.shape_cast %max3A_934 : vector<16xf32> to vector<16xf32>
        tpu.vector_store %arg13[%swap3A_937], %swap3A_940 {strides = array<i32>} : memref<32800xf32, #tpu.memory_space<vmem>>, vector<16xf32>,
        %mul3A_941 = arith.constant 16 : i32
        %mul3A_942 = arith.muli %scan3A_38, %mul3A_941 : i32
        %add3A_943 = arith.constant 14 : i32
        %add3A_944 = arith.addi %mul3A_942, %add3A_943 : i32
        %mul3A_945 = arith.constant 16 : i32
        %mul3A_946 = arith.muli %add3A_944, %mul3A_945 : i32
        %slice3A_947 = vector.extract_strided_slice %get3A_43 {offsets = [14], sizes = [1], strides = [1]} : vector<16xi32> to vector<1xi32>
        %squeeze3A_948 = vector.extract %slice3A_947[0] : i32 from vector<1xi32>
        %slice3A_949 = vector.extract_strided_slice %get3A_48 {offsets = [14], sizes = [1], strides = [1]} : vector<16xf32> to vector<1xf32>
        %squeeze3A_950 = vector.extract %slice3A_949[0] : f32 from vector<1xf32>
        %mul3A_951 = arith.constant 32 : i32
        %mul3A_952 = arith.muli %squeeze3A_948, %mul3A_951 : i32
        %get3A_953 = arith.index_cast %mul3A_946 : i32 to index
        %get3A_954 = tpu.vector_load %arg10[%get3A_953] {strides = array<i32>} : memref<12544xf32, #tpu.memory_space<vmem>>, vector<16xf32>,
        %get3A_955 = vector.shape_cast %get3A_954 : vector<16xf32> to vector<16xf32>
        %mul3A_956 = arith.constant 32 : i32
        %mul3A_957 = arith.muli %add3A_944, %mul3A_956 : i32
        %get3A_958 = arith.index_cast %mul3A_957 : i32 to index
        %get3A_959 = tpu.vector_load %arg12[%get3A_958] {strides = array<i32>} : memref<25088xf32, #tpu.memory_space<vmem>>, vector<16xf32>,
        %get3A_960 = vector.shape_cast %get3A_959 : vector<16xf32> to vector<16xf32>
        %add3A_961 = arith.addf %get3A_955, %get3A_960 : vector<16xf32>
        %mul3A_962 = vector.broadcast %squeeze3A_950 : f32 to vector<16xf32>
        %mul3A_963 = arith.mulf %mul3A_962, %add3A_961 : vector<16xf32>
        %add3A_964 = arith.addf %mul3A_963, %get3A_8 : vector<16xf32>
        %max3A_965 = arith.constant 0.000000e+00 : f32
        %max3A_966 = vector.broadcast %max3A_965 : f32 to vector<16xf32>
        %max3A_967 = arith.maximumf %add3A_964, %max3A_966 : vector<16xf32>
        %get3A_968 = arith.index_cast %mul3A_952 : i32 to index
        %get3A_969 = tpu.vector_load %arg13[%get3A_968] {strides = array<i32>} : memref<32800xf32, #tpu.memory_space<vmem>>, vector<16xf32>,
        %get3A_970 = vector.shape_cast %get3A_969 : vector<16xf32> to vector<16xf32>
        %max3A_971 = arith.maximumf %get3A_970, %max3A_967 : vector<16xf32>
        %swap3A_972 = arith.index_cast %mul3A_952 : i32 to index
        %swap3A_973 = tpu.vector_load %arg13[%swap3A_972] {strides = array<i32>} : memref<32800xf32, #tpu.memory_space<vmem>>, vector<16xf32>,
        %swap3A_974 = vector.shape_cast %swap3A_973 : vector<16xf32> to vector<16xf32>
        %swap3A_975 = vector.shape_cast %max3A_971 : vector<16xf32> to vector<16xf32>
        tpu.vector_store %arg13[%swap3A_972], %swap3A_975 {strides = array<i32>} : memref<32800xf32, #tpu.memory_space<vmem>>, vector<16xf32>,
        %get3A_976 = arith.index_cast %mul3A_946 : i32 to index
        %get3A_977 = tpu.vector_load %arg11[%get3A_976] {strides = array<i32>} : memref<12544xf32, #tpu.memory_space<vmem>>, vector<16xf32>,
        %get3A_978 = vector.shape_cast %get3A_977 : vector<16xf32> to vector<16xf32>
        %mul3A_979 = arith.constant 32 : i32
        %mul3A_980 = arith.muli %add3A_944, %mul3A_979 : i32
        %add3A_981 = arith.constant 16 : i32
        %add3A_982 = arith.addi %mul3A_980, %add3A_981 : i32
        %get3A_983 = arith.index_cast %add3A_982 : i32 to index
        %get3A_984 = tpu.vector_load %arg12[%get3A_983] {strides = array<i32>} : memref<25088xf32, #tpu.memory_space<vmem>>, vector<16xf32>,
        %get3A_985 = vector.shape_cast %get3A_984 : vector<16xf32> to vector<16xf32>
        %add3A_986 = arith.addf %get3A_978, %get3A_985 : vector<16xf32>
        %mul3A_987 = vector.broadcast %squeeze3A_950 : f32 to vector<16xf32>
        %mul3A_988 = arith.mulf %mul3A_987, %add3A_986 : vector<16xf32>
        %add3A_989 = arith.addf %mul3A_988, %get3A_11 : vector<16xf32>
        %max3A_990 = arith.constant 0.000000e+00 : f32
        %max3A_991 = vector.broadcast %max3A_990 : f32 to vector<16xf32>
        %max3A_992 = arith.maximumf %add3A_989, %max3A_991 : vector<16xf32>
        %add3A_993 = arith.constant 16 : i32
        %add3A_994 = arith.addi %mul3A_952, %add3A_993 : i32
        %get3A_995 = arith.index_cast %add3A_994 : i32 to index
        %get3A_996 = tpu.vector_load %arg13[%get3A_995] {strides = array<i32>} : memref<32800xf32, #tpu.memory_space<vmem>>, vector<16xf32>,
        %get3A_997 = vector.shape_cast %get3A_996 : vector<16xf32> to vector<16xf32>
        %max3A_998 = arith.maximumf %get3A_997, %max3A_992 : vector<16xf32>
        %add3A_999 = arith.constant 16 : i32
        %add3A_1000 = arith.addi %mul3A_952, %add3A_999 : i32
        %swap3A_1001 = arith.index_cast %add3A_1000 : i32 to index
        %swap3A_1002 = tpu.vector_load %arg13[%swap3A_1001] {strides = array<i32>} : memref<32800xf32, #tpu.memory_space<vmem>>, vector<16xf32>,
        %swap3A_1003 = vector.shape_cast %swap3A_1002 : vector<16xf32> to vector<16xf32>
        %swap3A_1004 = vector.shape_cast %max3A_998 : vector<16xf32> to vector<16xf32>
        tpu.vector_store %arg13[%swap3A_1001], %swap3A_1004 {strides = array<i32>} : memref<32800xf32, #tpu.memory_space<vmem>>, vector<16xf32>,
        %mul3A_1005 = arith.constant 16 : i32
        %mul3A_1006 = arith.muli %scan3A_38, %mul3A_1005 : i32
        %add3A_1007 = arith.constant 15 : i32
        %add3A_1008 = arith.addi %mul3A_1006, %add3A_1007 : i32
        %mul3A_1009 = arith.constant 16 : i32
        %mul3A_1010 = arith.muli %add3A_1008, %mul3A_1009 : i32
        %slice3A_1011 = vector.extract_strided_slice %get3A_43 {offsets = [15], sizes = [1], strides = [1]} : vector<16xi32> to vector<1xi32>
        %squeeze3A_1012 = vector.extract %slice3A_1011[0] : i32 from vector<1xi32>
        %slice3A_1013 = vector.extract_strided_slice %get3A_48 {offsets = [15], sizes = [1], strides = [1]} : vector<16xf32> to vector<1xf32>
        %squeeze3A_1014 = vector.extract %slice3A_1013[0] : f32 from vector<1xf32>
        %mul3A_1015 = arith.constant 32 : i32
        %mul3A_1016 = arith.muli %squeeze3A_1012, %mul3A_1015 : i32
        %get3A_1017 = arith.index_cast %mul3A_1010 : i32 to index
        %get3A_1018 = tpu.vector_load %arg10[%get3A_1017] {strides = array<i32>} : memref<12544xf32, #tpu.memory_space<vmem>>, vector<16xf32>,
        %get3A_1019 = vector.shape_cast %get3A_1018 : vector<16xf32> to vector<16xf32>
        %mul3A_1020 = arith.constant 32 : i32
        %mul3A_1021 = arith.muli %add3A_1008, %mul3A_1020 : i32
        %get3A_1022 = arith.index_cast %mul3A_1021 : i32 to index
        %get3A_1023 = tpu.vector_load %arg12[%get3A_1022] {strides = array<i32>} : memref<25088xf32, #tpu.memory_space<vmem>>, vector<16xf32>,
        %get3A_1024 = vector.shape_cast %get3A_1023 : vector<16xf32> to vector<16xf32>
        %add3A_1025 = arith.addf %get3A_1019, %get3A_1024 : vector<16xf32>
        %mul3A_1026 = vector.broadcast %squeeze3A_1014 : f32 to vector<16xf32>
        %mul3A_1027 = arith.mulf %mul3A_1026, %add3A_1025 : vector<16xf32>
        %add3A_1028 = arith.addf %mul3A_1027, %get3A_8 : vector<16xf32>
        %max3A_1029 = arith.constant 0.000000e+00 : f32
        %max3A_1030 = vector.broadcast %max3A_1029 : f32 to vector<16xf32>
        %max3A_1031 = arith.maximumf %add3A_1028, %max3A_1030 : vector<16xf32>
        %get3A_1032 = arith.index_cast %mul3A_1016 : i32 to index
        %get3A_1033 = tpu.vector_load %arg13[%get3A_1032] {strides = array<i32>} : memref<32800xf32, #tpu.memory_space<vmem>>, vector<16xf32>,
        %get3A_1034 = vector.shape_cast %get3A_1033 : vector<16xf32> to vector<16xf32>
        %max3A_1035 = arith.maximumf %get3A_1034, %max3A_1031 : vector<16xf32>
        %swap3A_1036 = arith.index_cast %mul3A_1016 : i32 to index
        %swap3A_1037 = tpu.vector_load %arg13[%swap3A_1036] {strides = array<i32>} : memref<32800xf32, #tpu.memory_space<vmem>>, vector<16xf32>,
        %swap3A_1038 = vector.shape_cast %swap3A_1037 : vector<16xf32> to vector<16xf32>
        %swap3A_1039 = vector.shape_cast %max3A_1035 : vector<16xf32> to vector<16xf32>
        tpu.vector_store %arg13[%swap3A_1036], %swap3A_1039 {strides = array<i32>} : memref<32800xf32, #tpu.memory_space<vmem>>, vector<16xf32>,
        %get3A_1040 = arith.index_cast %mul3A_1010 : i32 to index
        %get3A_1041 = tpu.vector_load %arg11[%get3A_1040] {strides = array<i32>} : memref<12544xf32, #tpu.memory_space<vmem>>, vector<16xf32>,
        %get3A_1042 = vector.shape_cast %get3A_1041 : vector<16xf32> to vector<16xf32>
        %mul3A_1043 = arith.constant 32 : i32
        %mul3A_1044 = arith.muli %add3A_1008, %mul3A_1043 : i32
        %add3A_1045 = arith.constant 16 : i32
        %add3A_1046 = arith.addi %mul3A_1044, %add3A_1045 : i32
        %get3A_1047 = arith.index_cast %add3A_1046 : i32 to index
        %get3A_1048 = tpu.vector_load %arg12[%get3A_1047] {strides = array<i32>} : memref<25088xf32, #tpu.memory_space<vmem>>, vector<16xf32>,
        %get3A_1049 = vector.shape_cast %get3A_1048 : vector<16xf32> to vector<16xf32>
        %add3A_1050 = arith.addf %get3A_1042, %get3A_1049 : vector<16xf32>
        %mul3A_1051 = vector.broadcast %squeeze3A_1014 : f32 to vector<16xf32>
        %mul3A_1052 = arith.mulf %mul3A_1051, %add3A_1050 : vector<16xf32>
        %add3A_1053 = arith.addf %mul3A_1052, %get3A_11 : vector<16xf32>
        %max3A_1054 = arith.constant 0.000000e+00 : f32
        %max3A_1055 = vector.broadcast %max3A_1054 : f32 to vector<16xf32>
        %max3A_1056 = arith.maximumf %add3A_1053, %max3A_1055 : vector<16xf32>
        %add3A_1057 = arith.constant 16 : i32
        %add3A_1058 = arith.addi %mul3A_1016, %add3A_1057 : i32
        %get3A_1059 = arith.index_cast %add3A_1058 : i32 to index
        %get3A_1060 = tpu.vector_load %arg13[%get3A_1059] {strides = array<i32>} : memref<32800xf32, #tpu.memory_space<vmem>>, vector<16xf32>,
        %get3A_1061 = vector.shape_cast %get3A_1060 : vector<16xf32> to vector<16xf32>
        %max3A_1062 = arith.maximumf %get3A_1061, %max3A_1056 : vector<16xf32>
        %add3A_1063 = arith.constant 16 : i32
        %add3A_1064 = arith.addi %mul3A_1016, %add3A_1063 : i32
        %swap3A_1065 = arith.index_cast %add3A_1064 : i32 to index
        %swap3A_1066 = tpu.vector_load %arg13[%swap3A_1065] {strides = array<i32>} : memref<32800xf32, #tpu.memory_space<vmem>>, vector<16xf32>,
        %swap3A_1067 = vector.shape_cast %swap3A_1066 : vector<16xf32> to vector<16xf32>
        %swap3A_1068 = vector.shape_cast %max3A_1062 : vector<16xf32> to vector<16xf32>
        tpu.vector_store %arg13[%swap3A_1065], %swap3A_1068 {strides = array<i32>} : memref<32800xf32, #tpu.memory_space<vmem>>, vector<16xf32>,
      }
      %scan3A_37 = arith.constant 49 : i32
    }
    %scan3A_19 = arith.constant 4 : i32
    "tpu.region"() ({
      %run_scoped3A = tpu.sem_alloc : memref<!tpu.dma_semaphore, #tpu.memory_space<semaphore_mem>>
      %dma_start3A = arith.constant 0 : i32
      %dma_start3A_20 = tpu.memref_slice %arg13[%dma_start3A] : memref<32800xf32, #tpu.memory_space<vmem>> -> memref<32768xf32, #tpu.memory_space<vmem>>
      %dma_start3A_21 = arith.constant 0 : i32
      %dma_start3A_22 = tpu.memref_slice %arg7[%add3A, %dma_start3A_21] : memref<32x32768xf32, #tpu.memory_space<hbm>> -> memref<1x32768xf32, #tpu.memory_space<hbm>>
      %dma_start3A_23 = tpu.memref_squeeze %dma_start3A_22 : memref<1x32768xf32, #tpu.memory_space<hbm>> -> memref<32768xf32, #tpu.memory_space<hbm>>
      %dma_start3A_24 = arith.constant 0 : i32
      %dma_start3A_25 = tpu.memref_slice %arg7[%add3A, %dma_start3A_24] : memref<32x32768xf32, #tpu.memory_space<hbm>> -> memref<1x32768xf32, #tpu.memory_space<hbm>>
      %dma_start3A_26 = tpu.memref_squeeze %dma_start3A_25 : memref<1x32768xf32, #tpu.memory_space<hbm>> -> memref<32768xf32, #tpu.memory_space<hbm>>
      %dma_start3A_27 = arith.constant 0 : i32
      %dma_start3A_28 = tpu.memref_slice %arg13[%dma_start3A_27] : memref<32800xf32, #tpu.memory_space<vmem>> -> memref<32768xf32, #tpu.memory_space<vmem>>
      tpu.enqueue_dma source(%dma_start3A_28 : memref<32768xf32, #tpu.memory_space<vmem>>) target(%dma_start3A_26 : memref<32768xf32, #tpu.memory_space<hbm>>) target_semaphore(%run_scoped3A : memref<!tpu.dma_semaphore, #tpu.memory_space<semaphore_mem>>)
      %dma_wait3A = arith.constant 0 : i32
      %dma_wait3A_29 = tpu.memref_slice %arg13[%dma_wait3A] : memref<32800xf32, #tpu.memory_space<vmem>> -> memref<32768xf32, #tpu.memory_space<vmem>>
      %dma_wait3A_30 = arith.constant 0 : i32
      %dma_wait3A_31 = tpu.memref_slice %arg7[%add3A, %dma_wait3A_30] : memref<32x32768xf32, #tpu.memory_space<hbm>> -> memref<1x32768xf32, #tpu.memory_space<hbm>>
      %dma_wait3A_32 = tpu.memref_squeeze %dma_wait3A_31 : memref<1x32768xf32, #tpu.memory_space<hbm>> -> memref<32768xf32, #tpu.memory_space<hbm>>
      %dma_wait3A_33 = arith.constant 0 : i32
      %dma_wait3A_34 = tpu.memref_slice %arg7[%add3A, %dma_wait3A_33] : memref<32x32768xf32, #tpu.memory_space<hbm>> -> memref<1x32768xf32, #tpu.memory_space<hbm>>
      %dma_wait3A_35 = tpu.memref_squeeze %dma_wait3A_34 : memref<1x32768xf32, #tpu.memory_space<hbm>> -> memref<32768xf32, #tpu.memory_space<hbm>>
      %dma_wait3A_36 = arith.constant 0 : i32
      %dma_wait3A_37 = tpu.memref_slice %arg13[%dma_wait3A_36] : memref<32800xf32, #tpu.memory_space<vmem>> -> memref<32768xf32, #tpu.memory_space<vmem>>
      tpu.wait_dma2 semaphore(%run_scoped3A : memref<!tpu.dma_semaphore, #tpu.memory_space<semaphore_mem>>) src(%dma_wait3A_37 : memref<32768xf32, #tpu.memory_space<vmem>>) dst(%dma_wait3A_35 : memref<32768xf32, #tpu.memory_space<hbm>>)
      tpu.yield
    }) : () -> ()
    return
  }
}

module attributes {stable_mosaic.version = 14 : i64} {
  func.func @_prep_body(%arg0: memref<2x784x128xf32, #tpu.memory_space<vmem>>, %arg1: memref<2x784x128xf32, #tpu.memory_space<vmem>>, %arg2: memref<784x128xf32, #tpu.memory_space<vmem>>, %arg3: memref<2x784x128xf32, #tpu.memory_space<vmem>>) attributes {dimension_semantics = [], scalar_prefetch = 0 : i64, scratch_operands = 0 : i64, tpu.core_type = #tpu.core_type<tc>} {
    %get3A = arith.constant 0 : index
    %get3A_0 = arith.constant 0 : index
    %get3A_1 = arith.constant 0 : index
    %get3A_2 = vector.load %arg0[%get3A, %get3A_0, %get3A_1] : memref<2x784x128xf32, #tpu.memory_space<vmem>>, vector<2x784x128xf32>
    %slice3A = vector.extract_strided_slice %get3A_2 {offsets = [0, 0, 0], sizes = [1, 784, 128], strides = [1, 1, 1]} : vector<2x784x128xf32> to vector<1x784x128xf32>
    %squeeze3A = vector.shape_cast %slice3A : vector<1x784x128xf32> to vector<784x128xf32>
    %slice3A_3 = vector.extract_strided_slice %get3A_2 {offsets = [1, 0, 0], sizes = [1, 784, 128], strides = [1, 1, 1]} : vector<2x784x128xf32> to vector<1x784x128xf32>
    %squeeze3A_4 = vector.shape_cast %slice3A_3 : vector<1x784x128xf32> to vector<784x128xf32>
    %add3A = arith.addf %squeeze3A, %squeeze3A_4 : vector<784x128xf32>
    %add3A_5 = arith.constant 1.000000e+00 : f32
    %add3A_6 = vector.broadcast %add3A_5 : f32 to vector<784x128xf32>
    %add3A_7 = arith.addf %add3A, %add3A_6 : vector<784x128xf32>
    %sqrt3A = math.sqrt %add3A_7 : vector<784x128xf32>
    %div3A = arith.constant 1.000000e+00 : f32
    %div3A_8 = vector.broadcast %div3A : f32 to vector<784x128xf32>
    %div3A_9 = arith.divf %div3A_8, %sqrt3A : vector<784x128xf32>
    %swap3A = arith.constant 0 : index
    %swap3A_10 = arith.constant 0 : index
    %swap3A_11 = vector.load %arg2[%swap3A, %swap3A_10] : memref<784x128xf32, #tpu.memory_space<vmem>>, vector<784x128xf32>
    tpu.vector_store %arg2[%swap3A, %swap3A_10], %div3A_9 {strides = array<i32>} : memref<784x128xf32, #tpu.memory_space<vmem>>, vector<784x128xf32>,
    %get3A_12 = arith.constant 0 : index
    %get3A_13 = arith.constant 0 : index
    %get3A_14 = arith.constant 0 : index
    %get3A_15 = vector.load %arg1[%get3A_12, %get3A_13, %get3A_14] : memref<2x784x128xf32, #tpu.memory_space<vmem>>, vector<2x784x128xf32>
    %slice3A_16 = vector.extract_strided_slice %get3A_15 {offsets = [0, 0, 0], sizes = [1, 784, 128], strides = [1, 1, 1]} : vector<2x784x128xf32> to vector<1x784x128xf32>
    %squeeze3A_17 = vector.shape_cast %slice3A_16 : vector<1x784x128xf32> to vector<784x128xf32>
    %mul3A = arith.mulf %squeeze3A_17, %div3A_9 : vector<784x128xf32>
    %swap3A_18 = arith.constant 0 : index
    %swap3A_19 = arith.constant 0 : index
    %swap3A_20 = arith.constant 0 : index
    %swap3A_21 = vector.load %arg3[%swap3A_18, %swap3A_19, %swap3A_20] : memref<2x784x128xf32, #tpu.memory_space<vmem>>, vector<1x784x128xf32>
    %swap3A_22 = vector.shape_cast %swap3A_21 : vector<1x784x128xf32> to vector<784x128xf32>
    %swap3A_23 = vector.shape_cast %mul3A : vector<784x128xf32> to vector<1x784x128xf32>
    tpu.vector_store %arg3[%swap3A_18, %swap3A_19, %swap3A_20], %swap3A_23 {strides = array<i32>} : memref<2x784x128xf32, #tpu.memory_space<vmem>>, vector<1x784x128xf32>,
    %slice3A_24 = vector.extract_strided_slice %get3A_15 {offsets = [1, 0, 0], sizes = [1, 784, 128], strides = [1, 1, 1]} : vector<2x784x128xf32> to vector<1x784x128xf32>
    %squeeze3A_25 = vector.shape_cast %slice3A_24 : vector<1x784x128xf32> to vector<784x128xf32>
    %mul3A_26 = arith.mulf %squeeze3A_25, %div3A_9 : vector<784x128xf32>
    %swap3A_27 = arith.constant 1 : index
    %swap3A_28 = arith.constant 0 : index
    %swap3A_29 = arith.constant 0 : index
    %swap3A_30 = vector.load %arg3[%swap3A_27, %swap3A_28, %swap3A_29] : memref<2x784x128xf32, #tpu.memory_space<vmem>>, vector<1x784x128xf32>
    %swap3A_31 = vector.shape_cast %swap3A_30 : vector<1x784x128xf32> to vector<784x128xf32>
    %swap3A_32 = vector.shape_cast %mul3A_26 : vector<784x128xf32> to vector<1x784x128xf32>
    tpu.vector_store %arg3[%swap3A_27, %swap3A_28, %swap3A_29], %swap3A_32 {strides = array<i32>} : memref<2x784x128xf32, #tpu.memory_space<vmem>>, vector<1x784x128xf32>,
    return
  }
}

module attributes {stable_mosaic.version = 14 : i64} {
  func.func @_mid_body(%arg0: i32, %arg1: memref<2x2x8x128xf32, #tpu.memory_space<vmem>>, %arg2: memref<2x8x128xf32, #tpu.memory_space<vmem>>, %arg3: memref<8x128xf32, #tpu.memory_space<vmem>>, %arg4: memref<64x2xf32, #tpu.memory_space<vmem>>, %arg5: memref<64x1xf32, #tpu.memory_space<vmem>>, %arg6: memref<32x64xf32, #tpu.memory_space<vmem>>, %arg7: memref<1024x32xf32, #tpu.memory_space<vmem>>) attributes {dimension_semantics = [#tpu.dimension_semantics<arbitrary>], iteration_bounds = array<i64: 98>, scalar_prefetch = 0 : i64, scratch_operands = 0 : i64, tpu.core_type = #tpu.core_type<tc>, window_params = [{transform_indices = @transform_0, window_bounds = array<i64: 2, 2, 8, 128>}, {transform_indices = @transform_1, window_bounds = array<i64: 2, 8, 128>}, {transform_indices = @transform_2, window_bounds = array<i64: 8, 128>}, {pipeline_mode = #tpu.pipeline_mode<synchronous>, transform_indices = @transform_3, window_bounds = array<i64: 64, 2>}, {pipeline_mode = #tpu.pipeline_mode<synchronous>, transform_indices = @transform_4, window_bounds = array<i64: 64, 1>}, {pipeline_mode = #tpu.pipeline_mode<synchronous>, transform_indices = @transform_5, window_bounds = array<i64: 32, 64>}, {transform_indices = @transform_6, window_bounds = array<i64: 1024, 32>}]} {
    %get3A = arith.constant 0 : index
    %get3A_0 = arith.constant 0 : index
    %get3A_1 = arith.constant 0 : index
    %get3A_2 = arith.constant 0 : index
    %get3A_3 = vector.load %arg1[%get3A, %get3A_0, %get3A_1, %get3A_2] : memref<2x2x8x128xf32, #tpu.memory_space<vmem>>, vector<2x2x8x128xf32>
    %get3A_4 = arith.constant 0 : index
    %get3A_5 = arith.constant 0 : index
    %get3A_6 = arith.constant 0 : index
    %get3A_7 = vector.load %arg2[%get3A_4, %get3A_5, %get3A_6] : memref<2x8x128xf32, #tpu.memory_space<vmem>>, vector<2x8x128xf32>
    %get3A_8 = arith.constant 0 : index
    %get3A_9 = arith.constant 0 : index
    %get3A_10 = vector.load %arg3[%get3A_8, %get3A_9] : memref<8x128xf32, #tpu.memory_space<vmem>>, vector<8x128xf32>
    %slice3A = vector.extract_strided_slice %get3A_3 {offsets = [0, 0, 0, 0], sizes = [1, 1, 8, 128], strides = [1, 1, 1, 1]} : vector<2x2x8x128xf32> to vector<1x1x8x128xf32>
    %squeeze3A = vector.shape_cast %slice3A : vector<1x1x8x128xf32> to vector<8x128xf32>
    %slice3A_11 = vector.extract_strided_slice %get3A_3 {offsets = [1, 0, 0, 0], sizes = [1, 1, 8, 128], strides = [1, 1, 1, 1]} : vector<2x2x8x128xf32> to vector<1x1x8x128xf32>
    %squeeze3A_12 = vector.shape_cast %slice3A_11 : vector<1x1x8x128xf32> to vector<8x128xf32>
    %add3A = arith.addf %squeeze3A, %squeeze3A_12 : vector<8x128xf32>
    %slice3A_13 = vector.extract_strided_slice %get3A_7 {offsets = [0, 0, 0], sizes = [1, 8, 128], strides = [1, 1, 1]} : vector<2x8x128xf32> to vector<1x8x128xf32>
    %squeeze3A_14 = vector.shape_cast %slice3A_13 : vector<1x8x128xf32> to vector<8x128xf32>
    %add3A_15 = arith.addf %add3A, %squeeze3A_14 : vector<8x128xf32>
    %mul3A = arith.mulf %get3A_10, %add3A_15 : vector<8x128xf32>
    %slice3A_16 = vector.extract_strided_slice %get3A_3 {offsets = [0, 1, 0, 0], sizes = [1, 1, 8, 128], strides = [1, 1, 1, 1]} : vector<2x2x8x128xf32> to vector<1x1x8x128xf32>
    %squeeze3A_17 = vector.shape_cast %slice3A_16 : vector<1x1x8x128xf32> to vector<8x128xf32>
    %slice3A_18 = vector.extract_strided_slice %get3A_3 {offsets = [1, 1, 0, 0], sizes = [1, 1, 8, 128], strides = [1, 1, 1, 1]} : vector<2x2x8x128xf32> to vector<1x1x8x128xf32>
    %squeeze3A_19 = vector.shape_cast %slice3A_18 : vector<1x1x8x128xf32> to vector<8x128xf32>
    %add3A_20 = arith.addf %squeeze3A_17, %squeeze3A_19 : vector<8x128xf32>
    %slice3A_21 = vector.extract_strided_slice %get3A_7 {offsets = [1, 0, 0], sizes = [1, 8, 128], strides = [1, 1, 1]} : vector<2x8x128xf32> to vector<1x8x128xf32>
    %squeeze3A_22 = vector.shape_cast %slice3A_21 : vector<1x8x128xf32> to vector<8x128xf32>
    %add3A_23 = arith.addf %add3A_20, %squeeze3A_22 : vector<8x128xf32>
    %mul3A_24 = arith.mulf %get3A_10, %add3A_23 : vector<8x128xf32>
    %slice3A_25 = vector.extract_strided_slice %mul3A {offsets = [0, 0], sizes = [1, 128], strides = [1, 1]} : vector<8x128xf32> to vector<1x128xf32>
    %slice3A_26 = vector.extract_strided_slice %mul3A_24 {offsets = [0, 0], sizes = [1, 128], strides = [1, 1]} : vector<8x128xf32> to vector<1x128xf32>
    %concatenate3A = tpu.concatenate %slice3A_25, %slice3A_26 in 0 : vector<1x128xf32>, vector<1x128xf32> -> vector<2x128xf32>
    %get3A_27 = arith.constant 0 : index
    %get3A_28 = arith.constant 0 : index
    %get3A_29 = vector.load %arg4[%get3A_27, %get3A_28] : memref<64x2xf32, #tpu.memory_space<vmem>>, vector<64x2xf32>
    %dot_general3A = arith.constant dense<0.000000e+00> : vector<64x128xf32>
    %dot_general3A_30 = tpu.matmul %get3A_29, %concatenate3A, %dot_general3A {dimension_numbers = #tpu.dot_dimension_numbers<[1], [0], [0], [1], [0, 0, 1, 1], [], []>, precision = #tpu.contract_precision<fp32>, transpose_lhs_hint = false} : vector<64x2xf32>, vector<2x128xf32>, vector<64x128xf32> -> vector<64x128xf32>
    %get3A_31 = arith.constant 0 : index
    %get3A_32 = arith.constant 0 : index
    %get3A_33 = vector.load %arg5[%get3A_31, %get3A_32] : memref<64x1xf32, #tpu.memory_space<vmem>>, vector<64x1xf32>
    %add3A_34 = vector.broadcast %get3A_33 : vector<64x1xf32> to vector<64x128xf32>
    %add3A_35 = arith.addf %dot_general3A_30, %add3A_34 : vector<64x128xf32>
    %max3A = arith.constant 0.000000e+00 : f32
    %max3A_36 = vector.broadcast %max3A : f32 to vector<64x128xf32>
    %max3A_37 = arith.maximumf %add3A_35, %max3A_36 : vector<64x128xf32>
    %get3A_38 = arith.constant 0 : index
    %get3A_39 = arith.constant 0 : index
    %get3A_40 = vector.load %arg6[%get3A_38, %get3A_39] : memref<32x64xf32, #tpu.memory_space<vmem>>, vector<32x64xf32>
    %dot_general3A_41 = arith.constant dense<0.000000e+00> : vector<32x128xf32>
    %dot_general3A_42 = tpu.matmul %get3A_40, %max3A_37, %dot_general3A_41 {dimension_numbers = #tpu.dot_dimension_numbers<[1], [0], [0], [1], [0, 0, 1, 1], [], []>, precision = #tpu.contract_precision<fp32>, transpose_lhs_hint = false} : vector<32x64xf32>, vector<64x128xf32>, vector<32x128xf32> -> vector<32x128xf32>
    %slice3A_43 = vector.extract_strided_slice %get3A_10 {offsets = [0, 0], sizes = [1, 128], strides = [1, 1]} : vector<8x128xf32> to vector<1x128xf32>
    %mul3A_44 = vector.broadcast %slice3A_43 : vector<1x128xf32> to vector<32x128xf32>
    %mul3A_45 = arith.mulf %dot_general3A_42, %mul3A_44 : vector<32x128xf32>
    %transpose3A = tpu.transpose %mul3A_45, [1, 0] : vector<32x128xf32> -> vector<128x32xf32>
    %swap3A = arith.constant 0 : index
    %swap3A_46 = arith.constant 0 : index
    %swap3A_47 = vector.load %arg7[%swap3A, %swap3A_46] : memref<1024x32xf32, #tpu.memory_space<vmem>>, vector<128x32xf32>
    tpu.vector_store %arg7[%swap3A, %swap3A_46], %transpose3A {strides = array<i32>} : memref<1024x32xf32, #tpu.memory_space<vmem>>, vector<128x32xf32>,
    %slice3A_48 = vector.extract_strided_slice %mul3A {offsets = [1, 0], sizes = [1, 128], strides = [1, 1]} : vector<8x128xf32> to vector<1x128xf32>
    %slice3A_49 = vector.extract_strided_slice %mul3A_24 {offsets = [1, 0], sizes = [1, 128], strides = [1, 1]} : vector<8x128xf32> to vector<1x128xf32>
    %concatenate3A_50 = tpu.concatenate %slice3A_48, %slice3A_49 in 0 : vector<1x128xf32>, vector<1x128xf32> -> vector<2x128xf32>
    %get3A_51 = arith.constant 0 : index
    %get3A_52 = arith.constant 0 : index
    %get3A_53 = vector.load %arg4[%get3A_51, %get3A_52] : memref<64x2xf32, #tpu.memory_space<vmem>>, vector<64x2xf32>
    %dot_general3A_54 = arith.constant dense<0.000000e+00> : vector<64x128xf32>
    %dot_general3A_55 = tpu.matmul %get3A_53, %concatenate3A_50, %dot_general3A_54 {dimension_numbers = #tpu.dot_dimension_numbers<[1], [0], [0], [1], [0, 0, 1, 1], [], []>, precision = #tpu.contract_precision<fp32>, transpose_lhs_hint = false} : vector<64x2xf32>, vector<2x128xf32>, vector<64x128xf32> -> vector<64x128xf32>
    %get3A_56 = arith.constant 0 : index
    %get3A_57 = arith.constant 0 : index
    %get3A_58 = vector.load %arg5[%get3A_56, %get3A_57] : memref<64x1xf32, #tpu.memory_space<vmem>>, vector<64x1xf32>
    %add3A_59 = vector.broadcast %get3A_58 : vector<64x1xf32> to vector<64x128xf32>
    %add3A_60 = arith.addf %dot_general3A_55, %add3A_59 : vector<64x128xf32>
    %max3A_61 = arith.constant 0.000000e+00 : f32
    %max3A_62 = vector.broadcast %max3A_61 : f32 to vector<64x128xf32>
    %max3A_63 = arith.maximumf %add3A_60, %max3A_62 : vector<64x128xf32>
    %get3A_64 = arith.constant 0 : index
    %get3A_65 = arith.constant 0 : index
    %get3A_66 = vector.load %arg6[%get3A_64, %get3A_65] : memref<32x64xf32, #tpu.memory_space<vmem>>, vector<32x64xf32>
    %dot_general3A_67 = arith.constant dense<0.000000e+00> : vector<32x128xf32>
    %dot_general3A_68 = tpu.matmul %get3A_66, %max3A_63, %dot_general3A_67 {dimension_numbers = #tpu.dot_dimension_numbers<[1], [0], [0], [1], [0, 0, 1, 1], [], []>, precision = #tpu.contract_precision<fp32>, transpose_lhs_hint = false} : vector<32x64xf32>, vector<64x128xf32>, vector<32x128xf32> -> vector<32x128xf32>
    %slice3A_69 = vector.extract_strided_slice %get3A_10 {offsets = [1, 0], sizes = [1, 128], strides = [1, 1]} : vector<8x128xf32> to vector<1x128xf32>
    %mul3A_70 = vector.broadcast %slice3A_69 : vector<1x128xf32> to vector<32x128xf32>
    %mul3A_71 = arith.mulf %dot_general3A_68, %mul3A_70 : vector<32x128xf32>
    %transpose3A_72 = tpu.transpose %mul3A_71, [1, 0] : vector<32x128xf32> -> vector<128x32xf32>
    %swap3A_73 = arith.constant 128 : index
    %swap3A_74 = arith.constant 0 : index
    %swap3A_75 = vector.load %arg7[%swap3A_73, %swap3A_74] : memref<1024x32xf32, #tpu.memory_space<vmem>>, vector<128x32xf32>
    tpu.vector_store %arg7[%swap3A_73, %swap3A_74], %transpose3A_72 {strides = array<i32>} : memref<1024x32xf32, #tpu.memory_space<vmem>>, vector<128x32xf32>,
    %slice3A_76 = vector.extract_strided_slice %mul3A {offsets = [2, 0], sizes = [1, 128], strides = [1, 1]} : vector<8x128xf32> to vector<1x128xf32>
    %slice3A_77 = vector.extract_strided_slice %mul3A_24 {offsets = [2, 0], sizes = [1, 128], strides = [1, 1]} : vector<8x128xf32> to vector<1x128xf32>
    %concatenate3A_78 = tpu.concatenate %slice3A_76, %slice3A_77 in 0 : vector<1x128xf32>, vector<1x128xf32> -> vector<2x128xf32>
    %get3A_79 = arith.constant 0 : index
    %get3A_80 = arith.constant 0 : index
    %get3A_81 = vector.load %arg4[%get3A_79, %get3A_80] : memref<64x2xf32, #tpu.memory_space<vmem>>, vector<64x2xf32>
    %dot_general3A_82 = arith.constant dense<0.000000e+00> : vector<64x128xf32>
    %dot_general3A_83 = tpu.matmul %get3A_81, %concatenate3A_78, %dot_general3A_82 {dimension_numbers = #tpu.dot_dimension_numbers<[1], [0], [0], [1], [0, 0, 1, 1], [], []>, precision = #tpu.contract_precision<fp32>, transpose_lhs_hint = false} : vector<64x2xf32>, vector<2x128xf32>, vector<64x128xf32> -> vector<64x128xf32>
    %get3A_84 = arith.constant 0 : index
    %get3A_85 = arith.constant 0 : index
    %get3A_86 = vector.load %arg5[%get3A_84, %get3A_85] : memref<64x1xf32, #tpu.memory_space<vmem>>, vector<64x1xf32>
    %add3A_87 = vector.broadcast %get3A_86 : vector<64x1xf32> to vector<64x128xf32>
    %add3A_88 = arith.addf %dot_general3A_83, %add3A_87 : vector<64x128xf32>
    %max3A_89 = arith.constant 0.000000e+00 : f32
    %max3A_90 = vector.broadcast %max3A_89 : f32 to vector<64x128xf32>
    %max3A_91 = arith.maximumf %add3A_88, %max3A_90 : vector<64x128xf32>
    %get3A_92 = arith.constant 0 : index
    %get3A_93 = arith.constant 0 : index
    %get3A_94 = vector.load %arg6[%get3A_92, %get3A_93] : memref<32x64xf32, #tpu.memory_space<vmem>>, vector<32x64xf32>
    %dot_general3A_95 = arith.constant dense<0.000000e+00> : vector<32x128xf32>
    %dot_general3A_96 = tpu.matmul %get3A_94, %max3A_91, %dot_general3A_95 {dimension_numbers = #tpu.dot_dimension_numbers<[1], [0], [0], [1], [0, 0, 1, 1], [], []>, precision = #tpu.contract_precision<fp32>, transpose_lhs_hint = false} : vector<32x64xf32>, vector<64x128xf32>, vector<32x128xf32> -> vector<32x128xf32>
    %slice3A_97 = vector.extract_strided_slice %get3A_10 {offsets = [2, 0], sizes = [1, 128], strides = [1, 1]} : vector<8x128xf32> to vector<1x128xf32>
    %mul3A_98 = vector.broadcast %slice3A_97 : vector<1x128xf32> to vector<32x128xf32>
    %mul3A_99 = arith.mulf %dot_general3A_96, %mul3A_98 : vector<32x128xf32>
    %transpose3A_100 = tpu.transpose %mul3A_99, [1, 0] : vector<32x128xf32> -> vector<128x32xf32>
    %swap3A_101 = arith.constant 256 : index
    %swap3A_102 = arith.constant 0 : index
    %swap3A_103 = vector.load %arg7[%swap3A_101, %swap3A_102] : memref<1024x32xf32, #tpu.memory_space<vmem>>, vector<128x32xf32>
    tpu.vector_store %arg7[%swap3A_101, %swap3A_102], %transpose3A_100 {strides = array<i32>} : memref<1024x32xf32, #tpu.memory_space<vmem>>, vector<128x32xf32>,
    %slice3A_104 = vector.extract_strided_slice %mul3A {offsets = [3, 0], sizes = [1, 128], strides = [1, 1]} : vector<8x128xf32> to vector<1x128xf32>
    %slice3A_105 = vector.extract_strided_slice %mul3A_24 {offsets = [3, 0], sizes = [1, 128], strides = [1, 1]} : vector<8x128xf32> to vector<1x128xf32>
    %concatenate3A_106 = tpu.concatenate %slice3A_104, %slice3A_105 in 0 : vector<1x128xf32>, vector<1x128xf32> -> vector<2x128xf32>
    %get3A_107 = arith.constant 0 : index
    %get3A_108 = arith.constant 0 : index
    %get3A_109 = vector.load %arg4[%get3A_107, %get3A_108] : memref<64x2xf32, #tpu.memory_space<vmem>>, vector<64x2xf32>
    %dot_general3A_110 = arith.constant dense<0.000000e+00> : vector<64x128xf32>
    %dot_general3A_111 = tpu.matmul %get3A_109, %concatenate3A_106, %dot_general3A_110 {dimension_numbers = #tpu.dot_dimension_numbers<[1], [0], [0], [1], [0, 0, 1, 1], [], []>, precision = #tpu.contract_precision<fp32>, transpose_lhs_hint = false} : vector<64x2xf32>, vector<2x128xf32>, vector<64x128xf32> -> vector<64x128xf32>
    %get3A_112 = arith.constant 0 : index
    %get3A_113 = arith.constant 0 : index
    %get3A_114 = vector.load %arg5[%get3A_112, %get3A_113] : memref<64x1xf32, #tpu.memory_space<vmem>>, vector<64x1xf32>
    %add3A_115 = vector.broadcast %get3A_114 : vector<64x1xf32> to vector<64x128xf32>
    %add3A_116 = arith.addf %dot_general3A_111, %add3A_115 : vector<64x128xf32>
    %max3A_117 = arith.constant 0.000000e+00 : f32
    %max3A_118 = vector.broadcast %max3A_117 : f32 to vector<64x128xf32>
    %max3A_119 = arith.maximumf %add3A_116, %max3A_118 : vector<64x128xf32>
    %get3A_120 = arith.constant 0 : index
    %get3A_121 = arith.constant 0 : index
    %get3A_122 = vector.load %arg6[%get3A_120, %get3A_121] : memref<32x64xf32, #tpu.memory_space<vmem>>, vector<32x64xf32>
    %dot_general3A_123 = arith.constant dense<0.000000e+00> : vector<32x128xf32>
    %dot_general3A_124 = tpu.matmul %get3A_122, %max3A_119, %dot_general3A_123 {dimension_numbers = #tpu.dot_dimension_numbers<[1], [0], [0], [1], [0, 0, 1, 1], [], []>, precision = #tpu.contract_precision<fp32>, transpose_lhs_hint = false} : vector<32x64xf32>, vector<64x128xf32>, vector<32x128xf32> -> vector<32x128xf32>
    %slice3A_125 = vector.extract_strided_slice %get3A_10 {offsets = [3, 0], sizes = [1, 128], strides = [1, 1]} : vector<8x128xf32> to vector<1x128xf32>
    %mul3A_126 = vector.broadcast %slice3A_125 : vector<1x128xf32> to vector<32x128xf32>
    %mul3A_127 = arith.mulf %dot_general3A_124, %mul3A_126 : vector<32x128xf32>
    %transpose3A_128 = tpu.transpose %mul3A_127, [1, 0] : vector<32x128xf32> -> vector<128x32xf32>
    %swap3A_129 = arith.constant 384 : index
    %swap3A_130 = arith.constant 0 : index
    %swap3A_131 = vector.load %arg7[%swap3A_129, %swap3A_130] : memref<1024x32xf32, #tpu.memory_space<vmem>>, vector<128x32xf32>
    tpu.vector_store %arg7[%swap3A_129, %swap3A_130], %transpose3A_128 {strides = array<i32>} : memref<1024x32xf32, #tpu.memory_space<vmem>>, vector<128x32xf32>,
    %slice3A_132 = vector.extract_strided_slice %mul3A {offsets = [4, 0], sizes = [1, 128], strides = [1, 1]} : vector<8x128xf32> to vector<1x128xf32>
    %slice3A_133 = vector.extract_strided_slice %mul3A_24 {offsets = [4, 0], sizes = [1, 128], strides = [1, 1]} : vector<8x128xf32> to vector<1x128xf32>
    %concatenate3A_134 = tpu.concatenate %slice3A_132, %slice3A_133 in 0 : vector<1x128xf32>, vector<1x128xf32> -> vector<2x128xf32>
    %get3A_135 = arith.constant 0 : index
    %get3A_136 = arith.constant 0 : index
    %get3A_137 = vector.load %arg4[%get3A_135, %get3A_136] : memref<64x2xf32, #tpu.memory_space<vmem>>, vector<64x2xf32>
    %dot_general3A_138 = arith.constant dense<0.000000e+00> : vector<64x128xf32>
    %dot_general3A_139 = tpu.matmul %get3A_137, %concatenate3A_134, %dot_general3A_138 {dimension_numbers = #tpu.dot_dimension_numbers<[1], [0], [0], [1], [0, 0, 1, 1], [], []>, precision = #tpu.contract_precision<fp32>, transpose_lhs_hint = false} : vector<64x2xf32>, vector<2x128xf32>, vector<64x128xf32> -> vector<64x128xf32>
    %get3A_140 = arith.constant 0 : index
    %get3A_141 = arith.constant 0 : index
    %get3A_142 = vector.load %arg5[%get3A_140, %get3A_141] : memref<64x1xf32, #tpu.memory_space<vmem>>, vector<64x1xf32>
    %add3A_143 = vector.broadcast %get3A_142 : vector<64x1xf32> to vector<64x128xf32>
    %add3A_144 = arith.addf %dot_general3A_139, %add3A_143 : vector<64x128xf32>
    %max3A_145 = arith.constant 0.000000e+00 : f32
    %max3A_146 = vector.broadcast %max3A_145 : f32 to vector<64x128xf32>
    %max3A_147 = arith.maximumf %add3A_144, %max3A_146 : vector<64x128xf32>
    %get3A_148 = arith.constant 0 : index
    %get3A_149 = arith.constant 0 : index
    %get3A_150 = vector.load %arg6[%get3A_148, %get3A_149] : memref<32x64xf32, #tpu.memory_space<vmem>>, vector<32x64xf32>
    %dot_general3A_151 = arith.constant dense<0.000000e+00> : vector<32x128xf32>
    %dot_general3A_152 = tpu.matmul %get3A_150, %max3A_147, %dot_general3A_151 {dimension_numbers = #tpu.dot_dimension_numbers<[1], [0], [0], [1], [0, 0, 1, 1], [], []>, precision = #tpu.contract_precision<fp32>, transpose_lhs_hint = false} : vector<32x64xf32>, vector<64x128xf32>, vector<32x128xf32> -> vector<32x128xf32>
    %slice3A_153 = vector.extract_strided_slice %get3A_10 {offsets = [4, 0], sizes = [1, 128], strides = [1, 1]} : vector<8x128xf32> to vector<1x128xf32>
    %mul3A_154 = vector.broadcast %slice3A_153 : vector<1x128xf32> to vector<32x128xf32>
    %mul3A_155 = arith.mulf %dot_general3A_152, %mul3A_154 : vector<32x128xf32>
    %transpose3A_156 = tpu.transpose %mul3A_155, [1, 0] : vector<32x128xf32> -> vector<128x32xf32>
    %swap3A_157 = arith.constant 512 : index
    %swap3A_158 = arith.constant 0 : index
    %swap3A_159 = vector.load %arg7[%swap3A_157, %swap3A_158] : memref<1024x32xf32, #tpu.memory_space<vmem>>, vector<128x32xf32>
    tpu.vector_store %arg7[%swap3A_157, %swap3A_158], %transpose3A_156 {strides = array<i32>} : memref<1024x32xf32, #tpu.memory_space<vmem>>, vector<128x32xf32>,
    %slice3A_160 = vector.extract_strided_slice %mul3A {offsets = [5, 0], sizes = [1, 128], strides = [1, 1]} : vector<8x128xf32> to vector<1x128xf32>
    %slice3A_161 = vector.extract_strided_slice %mul3A_24 {offsets = [5, 0], sizes = [1, 128], strides = [1, 1]} : vector<8x128xf32> to vector<1x128xf32>
    %concatenate3A_162 = tpu.concatenate %slice3A_160, %slice3A_161 in 0 : vector<1x128xf32>, vector<1x128xf32> -> vector<2x128xf32>
    %get3A_163 = arith.constant 0 : index
    %get3A_164 = arith.constant 0 : index
    %get3A_165 = vector.load %arg4[%get3A_163, %get3A_164] : memref<64x2xf32, #tpu.memory_space<vmem>>, vector<64x2xf32>
    %dot_general3A_166 = arith.constant dense<0.000000e+00> : vector<64x128xf32>
    %dot_general3A_167 = tpu.matmul %get3A_165, %concatenate3A_162, %dot_general3A_166 {dimension_numbers = #tpu.dot_dimension_numbers<[1], [0], [0], [1], [0, 0, 1, 1], [], []>, precision = #tpu.contract_precision<fp32>, transpose_lhs_hint = false} : vector<64x2xf32>, vector<2x128xf32>, vector<64x128xf32> -> vector<64x128xf32>
    %get3A_168 = arith.constant 0 : index
    %get3A_169 = arith.constant 0 : index
    %get3A_170 = vector.load %arg5[%get3A_168, %get3A_169] : memref<64x1xf32, #tpu.memory_space<vmem>>, vector<64x1xf32>
    %add3A_171 = vector.broadcast %get3A_170 : vector<64x1xf32> to vector<64x128xf32>
    %add3A_172 = arith.addf %dot_general3A_167, %add3A_171 : vector<64x128xf32>
    %max3A_173 = arith.constant 0.000000e+00 : f32
    %max3A_174 = vector.broadcast %max3A_173 : f32 to vector<64x128xf32>
    %max3A_175 = arith.maximumf %add3A_172, %max3A_174 : vector<64x128xf32>
    %get3A_176 = arith.constant 0 : index
    %get3A_177 = arith.constant 0 : index
    %get3A_178 = vector.load %arg6[%get3A_176, %get3A_177] : memref<32x64xf32, #tpu.memory_space<vmem>>, vector<32x64xf32>
    %dot_general3A_179 = arith.constant dense<0.000000e+00> : vector<32x128xf32>
    %dot_general3A_180 = tpu.matmul %get3A_178, %max3A_175, %dot_general3A_179 {dimension_numbers = #tpu.dot_dimension_numbers<[1], [0], [0], [1], [0, 0, 1, 1], [], []>, precision = #tpu.contract_precision<fp32>, transpose_lhs_hint = false} : vector<32x64xf32>, vector<64x128xf32>, vector<32x128xf32> -> vector<32x128xf32>
    %slice3A_181 = vector.extract_strided_slice %get3A_10 {offsets = [5, 0], sizes = [1, 128], strides = [1, 1]} : vector<8x128xf32> to vector<1x128xf32>
    %mul3A_182 = vector.broadcast %slice3A_181 : vector<1x128xf32> to vector<32x128xf32>
    %mul3A_183 = arith.mulf %dot_general3A_180, %mul3A_182 : vector<32x128xf32>
    %transpose3A_184 = tpu.transpose %mul3A_183, [1, 0] : vector<32x128xf32> -> vector<128x32xf32>
    %swap3A_185 = arith.constant 640 : index
    %swap3A_186 = arith.constant 0 : index
    %swap3A_187 = vector.load %arg7[%swap3A_185, %swap3A_186] : memref<1024x32xf32, #tpu.memory_space<vmem>>, vector<128x32xf32>
    tpu.vector_store %arg7[%swap3A_185, %swap3A_186], %transpose3A_184 {strides = array<i32>} : memref<1024x32xf32, #tpu.memory_space<vmem>>, vector<128x32xf32>,
    %slice3A_188 = vector.extract_strided_slice %mul3A {offsets = [6, 0], sizes = [1, 128], strides = [1, 1]} : vector<8x128xf32> to vector<1x128xf32>
    %slice3A_189 = vector.extract_strided_slice %mul3A_24 {offsets = [6, 0], sizes = [1, 128], strides = [1, 1]} : vector<8x128xf32> to vector<1x128xf32>
    %concatenate3A_190 = tpu.concatenate %slice3A_188, %slice3A_189 in 0 : vector<1x128xf32>, vector<1x128xf32> -> vector<2x128xf32>
    %get3A_191 = arith.constant 0 : index
    %get3A_192 = arith.constant 0 : index
    %get3A_193 = vector.load %arg4[%get3A_191, %get3A_192] : memref<64x2xf32, #tpu.memory_space<vmem>>, vector<64x2xf32>
    %dot_general3A_194 = arith.constant dense<0.000000e+00> : vector<64x128xf32>
    %dot_general3A_195 = tpu.matmul %get3A_193, %concatenate3A_190, %dot_general3A_194 {dimension_numbers = #tpu.dot_dimension_numbers<[1], [0], [0], [1], [0, 0, 1, 1], [], []>, precision = #tpu.contract_precision<fp32>, transpose_lhs_hint = false} : vector<64x2xf32>, vector<2x128xf32>, vector<64x128xf32> -> vector<64x128xf32>
    %get3A_196 = arith.constant 0 : index
    %get3A_197 = arith.constant 0 : index
    %get3A_198 = vector.load %arg5[%get3A_196, %get3A_197] : memref<64x1xf32, #tpu.memory_space<vmem>>, vector<64x1xf32>
    %add3A_199 = vector.broadcast %get3A_198 : vector<64x1xf32> to vector<64x128xf32>
    %add3A_200 = arith.addf %dot_general3A_195, %add3A_199 : vector<64x128xf32>
    %max3A_201 = arith.constant 0.000000e+00 : f32
    %max3A_202 = vector.broadcast %max3A_201 : f32 to vector<64x128xf32>
    %max3A_203 = arith.maximumf %add3A_200, %max3A_202 : vector<64x128xf32>
    %get3A_204 = arith.constant 0 : index
    %get3A_205 = arith.constant 0 : index
    %get3A_206 = vector.load %arg6[%get3A_204, %get3A_205] : memref<32x64xf32, #tpu.memory_space<vmem>>, vector<32x64xf32>
    %dot_general3A_207 = arith.constant dense<0.000000e+00> : vector<32x128xf32>
    %dot_general3A_208 = tpu.matmul %get3A_206, %max3A_203, %dot_general3A_207 {dimension_numbers = #tpu.dot_dimension_numbers<[1], [0], [0], [1], [0, 0, 1, 1], [], []>, precision = #tpu.contract_precision<fp32>, transpose_lhs_hint = false} : vector<32x64xf32>, vector<64x128xf32>, vector<32x128xf32> -> vector<32x128xf32>
    %slice3A_209 = vector.extract_strided_slice %get3A_10 {offsets = [6, 0], sizes = [1, 128], strides = [1, 1]} : vector<8x128xf32> to vector<1x128xf32>
    %mul3A_210 = vector.broadcast %slice3A_209 : vector<1x128xf32> to vector<32x128xf32>
    %mul3A_211 = arith.mulf %dot_general3A_208, %mul3A_210 : vector<32x128xf32>
    %transpose3A_212 = tpu.transpose %mul3A_211, [1, 0] : vector<32x128xf32> -> vector<128x32xf32>
    %swap3A_213 = arith.constant 768 : index
    %swap3A_214 = arith.constant 0 : index
    %swap3A_215 = vector.load %arg7[%swap3A_213, %swap3A_214] : memref<1024x32xf32, #tpu.memory_space<vmem>>, vector<128x32xf32>
    tpu.vector_store %arg7[%swap3A_213, %swap3A_214], %transpose3A_212 {strides = array<i32>} : memref<1024x32xf32, #tpu.memory_space<vmem>>, vector<128x32xf32>,
    %slice3A_216 = vector.extract_strided_slice %mul3A {offsets = [7, 0], sizes = [1, 128], strides = [1, 1]} : vector<8x128xf32> to vector<1x128xf32>
    %slice3A_217 = vector.extract_strided_slice %mul3A_24 {offsets = [7, 0], sizes = [1, 128], strides = [1, 1]} : vector<8x128xf32> to vector<1x128xf32>
    %concatenate3A_218 = tpu.concatenate %slice3A_216, %slice3A_217 in 0 : vector<1x128xf32>, vector<1x128xf32> -> vector<2x128xf32>
    %get3A_219 = arith.constant 0 : index
    %get3A_220 = arith.constant 0 : index
    %get3A_221 = vector.load %arg4[%get3A_219, %get3A_220] : memref<64x2xf32, #tpu.memory_space<vmem>>, vector<64x2xf32>
    %dot_general3A_222 = arith.constant dense<0.000000e+00> : vector<64x128xf32>
    %dot_general3A_223 = tpu.matmul %get3A_221, %concatenate3A_218, %dot_general3A_222 {dimension_numbers = #tpu.dot_dimension_numbers<[1], [0], [0], [1], [0, 0, 1, 1], [], []>, precision = #tpu.contract_precision<fp32>, transpose_lhs_hint = false} : vector<64x2xf32>, vector<2x128xf32>, vector<64x128xf32> -> vector<64x128xf32>
    %get3A_224 = arith.constant 0 : index
    %get3A_225 = arith.constant 0 : index
    %get3A_226 = vector.load %arg5[%get3A_224, %get3A_225] : memref<64x1xf32, #tpu.memory_space<vmem>>, vector<64x1xf32>
    %add3A_227 = vector.broadcast %get3A_226 : vector<64x1xf32> to vector<64x128xf32>
    %add3A_228 = arith.addf %dot_general3A_223, %add3A_227 : vector<64x128xf32>
    %max3A_229 = arith.constant 0.000000e+00 : f32
    %max3A_230 = vector.broadcast %max3A_229 : f32 to vector<64x128xf32>
    %max3A_231 = arith.maximumf %add3A_228, %max3A_230 : vector<64x128xf32>
    %get3A_232 = arith.constant 0 : index
    %get3A_233 = arith.constant 0 : index
    %get3A_234 = vector.load %arg6[%get3A_232, %get3A_233] : memref<32x64xf32, #tpu.memory_space<vmem>>, vector<32x64xf32>
    %dot_general3A_235 = arith.constant dense<0.000000e+00> : vector<32x128xf32>
    %dot_general3A_236 = tpu.matmul %get3A_234, %max3A_231, %dot_general3A_235 {dimension_numbers = #tpu.dot_dimension_numbers<[1], [0], [0], [1], [0, 0, 1, 1], [], []>, precision = #tpu.contract_precision<fp32>, transpose_lhs_hint = false} : vector<32x64xf32>, vector<64x128xf32>, vector<32x128xf32> -> vector<32x128xf32>
    %slice3A_237 = vector.extract_strided_slice %get3A_10 {offsets = [7, 0], sizes = [1, 128], strides = [1, 1]} : vector<8x128xf32> to vector<1x128xf32>
    %mul3A_238 = vector.broadcast %slice3A_237 : vector<1x128xf32> to vector<32x128xf32>
    %mul3A_239 = arith.mulf %dot_general3A_236, %mul3A_238 : vector<32x128xf32>
    %transpose3A_240 = tpu.transpose %mul3A_239, [1, 0] : vector<32x128xf32> -> vector<128x32xf32>
    %swap3A_241 = arith.constant 896 : index
    %swap3A_242 = arith.constant 0 : index
    %swap3A_243 = vector.load %arg7[%swap3A_241, %swap3A_242] : memref<1024x32xf32, #tpu.memory_space<vmem>>, vector<128x32xf32>
    tpu.vector_store %arg7[%swap3A_241, %swap3A_242], %transpose3A_240 {strides = array<i32>} : memref<1024x32xf32, #tpu.memory_space<vmem>>, vector<128x32xf32>,
    return
  }
  func.func @transform_0(%arg0: i32) -> (i32, i32, i32, i32) {
    %c0_i32 = arith.constant 0 : i32
    %c0_i32_0 = arith.constant 0 : i32
    %c0_i32_1 = arith.constant 0 : i32
    %c0_i32_2 = arith.constant 0 : i32
    return %c0_i32, %c0_i32_0, %arg0, %c0_i32_1 : i32, i32, i32, i32
  }
  func.func @transform_1(%arg0: i32) -> (i32, i32, i32) {
    %c0_i32 = arith.constant 0 : i32
    %c0_i32_0 = arith.constant 0 : i32
    %c0_i32_1 = arith.constant 0 : i32
    return %c0_i32, %arg0, %c0_i32_0 : i32, i32, i32
  }
  func.func @transform_2(%arg0: i32) -> (i32, i32) {
    %c0_i32 = arith.constant 0 : i32
    %c0_i32_0 = arith.constant 0 : i32
    return %arg0, %c0_i32 : i32, i32
  }
  func.func @transform_3(%arg0: i32) -> (i32, i32) {
    %c0_i32 = arith.constant 0 : i32
    %c0_i32_0 = arith.constant 0 : i32
    %c0_i32_1 = arith.constant 0 : i32
    return %c0_i32, %c0_i32_0 : i32, i32
  }
  func.func @transform_4(%arg0: i32) -> (i32, i32) {
    %c0_i32 = arith.constant 0 : i32
    %c0_i32_0 = arith.constant 0 : i32
    %c0_i32_1 = arith.constant 0 : i32
    return %c0_i32, %c0_i32_0 : i32, i32
  }
  func.func @transform_5(%arg0: i32) -> (i32, i32) {
    %c0_i32 = arith.constant 0 : i32
    %c0_i32_0 = arith.constant 0 : i32
    %c0_i32_1 = arith.constant 0 : i32
    return %c0_i32, %c0_i32_0 : i32, i32
  }
  func.func @transform_6(%arg0: i32) -> (i32, i32) {
    %c0_i32 = arith.constant 0 : i32
    %c0_i32_0 = arith.constant 0 : i32
    return %arg0, %c0_i32 : i32, i32
  }
}

module attributes {stable_mosaic.version = 14 : i64} {
  func.func @_fc_body(%arg0: i32, %arg1: memref<1x1024x32xf32, #tpu.memory_space<vmem>>, %arg2: memref<32x32xf32, #tpu.memory_space<vmem>>, %arg3: memref<1x32xf32, #tpu.memory_space<vmem>>, %arg4: memref<32x28xf32, #tpu.memory_space<vmem>>, %arg5: memref<1x28xf32, #tpu.memory_space<vmem>>, %arg6: memref<1024x28xf32, #tpu.memory_space<vmem>>, %arg7: memref<1024x32xf32, #tpu.memory_space<vmem>>) attributes {dimension_semantics = [#tpu.dimension_semantics<arbitrary>], iteration_bounds = array<i64: 32>, scalar_prefetch = 0 : i64, scratch_operands = 1 : i64, tpu.core_type = #tpu.core_type<tc>, window_params = [{transform_indices = @transform_0, window_bounds = array<i64: 1, 1024, 32>}, {pipeline_mode = #tpu.pipeline_mode<synchronous>, transform_indices = @transform_1, window_bounds = array<i64: 32, 32>}, {pipeline_mode = #tpu.pipeline_mode<synchronous>, transform_indices = @transform_2, window_bounds = array<i64: 1, 32>}, {pipeline_mode = #tpu.pipeline_mode<synchronous>, transform_indices = @transform_3, window_bounds = array<i64: 32, 28>}, {pipeline_mode = #tpu.pipeline_mode<synchronous>, transform_indices = @transform_4, window_bounds = array<i64: 1, 28>}, {pipeline_mode = #tpu.pipeline_mode<synchronous>, transform_indices = @transform_5, window_bounds = array<i64: 1024, 28>}]} {
    %eq3A = arith.constant 0 : i32
    %eq3A_0 = arith.cmpi eq, %arg0, %eq3A : i32
    %convert_element_type3A = arith.extui %eq3A_0 : i1 to i32
    %cond3A = arith.constant 0 : i32
    %cond3A_1 = arith.cmpi ne, %convert_element_type3A, %cond3A : i32
    scf.if %cond3A_1 {
      %broadcast_in_dim3A = arith.constant 0xFF800000 : f32
      %broadcast_in_dim3A_15 = vector.broadcast %broadcast_in_dim3A : f32 to vector<1024x32xf32>
      %swap3A_16 = arith.constant 0 : index
      %swap3A_17 = arith.constant 0 : index
      %swap3A_18 = vector.load %arg7[%swap3A_16, %swap3A_17] : memref<1024x32xf32, #tpu.memory_space<vmem>>, vector<1024x32xf32>
      tpu.vector_store %arg7[%swap3A_16, %swap3A_17], %broadcast_in_dim3A_15 {strides = array<i32>} : memref<1024x32xf32, #tpu.memory_space<vmem>>, vector<1024x32xf32>,
    } else {
    }
    %get3A = arith.constant 0 : index
    %get3A_2 = arith.constant 0 : index
    %get3A_3 = vector.load %arg7[%get3A, %get3A_2] : memref<1024x32xf32, #tpu.memory_space<vmem>>, vector<1024x32xf32>
    %get3A_4 = arith.constant 0 : index
    %get3A_5 = arith.constant 0 : index
    %get3A_6 = arith.constant 0 : index
    %get3A_7 = vector.load %arg1[%get3A_4, %get3A_5, %get3A_6] : memref<1x1024x32xf32, #tpu.memory_space<vmem>>, vector<1x1024x32xf32>
    %squeeze3A = vector.shape_cast %get3A_7 : vector<1x1024x32xf32> to vector<1024x32xf32>
    %max3A = arith.maximumf %get3A_3, %squeeze3A : vector<1024x32xf32>
    %swap3A = arith.constant 0 : index
    %swap3A_8 = arith.constant 0 : index
    %swap3A_9 = vector.load %arg7[%swap3A, %swap3A_8] : memref<1024x32xf32, #tpu.memory_space<vmem>>, vector<1024x32xf32>
    tpu.vector_store %arg7[%swap3A, %swap3A_8], %max3A {strides = array<i32>} : memref<1024x32xf32, #tpu.memory_space<vmem>>, vector<1024x32xf32>,
    %eq3A_10 = arith.constant 31 : i32
    %eq3A_11 = arith.cmpi eq, %arg0, %eq3A_10 : i32
    %convert_element_type3A_12 = arith.extui %eq3A_11 : i1 to i32
    %cond3A_13 = arith.constant 0 : i32
    %cond3A_14 = arith.cmpi ne, %convert_element_type3A_12, %cond3A_13 : i32
    scf.if %cond3A_14 {
      %get3A_15 = arith.constant 0 : index
      %get3A_16 = arith.constant 0 : index
      %get3A_17 = vector.load %arg7[%get3A_15, %get3A_16] : memref<1024x32xf32, #tpu.memory_space<vmem>>, vector<1024x32xf32>
      %get3A_18 = arith.constant 0 : index
      %get3A_19 = arith.constant 0 : index
      %get3A_20 = vector.load %arg2[%get3A_18, %get3A_19] : memref<32x32xf32, #tpu.memory_space<vmem>>, vector<32x32xf32>
      %dot_general3A = arith.constant dense<0.000000e+00> : vector<1024x32xf32>
      %dot_general3A_21 = tpu.matmul %get3A_17, %get3A_20, %dot_general3A {dimension_numbers = #tpu.dot_dimension_numbers<[1], [0], [0], [1], [0, 0, 1, 1], [], []>, precision = #tpu.contract_precision<fp32>, transpose_lhs_hint = false} : vector<1024x32xf32>, vector<32x32xf32>, vector<1024x32xf32> -> vector<1024x32xf32>
      %get3A_22 = arith.constant 0 : index
      %get3A_23 = arith.constant 0 : index
      %get3A_24 = vector.load %arg3[%get3A_22, %get3A_23] : memref<1x32xf32, #tpu.memory_space<vmem>>, vector<1x32xf32>
      %add3A = vector.broadcast %get3A_24 : vector<1x32xf32> to vector<1024x32xf32>
      %add3A_25 = arith.addf %dot_general3A_21, %add3A : vector<1024x32xf32>
      %max3A_26 = arith.constant 0.000000e+00 : f32
      %max3A_27 = vector.broadcast %max3A_26 : f32 to vector<1024x32xf32>
      %max3A_28 = arith.maximumf %add3A_25, %max3A_27 : vector<1024x32xf32>
      %get3A_29 = arith.constant 0 : index
      %get3A_30 = arith.constant 0 : index
      %get3A_31 = vector.load %arg4[%get3A_29, %get3A_30] : memref<32x28xf32, #tpu.memory_space<vmem>>, vector<32x28xf32>
      %dot_general3A_32 = arith.constant dense<0.000000e+00> : vector<1024x28xf32>
      %dot_general3A_33 = tpu.matmul %max3A_28, %get3A_31, %dot_general3A_32 {dimension_numbers = #tpu.dot_dimension_numbers<[1], [0], [0], [1], [0, 0, 1, 1], [], []>, precision = #tpu.contract_precision<fp32>, transpose_lhs_hint = false} : vector<1024x32xf32>, vector<32x28xf32>, vector<1024x28xf32> -> vector<1024x28xf32>
      %get3A_34 = arith.constant 0 : index
      %get3A_35 = arith.constant 0 : index
      %get3A_36 = vector.load %arg5[%get3A_34, %get3A_35] : memref<1x28xf32, #tpu.memory_space<vmem>>, vector<1x28xf32>
      %add3A_37 = vector.broadcast %get3A_36 : vector<1x28xf32> to vector<1024x28xf32>
      %add3A_38 = arith.addf %dot_general3A_33, %add3A_37 : vector<1024x28xf32>
      %max3A_39 = arith.constant 0.000000e+00 : f32
      %max3A_40 = vector.broadcast %max3A_39 : f32 to vector<1024x28xf32>
      %max3A_41 = arith.maximumf %add3A_38, %max3A_40 : vector<1024x28xf32>
      %swap3A_42 = arith.constant 0 : index
      %swap3A_43 = arith.constant 0 : index
      %swap3A_44 = vector.load %arg6[%swap3A_42, %swap3A_43] : memref<1024x28xf32, #tpu.memory_space<vmem>>, vector<1024x28xf32>
      tpu.vector_store %arg6[%swap3A_42, %swap3A_43], %max3A_41 {strides = array<i32>} : memref<1024x28xf32, #tpu.memory_space<vmem>>, vector<1024x28xf32>,
    } else {
    }
    return
  }
  func.func @transform_0(%arg0: i32) -> (i32, i32, i32) {
    %c0_i32 = arith.constant 0 : i32
    %c0_i32_0 = arith.constant 0 : i32
    %c0_i32_1 = arith.constant 0 : i32
    return %arg0, %c0_i32, %c0_i32_0 : i32, i32, i32
  }
  func.func @transform_1(%arg0: i32) -> (i32, i32) {
    %c0_i32 = arith.constant 0 : i32
    %c0_i32_0 = arith.constant 0 : i32
    %c0_i32_1 = arith.constant 0 : i32
    return %c0_i32, %c0_i32_0 : i32, i32
  }
  func.func @transform_2(%arg0: i32) -> (i32, i32) {
    %c0_i32 = arith.constant 0 : i32
    %c0_i32_0 = arith.constant 0 : i32
    %c0_i32_1 = arith.constant 0 : i32
    return %c0_i32, %c0_i32_0 : i32, i32
  }
  func.func @transform_3(%arg0: i32) -> (i32, i32) {
    %c0_i32 = arith.constant 0 : i32
    %c0_i32_0 = arith.constant 0 : i32
    %c0_i32_1 = arith.constant 0 : i32
    return %c0_i32, %c0_i32_0 : i32, i32
  }
  func.func @transform_4(%arg0: i32) -> (i32, i32) {
    %c0_i32 = arith.constant 0 : i32
    %c0_i32_0 = arith.constant 0 : i32
    %c0_i32_1 = arith.constant 0 : i32
    return %c0_i32, %c0_i32_0 : i32, i32
  }
  func.func @transform_5(%arg0: i32) -> (i32, i32) {
    %c0_i32 = arith.constant 0 : i32
    %c0_i32_0 = arith.constant 0 : i32
    %c0_i32_1 = arith.constant 0 : i32
    return %c0_i32, %c0_i32_0 : i32, i32
  }
}

</mosaic_0001>

<sc_bundles>
// kernel: kernel.12.cloned.1.call-start
scs
__scs_entry_jumppad:
0x0: {  	(pc) =	sbr.rel $0x88, $3  }
0x1: {  	(tag) =	ssettag $0x0;
	lr =	simm.s32 $0x1  }
0x2: {  	[smem:$0x3F96] =	sst lr;
	_ =	strace $0xD0000000  }
0x3: {  	_ = 	snop  }
0x4: {  	_ = 	snop  }
0x5: {  	_ = 	snop  }
0x6: {  	_ = 	snop  }
0x7: {  	_ = 	snop  }
__scs_overlays_trampoline_lowered:
0x8: {  	[smem:$0x3FA5] =	sst s0  }
0x9: {  	[smem:$0x3FA6] =	sst s1  }
0xa: {  	[smem:$0x3FA7] =	sst s2  }
0xb: {  	[smem:$0x3FA8] =	sst s3  }
0xc: {  	[smem:$0x3FA9] =	sst s4  }
0xd: {  	[smem:$0x3FAA] =	sst s5  }
0xe: {  	[smem:$0x3FAB] =	sst s6  }
0xf: {  	[smem:$0x3FAC] =	sst s7  }
0x10: {  	[smem:$0x3FAD] =	sst s8  }
0x11: {  	[smem:$0x3FAE] =	sst s9;
	s0 =	simm.s32 @!p0 $0x0  }
0x12: {  	s1 =	sld [smem:$0x3F94];
	s0 =	simm.s32 @p0 $0x1  }
0x13: {  	[smem:$0x3FAF] =	sst s0;
	s0 =	simm.s32 @!p1 $0x0  }
0x14: {  	s2 =	sld [smem:$0x3F93];
	s0 =	simm.s32 @p1 $0x1  }
0x15: {  	[smem:$0x3FB0] =	sst s0;
	s0 =	simm.s32 @!p2 $0x0  }
0x16: {  	s3 =	sld [smem:$0x3FDB];
	s0 =	simm.s32 @p2 $0x1  }
0x17: {  	s4 =	simm.s32 $0x1BF5;
	[smem:$0x3FB2] =	sst s0  }
0x18: {  	s0 =	sld [smem:$0x3F95];
	_ =	swait.ge [sflag:s4], $0x0  }
0x19: {  	s7 =	sld [smem:$0x3F96]  }
0x1a: {  	s8 =	sadd.s32 $0xFFFFE003, lr  }
0x1b: {  	s9 =	sadd.s32 $0xFFFFFEF7, lr;
	s5 =	simm.s32 $0xFFFFFFFF;
	p2 =	slt.u32 s8, $0xFFFFF086  }
0x1c: {  	p1 =	slt.u32 s9, $0xF7A;
	s5 =	simm.s32 @!p2 $0x0  }
0x1d: {  	s5 =	simm.s32 @p1 $0x1;
	p0 =	seq.s32 s7, s2  }
0x1e: {  	s7 =	smul.u32 @!p0 $0xF7A, s2;
	p2 =	seq.s32 @!p0 s5, $0x0  }
0x1f: {  	s9 =	smul.u32 $0xF7A, s1;
	s8 =	simm.s32 @!p0 $0x1BF5;
	p2 =	por !p2, p0  }
0x20: {  	[sflag:s8] =	ssyncset.s32 @!p0 $0xFFFFF086;
	s6 =	sadd.s32 @!p0 s3, s7;
	s7 =	simm.s32 @!p0 $0x108  }
0x21: {  	s3 =	sadd.s32 s3, s9;
	s6 =	sadd.s32 @!p0 $0x88, s6;
	s7 =	simm.s32 @p2 $0x1082  }
0x22: {  	[simem:s7], [sflag:s8] =	dma.local @!p0 [hbm:s6], $0xF7A  }
0x23: {  	s9 =	sor.u32 $0xD0000000, s2;
	s6 =	simm.s32 $0x108;
	_ =	swait.ge @!p0 [sflag:s8], $0x0  }
0x24: {  	s3 =	sadd.s32 $0x88, s3;
	s6 =	simm.s32 @!p1 $0x1082;
	[sflag:s4] =	ssyncset.s32 $0xFFFFF086  }
0x25: {  	[simem:s6], [sflag:s4] =	dma.local [hbm:s3], $0xF7A  }
0x26: {  	[smem:$0x3F96] =	sst s1;
	(tag) =	ssettag s2;
	_ =	strace s9  }
0x27: {  	s1 =	sld [smem:$0x3FA6]  }
0x28: {  	s2 =	sld [smem:$0x3FA7]  }
0x29: {  	s4 =	sld [smem:$0x3FA9]  }
0x2a: {  	p0 =	seq.s32 s5, $0x0;
	s5 =	sld [smem:$0x3FAA]  }
0x2b: {  	s6 =	sld [smem:$0x3FAB]  }
0x2c: {  	s7 =	sld [smem:$0x3FAC]  }
0x2d: {  	s3 =	simm.s32 $0x108;
	s8 =	sld [smem:$0x3FAD]  }
0x2e: {  	s3 =	simm.s32 @!p0 $0x1082;
	s9 =	sld [smem:$0x3FAE]  }
0x2f: {  	lr =	sadd.s32 s0, s3;
	s0 =	sld [smem:$0x3FA5]  }
0x30: {  	s3 =	sld [smem:$0x3FA8]  }
0x31: {  	[smem:$0x3FB1] =	sst s10  }
0x32: {  	s10 =	sld [smem:$0x3FAF];
	_ =	sdelay $0x3  }
0x33: {  	p0 =	seq.s32 s10, $0x1;
	s10 =	sld [smem:$0x3FB1];
	_ =	sdelay $0x3  }
0x34: {  	[smem:$0x3FB1] =	sst s10  }
0x35: {  	s10 =	sld [smem:$0x3FB0];
	_ =	sdelay $0x3  }
0x36: {  	p1 =	seq.s32 s10, $0x1;
	s10 =	sld [smem:$0x3FB1];
	_ =	sdelay $0x3  }
0x37: {  	[smem:$0x3FB1] =	sst s10  }
0x38: {  	s10 =	sld [smem:$0x3FB2]  }
0x39: {  	_ = 	snop;
	(pc) =	sbr.ind lr, $3  }
0x3a: {  	_ = 	snop  }
0x3b: {  	_ = 	snop  }
0x3c: {  	p2 =	seq.s32 s10, $0x1;
	s10 =	sld [smem:$0x3FB1]  }
0x3d: {  	_ =	shalt  }
0x3e: {  	_ =	shalt  }
0x3f: {  	_ =	shalt  }
0x40: {  	_ =	shalt  }
0x41: {  	_ =	shalt  }
0x42: {  	_ =	shalt  }
0x43: {  	_ =	shalt  }
0x44: {  	_ =	shalt  }
0x45: {  	_ =	shalt  }
0x46: {  	_ =	shalt  }
0x47: {  	_ =	shalt  }
0x48: {  	_ =	shalt  }
0x49: {  	_ =	shalt  }
0x4a: {  	_ =	shalt  }
0x4b: {  	_ =	shalt  }
0x4c: {  	_ =	shalt  }
0x4d: {  	_ =	shalt  }
0x4e: {  	_ =	shalt  }
0x4f: {  	_ =	shalt  }
0x50: {  	_ =	shalt  }
0x51: {  	_ =	shalt  }
0x52: {  	_ =	shalt  }
0x53: {  	_ =	shalt  }
0x54: {  	_ =	shalt  }
0x55: {  	_ =	shalt  }
0x56: {  	_ =	shalt  }
0x57: {  	_ =	shalt  }
0x58: {  	_ =	shalt  }
0x59: {  	_ =	shalt  }
0x5a: {  	_ =	shalt  }
0x5b: {  	_ =	shalt  }
0x5c: {  	_ =	shalt  }
0x5d: {  	_ =	shalt  }
0x5e: {  	_ =	shalt  }
0x5f: {  	_ =	shalt  }
0x60: {  	_ =	shalt  }
0x61: {  	_ =	shalt  }
0x62: {  	_ =	shalt  }
0x63: {  	_ =	shalt  }
0x64: {  	_ =	shalt  }
0x65: {  	_ =	shalt  }
0x66: {  	_ =	shalt  }
0x67: {  	_ =	shalt  }
0x68: {  	_ =	shalt  }
0x69: {  	_ =	shalt  }
0x6a: {  	_ =	shalt  }
0x6b: {  	_ =	shalt  }
0x6c: {  	_ =	shalt  }
0x6d: {  	_ =	shalt  }
0x6e: {  	_ =	shalt  }
0x6f: {  	_ =	shalt  }
0x70: {  	_ =	shalt  }
0x71: {  	_ =	shalt  }
0x72: {  	_ =	shalt  }
0x73: {  	_ =	shalt  }
0x74: {  	_ =	shalt  }
0x75: {  	_ =	shalt  }
0x76: {  	_ =	shalt  }
0x77: {  	_ =	shalt  }
0x78: {  	_ =	shalt  }
0x79: {  	_ =	shalt  }
0x7a: {  	_ =	shalt  }
0x7b: {  	_ =	shalt  }
0x7c: {  	_ =	shalt  }
0x7d: {  	_ =	shalt  }
0x7e: {  	_ =	shalt  }
0x7f: {  	_ =	shalt  }
0x80: {  	_ =	shalt  }
0x81: {  	_ =	shalt  }
0x82: {  	_ =	shalt  }
0x83: {  	_ =	shalt  }
0x84: {  	_ =	shalt  }
0x85: {  	_ =	shalt  }
0x86: {  	_ =	shalt  }
0x87: {  	_ =	shalt  }
.Lfunc_end0:
.L_simem_size_0:
called_computation.1_lowered:
.L_overlay_start_0:
0x88: {  	s2 =	sld [smem:$0x3FD9]  }
0x89: {  	s3 =	sld [smem:$0x3FFE];
	_ =	sdelay $0x1  }
0x8a: {  	s1 =	srdreg.scid  }
0x8b: {  	s0 =	sand.u32 $0x1, s1  }
0x8c: {  	s16 =	sshll.u32 s0, $0xA;
	s2 =	sadd.s32 s3, s2  }
0x8d: {  	s2 =	sadd.s32 s2, s16  }
0x8e: {  	[smem:$0x3FBD] =	sst s2  }
0x8f: {  	_ = 	snop  }
0x90: {  	(tm) =	ssettm $0x1  }
0x91: {  	s17 =	sld [smem:$0x3FFB];
	_ =	sdelay $0x3  }
0x92: {  	_ =	strace s17  }
0x93: {  	s2 =	sld [smem:$0x3FFC];
	_ =	sdelay $0x3  }
0x94: {  	_ =	strace s2  }
0x95: {  	s2 =	sld [smem:$0x3FFD];
	_ =	sdelay $0x3  }
0x96: {  	_ =	strace s2  }
0x97: {  	_ =	strace $0x8FFFFFFF  }
0x98: {  	s18 =	sld [smem:$0x3FDB];
	_ =	sdelay $0x1  }
0x99: {  	s19 =	simm.s32 $_scs_section_size  }
0x9a: {  	s4 =	simm.s32 $_size__tile_overlayer_lowered;
	s5 =	simm.s32 $_tile_overlayer_lowered  }
0x9b: {  	s22 =	simm.s32 $0x1BFF;
	s21 =	sshll.u32 s5, $0x1;
	s2 =	sadd.s32 s19, s18  }
0x9c: {  	s6 =	simm.s32 $0x0;
	s20 =	sshll.u32 s4, $0x1;
	s4 =	sadd.s32 s21, s2  }
0x9d: {  	[timem:s6], [sflag:s22] =	dma.local [hbm:s4], s20  }
0x9e: {  	_ =	swait.ge [sflag:s22], s20  }
0x9f: {  	s3 =	ssub.s32 $0x0, s20;
	[sflag:s22] =	ssyncset.done $0x0  }
0xa0: {  	[sflag:s22] =	ssyncadd.s32 s3;
	_ =	sdelay $0x1  }
0xa1: {  	s23 =	simm.s32 $0x1B8B  }
0xa2: {  	_ =	swait.ge [sflag:s23], $0x1  }
0xa3: {  	[sflag:s23] =	ssyncset.done $0x0  }
0xa4: {  	s25 =	simm.s32 $0x1B8E;
	s24 =	sld [smem:$0x3FFE];
	[sflag:s23] =	ssyncadd.s32 $0xFFFFFFFF  }
0xa5: {  	s26 =	simm.s32 $execute0_lowered;
	[smem:$0x3FD2] =	sst s25  }
0xa6: {  	s4 =	sshll.u32 s26, $0x1;
	_ =	strace $0x80000049;
	[dreg:$0x1] =	wrdreg $0xFFFFFFFF  }
0xa7: {  	s28 =	simm.s32 $_size_execute0_lowered;
	s2 =	sadd.s32 s2, s4;
	[dreg:$0x0] =	wrdreg $0x0  }
0xa8: {  	s4 =	sshll.u32 s28, $0x1;
	[dreg:$0x2] =	wrdreg s2  }
0xa9: {  	[dreg:$0x3] =	wrdreg s4  }
0xaa: {  	[dreg:$0x4] =	wrdreg $0xC0  }
0xab: {  	_ =	task [dreg:s6], $0x5FFFF  }
0xac: {  	[dreg:$0x1] =	wrdreg $0xFFFFFFFF  }
0xad: {  	[dreg:$0x0] =	wrdreg $0x60  }
0xae: {  	[dreg:$0x2] =	wrdreg s24  }
0xaf: {  	[dreg:$0x3] =	wrdreg $0x50400  }
0xb0: {  	[dreg:$0x4] =	wrdreg $0x9  }
0xb1: {  	_ =	task.clear_ibuf [dreg:s6], $0x5FFFF;
	_ =	strace $0x90000049  }
0xb2: {  	s29 =	simm.s32 $0x9;
	_ =	strace $0x8000004B  }
0xb3: {  	_ =	swait.ge [sflag:s29], $0x1  }
0xb4: {  	[sflag:s29] =	ssyncadd.s32 $0xFFFFFFFF  }
0xb5: {  	_ =	strace $0x9000004B  }
0xb6: {  	_ =	sfence  }
0xb7: {  	s30 =	sld [smem:$0x0];
	_ =	sdelay $0x2  }
0xb8: {  	s31 =	sshll.u32 s1, $0xD;
	s1 =	sshrl.u32 s1, $0x2  }
0xb9: {  	s3 =	sand.u32 $0x4000, s31;
	s1 =	sadd.s32 s1, s30  }
0xba: {  	s0 =	sor.u32 s3, s0;
	s1 =	sshll.u32 s1, $0x11  }
0xbb: {  	s0 =	sor.u32 s1, s0  }
0xbc: {  	s0 =	sadd.s32 $0x8F2B, s0  }
0xbd: {  	[sflag:s0] =	ssyncadd.remote.s32 $0x1  }
0xbe: {  	_ =	sfence.sel $0xFFFF  }
0xbf: {  	[dreg:$0x0] =	wrdreg $0xFFFFFFFF;
	(pc) =	sbr.abs _section_cstart, $3  }
0xc0: {  	[dreg:$0x1] =	wrdreg $0xFFFFFFFF  }
0xc1: {  	_ =	task.clear_ibuf [dreg:s6], $0x2FFFF;
	_ =	strace $0x9FFFFFFF  }
0xc2: {  	(tm) =	ssettm $0x7FFFFFFF  }
0xc3: {  	_ =	shalt  }
tec
execute0_lowered:
.L_overlay_start_1:
0x0: {  	(tag) =	ssettag $0x1  }
0x1: {  	s6 =	rddreg [dreg:$0x0]  }
0x2: {  	s2 =	rddreg [dreg:$0x1]  }
0x3: {  	s0 =	rddreg [dreg:$0x2]  }
0x4: {  	s4 =	srdreg.scid;
	s1 =	stileid.u32;
	s3 =	simm.s32 $0x0  }
0x5: {  	s12 =	simm.s32 $0x7D0;
	s13 =	simm.s32 $0xFA0;
	s14 =	simm.s32 $0x1770  }
0x6: {  	s7 =	sand.u32 $0x1, s4;
	s8 =	smul.u32 $0x3100, s1;
	[smem:$0x7FF] =	sst s3  }
0x7: {  	s4 =	sadd.s32 $0x2E00, s6;
	s5 =	sadd.s32 $0x64A00, s6;
	s9 =	smul.u32 $0x31000, s7  }
0x8: {  	_ =	strace $0x8000004A;
	s10 =	ssub.s32 $0x2, s7;
	s7 =	sshll.u32 s7, $0x4  }
0x9: {  	s11 =	sshrl.u32 s10, $0x1;
	s7 =	sor.u32 s1, s7;
	s9 =	sadd.s32 s8, s9  }
0xa: {  	s10 =	ssub.s32 s10, s11;
	s7 =	smul.u32 $0xC350, s7;
	s9 =	sshrl.u32 s9, $0x3  }
0xb: {  	s11 =	simm.s32 $0x1;
	s9 =	sadd.s32 s9, s6;
	s6 =	sadd.s32 s8, s2  }
0xc: {  	v0 =	vimm.f32 $0.0e+00;
	s8 =	sadd.s32 $0x6DE00, s9;
	s9 =	smax.u32 s10, $0x1;
	s10 =	simm.s32 $0x1F40  }
.LBB2_1:
0xd: {  	s15 =	simm.s32 $0x40;
	s16 =	simm.s32 $0x0  }
.LBB2_2:
0xe: {  	p0 =	sne.s32 s15, $0xC3C0;
	[tilespmem:s16+$0x1F40] =	vst v0;
	s16 =	smov.u32 s15;
	s15 =	sadd.s32 $0x40, s15  }
.Ltmp0:
0xf: {  	(pc) =	sbr.rel @p0 .LBB2_2-.Ltmp0, $2  }
0x10: {  	_ =	sdelay $0x2  }
0x11: {  	s16 =	sshra.s32 s16, $0x2  }
0x12: {  	[tilespmem:s16+$0x1F40] =	vst v0  }
0x13: {  	[spmem:s6] =	stream.linear.scatter [tilespmem:s10], [sflag:$0x1], $0x3100, $0x38;
	[tilespmem:$0x8140] =	vst v63  }
0x14: {  	_ =	swait.ge [sflag:s11], $0x3100  }
0x15: {  	[sflag:s11] =	ssyncset.done $0x0  }
0x16: {  	[sflag:s11] =	ssyncadd.s32 $0xFFFFCF00  }
0x17: {  	s15 =	simm.s32 $0x0;
	s16 =	simm.s32 $0x0;
	[bflag:$0x0] =	sbarrier.arrive $0xFFFF  }
.LBB2_4:
0x18: {  	s17 =	smul.u32 $0x7D0, s16;
	_ =	sdelay $0x1  }
0x19: {  	s17 =	sadd.s32 s7, s17  }
0x1a: {  	s17 =	sshrl.u32 s17, $0x3  }
0x1b: {  	s17 =	sadd.s32 s4, s17  }
0x1c: {  	[tilespmem:s15], [sflag:$0x1] =	stream.linear.gather [hbm4b:s17+s15], $0x7D0, $0x38;
	[tilespmem:$0x8140] =	vst v63  }
0x1d: {  	_ =	swait.ge [sflag:s11], $0x7D0  }
0x1e: {  	[sflag:s11] =	ssyncset.done $0x0  }
0x1f: {  	s17 =	sadd.s32 $0x30D40, s17;
	[sflag:s11] =	ssyncadd.s32 $0xFFFFF830  }
0x20: {  	[tilespmem:s12], [sflag:$0x1] =	stream.linear.gather [hbm4b:s17+s15], $0x7D0, $0x38;
	[tilespmem:$0x8140] =	vst v63  }
0x21: {  	_ =	swait.ge [sflag:s11], $0x7D0  }
0x22: {  	[sflag:s11] =	ssyncset.done $0x0  }
0x23: {  	s17 =	simm.s32 $0x0;
	[sflag:s11] =	ssyncadd.s32 $0xFFFFF830  }
0x24: {  	s18 =	simm.s32 $0x40;
	v1 =	vld [tilespmem:s17+$0x0]  }
.LBB2_5:
0x25: {  	p0 =	sne.s32 s18, $0x1F00  }
.Ltmp1:
0x26: {  	_ = 	snop;
	(pc) =	sbr.rel @p0 .LBB2_5-.Ltmp1, $3  }
0x27: {  	_ =	sdelay $0x1  }
0x28: {  	[tilespmem:s17+$0xFA0] =	vst v1;
	s17 =	sshra.s32 s18, $0x2;
	s18 =	sadd.s32 $0x40, s18  }
0x29: {  	v1 =	vld [tilespmem:s17+$0x0]  }
0x2a: {  	_ =	sdelay $0x3  }
0x2b: {  	[tilespmem:s17+$0xFA0] =	vst v1  }
0x2c: {  	[tilespmem:s14], [sflag:$0x1] =	stream.indirect.gather [hbm4b:s5+s12], $0x1, s13, s12, $0xb8;
	[tilespmem:$0x8140] =	vst v63  }
0x2d: {  	_ =	swait.ge [sflag:s11], $0x7D0  }
0x2e: {  	[sflag:s11] =	ssyncset.done $0x0  }
0x2f: {  	s17 =	simm.s32 $0x0;
	[sflag:s11] =	ssyncadd.s32 $0xFFFFF830  }
0x30: {  	s18 =	simm.s32 $0x40;
	v1 =	vld [tilespmem:s17+$0x7D0]  }
.LBB2_7:
0x31: {  	p0 =	sne.s32 s18, $0x1F00  }
.Ltmp2:
0x32: {  	_ = 	snop;
	(pc) =	sbr.rel @p0 .LBB2_7-.Ltmp2, $3  }
0x33: {  	_ =	sdelay $0x1  }
0x34: {  	[tilespmem:s17+$0xFA0] =	vst v1;
	s17 =	sshra.s32 s18, $0x2;
	s18 =	sadd.s32 $0x40, s18  }
0x35: {  	v1 =	vld [tilespmem:s17+$0x7D0]  }
0x36: {  	_ =	sdelay $0x3  }
0x37: {  	[tilespmem:s17+$0xFA0] =	vst v1  }
0x38: {  	[spmem:s2] =	stream.indirect.scatter.add.f32 [tilespmem:s14], [sflag:$0x1], $0x1, s13, s12, $0xb8;
	[tilespmem:$0x8140] =	vst v63  }
0x39: {  	_ =	swait.ge [sflag:s11], $0x7D0  }
0x3a: {  	[sflag:s11] =	ssyncset.done $0x0  }
0x3b: {  	s17 =	simm.s32 $0x0;
	[sflag:s11] =	ssyncadd.s32 $0xFFFFF830  }
0x3c: {  	s18 =	simm.s32 $0x40;
	v1 =	vld [tilespmem:s17+$0x0]  }
.LBB2_9:
0x3d: {  	p0 =	sne.s32 s18, $0x1F00  }
.Ltmp3:
0x3e: {  	_ = 	snop;
	(pc) =	sbr.rel @p0 .LBB2_9-.Ltmp3, $3  }
0x3f: {  	_ =	sdelay $0x1  }
0x40: {  	s19 =	sshra.s32 s18, $0x2;
	s18 =	sadd.s32 $0x40, s18;
	v2 =	vadd.s32 $0x18800, v1  }
0x41: {  	v1 =	vld [tilespmem:s19+$0x0];
	[tilespmem:s17+$0xFA0] =	vst v2;
	s17 =	smov.u32 s19  }
0x42: {  	_ =	sdelay $0x3  }
0x43: {  	v1 =	vadd.s32 $0x18800, v1  }
0x44: {  	[tilespmem:s17+$0xFA0] =	vst v1  }
0x45: {  	[tilespmem:s14], [sflag:$0x1] =	stream.indirect.gather [hbm4b:s5+s12], $0x1, s13, s12, $0xb8;
	[tilespmem:$0x8140] =	vst v63  }
0x46: {  	_ =	swait.ge [sflag:s11], $0x7D0  }
0x47: {  	[sflag:s11] =	ssyncset.done $0x0  }
0x48: {  	s17 =	simm.s32 $0x0;
	[sflag:s11] =	ssyncadd.s32 $0xFFFFF830  }
0x49: {  	s18 =	simm.s32 $0x40;
	v1 =	vld [tilespmem:s17+$0x7D0]  }
.LBB2_11:
0x4a: {  	p0 =	sne.s32 s18, $0x1F00  }
.Ltmp4:
0x4b: {  	_ = 	snop;
	(pc) =	sbr.rel @p0 .LBB2_11-.Ltmp4, $3  }
0x4c: {  	_ =	sdelay $0x1  }
0x4d: {  	s19 =	sshra.s32 s18, $0x2;
	s18 =	sadd.s32 $0x40, s18;
	v2 =	vadd.s32 $0x18800, v1  }
0x4e: {  	v1 =	vld [tilespmem:s19+$0x7D0];
	[tilespmem:s17+$0xFA0] =	vst v2;
	s17 =	smov.u32 s19  }
0x4f: {  	_ =	sdelay $0x2  }
0x50: {  	s16 =	sadd.s32 $0x1, s16  }
0x51: {  	p0 =	sne.s32 s16, $0x19;
	v1 =	vadd.s32 $0x18800, v1  }
.Ltmp5:
0x52: {  	[tilespmem:s17+$0xFA0] =	vst v1;
	(pc) =	sbr.rel @p0 .LBB2_4-.Ltmp5, $4  }
0x53: {  	[spmem:s2] =	stream.indirect.scatter.add.f32 [tilespmem:s14], [sflag:$0x1], $0x1, s13, s12, $0xb8;
	[tilespmem:$0x8140] =	vst v63  }
0x54: {  	_ =	swait.ge [sflag:s11], $0x7D0  }
0x55: {  	[sflag:s11] =	ssyncset.done $0x0  }
0x56: {  	[sflag:s11] =	ssyncadd.s32 $0xFFFFF830  }
0x57: {  	s3 =	sadd.s32 $0x1, s3  }
0x58: {  	s15 =	sshll.u32 s1, $0x6;
	[bflag:$0x0] =	sbarrier.arrive $0xFFFF;
	p0 =	sne.s32 s3, s9  }
.Ltmp6:
0x59: {  	s16 =	sshrl.u32 s6, $0x3;
	s15 =	sor.u32 $0x1C01, s15;
	(pc) =	sbr.rel @p0 .LBB2_1-.Ltmp6, $4  }
0x5a: {  	[hbm:s8], [sflag:s15] =	dma.local [spmem:s16], $0x620  }
0x5b: {  	_ =	swait.ge [sflag:s11], $0x620  }
0x5c: {  	[sflag:s11] =	ssyncset.done $0x0  }
0x5d: {  	[sflag:s11] =	ssyncadd.s32 $0xFFFFF9E0  }
0x5e: {  	_ =	sfence.sel $0x180000  }
0x5f: {  	[bflag:$0x0] =	sbarrier.arrive $0xFFFF  }
0x60: {  	p0 =	sne.s32 s1, $0x0;
	_ =	strace $0x9000004A  }
0x61: {  	s0 =	sadd.s32 @!p0 $0x100000, s0;
	[bflag:$0x2] =	sbarrier.arrive $0xFFFF  }
0x62: {  	[sflag:s0] =	ssyncadd.tile.s32 @!p0 $0x1;
	_ =	shalt  }
.Lfunc_end2:
_tile_overlayer_lowered:
.L_overlay_start_2:
0x63: {  	(tag) =	ssettag $0x2  }
0x64: {  	s0 =	rddreg [dreg:$0x0];
	s2 =	stileid.u32  }
0x65: {  	s1 =	rddreg [dreg:$0x1];
	p0 =	sne.s32 s2, $0x0  }
0x66: {  	s3 =	rddreg [dreg:$0x2];
	[bflag:$0x3] =	sbarrier.arrive $0xFFFF;
	s2 =	simm.s32 @!p0 $0x1C01  }
0x67: {  	[timem:s3], [sflag:s2] =	dma.local @!p0 [hbm:s0], s1  }
0x68: {  	s0 =	simm.s32 @!p0 $0x1  }
0x69: {  	_ =	swait.ge @!p0 [sflag:s0], s1  }
0x6a: {  	s1 =	ssub.s32 @!p0 $0x0, s1;
	[sflag:s0] =	ssyncset.done @!p0 $0x0  }
0x6b: {  	[sflag:s0] =	ssyncadd.s32 @!p0 s1  }
0x6c: {  	[bflag:$0x3] =	sbarrier.arrive $0xFFFF  }
0x6d: {  	_ =	shalt  }

// kernel: kernel.15.cloned.1.call-start
scs
__scs_entry_jumppad:
0x0: {  	(pc) =	sbr.rel $0x88, $3  }
0x1: {  	(tag) =	ssettag $0x0;
	lr =	simm.s32 $0x1  }
0x2: {  	[smem:$0x3F96] =	sst lr;
	_ =	strace $0xD0000000  }
0x3: {  	_ = 	snop  }
0x4: {  	_ = 	snop  }
0x5: {  	_ = 	snop  }
0x6: {  	_ = 	snop  }
0x7: {  	_ = 	snop  }
__scs_overlays_trampoline_lowered:
0x8: {  	[smem:$0x3FA5] =	sst s0  }
0x9: {  	[smem:$0x3FA6] =	sst s1  }
0xa: {  	[smem:$0x3FA7] =	sst s2  }
0xb: {  	[smem:$0x3FA8] =	sst s3  }
0xc: {  	[smem:$0x3FA9] =	sst s4  }
0xd: {  	[smem:$0x3FAA] =	sst s5  }
0xe: {  	[smem:$0x3FAB] =	sst s6  }
0xf: {  	[smem:$0x3FAC] =	sst s7  }
0x10: {  	[smem:$0x3FAD] =	sst s8  }
0x11: {  	[smem:$0x3FAE] =	sst s9;
	s0 =	simm.s32 @!p0 $0x0  }
0x12: {  	s1 =	sld [smem:$0x3F94];
	s0 =	simm.s32 @p0 $0x1  }
0x13: {  	[smem:$0x3FAF] =	sst s0;
	s0 =	simm.s32 @!p1 $0x0  }
0x14: {  	s2 =	sld [smem:$0x3F93];
	s0 =	simm.s32 @p1 $0x1  }
0x15: {  	[smem:$0x3FB0] =	sst s0;
	s0 =	simm.s32 @!p2 $0x0  }
0x16: {  	s3 =	sld [smem:$0x3FDB];
	s0 =	simm.s32 @p2 $0x1  }
0x17: {  	s4 =	simm.s32 $0x1BF5;
	[smem:$0x3FB2] =	sst s0  }
0x18: {  	s0 =	sld [smem:$0x3F95];
	_ =	swait.ge [sflag:s4], $0x0  }
0x19: {  	s7 =	sld [smem:$0x3F96]  }
0x1a: {  	s8 =	sadd.s32 $0xFFFFE003, lr  }
0x1b: {  	s9 =	sadd.s32 $0xFFFFFEF7, lr;
	s5 =	simm.s32 $0xFFFFFFFF;
	p2 =	slt.u32 s8, $0xFFFFF086  }
0x1c: {  	p1 =	slt.u32 s9, $0xF7A;
	s5 =	simm.s32 @!p2 $0x0  }
0x1d: {  	s5 =	simm.s32 @p1 $0x1;
	p0 =	seq.s32 s7, s2  }
0x1e: {  	s7 =	smul.u32 @!p0 $0xF7A, s2;
	p2 =	seq.s32 @!p0 s5, $0x0  }
0x1f: {  	s9 =	smul.u32 $0xF7A, s1;
	s8 =	simm.s32 @!p0 $0x1BF5;
	p2 =	por !p2, p0  }
0x20: {  	[sflag:s8] =	ssyncset.s32 @!p0 $0xFFFFF086;
	s6 =	sadd.s32 @!p0 s3, s7;
	s7 =	simm.s32 @!p0 $0x108  }
0x21: {  	s3 =	sadd.s32 s3, s9;
	s6 =	sadd.s32 @!p0 $0x88, s6;
	s7 =	simm.s32 @p2 $0x1082  }
0x22: {  	[simem:s7], [sflag:s8] =	dma.local @!p0 [hbm:s6], $0xF7A  }
0x23: {  	s9 =	sor.u32 $0xD0000000, s2;
	s6 =	simm.s32 $0x108;
	_ =	swait.ge @!p0 [sflag:s8], $0x0  }
0x24: {  	s3 =	sadd.s32 $0x88, s3;
	s6 =	simm.s32 @!p1 $0x1082;
	[sflag:s4] =	ssyncset.s32 $0xFFFFF086  }
0x25: {  	[simem:s6], [sflag:s4] =	dma.local [hbm:s3], $0xF7A  }
0x26: {  	[smem:$0x3F96] =	sst s1;
	(tag) =	ssettag s2;
	_ =	strace s9  }
0x27: {  	s1 =	sld [smem:$0x3FA6]  }
0x28: {  	s2 =	sld [smem:$0x3FA7]  }
0x29: {  	s4 =	sld [smem:$0x3FA9]  }
0x2a: {  	p0 =	seq.s32 s5, $0x0;
	s5 =	sld [smem:$0x3FAA]  }
0x2b: {  	s6 =	sld [smem:$0x3FAB]  }
0x2c: {  	s7 =	sld [smem:$0x3FAC]  }
0x2d: {  	s3 =	simm.s32 $0x108;
	s8 =	sld [smem:$0x3FAD]  }
0x2e: {  	s3 =	simm.s32 @!p0 $0x1082;
	s9 =	sld [smem:$0x3FAE]  }
0x2f: {  	lr =	sadd.s32 s0, s3;
	s0 =	sld [smem:$0x3FA5]  }
0x30: {  	s3 =	sld [smem:$0x3FA8]  }
0x31: {  	[smem:$0x3FB1] =	sst s10  }
0x32: {  	s10 =	sld [smem:$0x3FAF];
	_ =	sdelay $0x3  }
0x33: {  	p0 =	seq.s32 s10, $0x1;
	s10 =	sld [smem:$0x3FB1];
	_ =	sdelay $0x3  }
0x34: {  	[smem:$0x3FB1] =	sst s10  }
0x35: {  	s10 =	sld [smem:$0x3FB0];
	_ =	sdelay $0x3  }
0x36: {  	p1 =	seq.s32 s10, $0x1;
	s10 =	sld [smem:$0x3FB1];
	_ =	sdelay $0x3  }
0x37: {  	[smem:$0x3FB1] =	sst s10  }
0x38: {  	s10 =	sld [smem:$0x3FB2]  }
0x39: {  	_ = 	snop;
	(pc) =	sbr.ind lr, $3  }
0x3a: {  	_ = 	snop  }
0x3b: {  	_ = 	snop  }
0x3c: {  	p2 =	seq.s32 s10, $0x1;
	s10 =	sld [smem:$0x3FB1]  }
0x3d: {  	_ =	shalt  }
0x3e: {  	_ =	shalt  }
0x3f: {  	_ =	shalt  }
0x40: {  	_ =	shalt  }
0x41: {  	_ =	shalt  }
0x42: {  	_ =	shalt  }
0x43: {  	_ =	shalt  }
0x44: {  	_ =	shalt  }
0x45: {  	_ =	shalt  }
0x46: {  	_ =	shalt  }
0x47: {  	_ =	shalt  }
0x48: {  	_ =	shalt  }
0x49: {  	_ =	shalt  }
0x4a: {  	_ =	shalt  }
0x4b: {  	_ =	shalt  }
0x4c: {  	_ =	shalt  }
0x4d: {  	_ =	shalt  }
0x4e: {  	_ =	shalt  }
0x4f: {  	_ =	shalt  }
0x50: {  	_ =	shalt  }
0x51: {  	_ =	shalt  }
0x52: {  	_ =	shalt  }
0x53: {  	_ =	shalt  }
0x54: {  	_ =	shalt  }
0x55: {  	_ =	shalt  }
0x56: {  	_ =	shalt  }
0x57: {  	_ =	shalt  }
0x58: {  	_ =	shalt  }
0x59: {  	_ =	shalt  }
0x5a: {  	_ =	shalt  }
0x5b: {  	_ =	shalt  }
0x5c: {  	_ =	shalt  }
0x5d: {  	_ =	shalt  }
0x5e: {  	_ =	shalt  }
0x5f: {  	_ =	shalt  }
0x60: {  	_ =	shalt  }
0x61: {  	_ =	shalt  }
0x62: {  	_ =	shalt  }
0x63: {  	_ =	shalt  }
0x64: {  	_ =	shalt  }
0x65: {  	_ =	shalt  }
0x66: {  	_ =	shalt  }
0x67: {  	_ =	shalt  }
0x68: {  	_ =	shalt  }
0x69: {  	_ =	shalt  }
0x6a: {  	_ =	shalt  }
0x6b: {  	_ =	shalt  }
0x6c: {  	_ =	shalt  }
0x6d: {  	_ =	shalt  }
0x6e: {  	_ =	shalt  }
0x6f: {  	_ =	shalt  }
0x70: {  	_ =	shalt  }
0x71: {  	_ =	shalt  }
0x72: {  	_ =	shalt  }
0x73: {  	_ =	shalt  }
0x74: {  	_ =	shalt  }
0x75: {  	_ =	shalt  }
0x76: {  	_ =	shalt  }
0x77: {  	_ =	shalt  }
0x78: {  	_ =	shalt  }
0x79: {  	_ =	shalt  }
0x7a: {  	_ =	shalt  }
0x7b: {  	_ =	shalt  }
0x7c: {  	_ =	shalt  }
0x7d: {  	_ =	shalt  }
0x7e: {  	_ =	shalt  }
0x7f: {  	_ =	shalt  }
0x80: {  	_ =	shalt  }
0x81: {  	_ =	shalt  }
0x82: {  	_ =	shalt  }
0x83: {  	_ =	shalt  }
0x84: {  	_ =	shalt  }
0x85: {  	_ =	shalt  }
0x86: {  	_ =	shalt  }
0x87: {  	_ =	shalt  }
.Lfunc_end0:
.L_simem_size_0:
called_computation.2_lowered:
.L_overlay_start_0:
0x88: {  	s2 =	sld [smem:$0x3FD9]  }
0x89: {  	s3 =	sld [smem:$0x3FFE];
	_ =	sdelay $0x1  }
0x8a: {  	s1 =	srdreg.scid  }
0x8b: {  	s0 =	sand.u32 $0x1, s1  }
0x8c: {  	s16 =	sshll.u32 s0, $0xA;
	s2 =	sadd.s32 s3, s2  }
0x8d: {  	s2 =	sadd.s32 s2, s16  }
0x8e: {  	[smem:$0x3FBD] =	sst s2  }
0x8f: {  	_ = 	snop  }
0x90: {  	(tm) =	ssettm $0x1  }
0x91: {  	s17 =	sld [smem:$0x3FFB];
	_ =	sdelay $0x3  }
0x92: {  	_ =	strace s17  }
0x93: {  	s2 =	sld [smem:$0x3FFC];
	_ =	sdelay $0x3  }
0x94: {  	_ =	strace s2  }
0x95: {  	s2 =	sld [smem:$0x3FFD];
	_ =	sdelay $0x3  }
0x96: {  	_ =	strace s2  }
0x97: {  	_ =	strace $0x8FFFFFFF  }
0x98: {  	s18 =	sld [smem:$0x3FDB];
	_ =	sdelay $0x1  }
0x99: {  	s19 =	simm.s32 $_scs_section_size  }
0x9a: {  	s4 =	simm.s32 $_size__tile_overlayer_lowered;
	s5 =	simm.s32 $_tile_overlayer_lowered  }
0x9b: {  	s22 =	simm.s32 $0x1BFF;
	s21 =	sshll.u32 s5, $0x1;
	s2 =	sadd.s32 s19, s18  }
0x9c: {  	s6 =	simm.s32 $0x0;
	s20 =	sshll.u32 s4, $0x1;
	s4 =	sadd.s32 s21, s2  }
0x9d: {  	[timem:s6], [sflag:s22] =	dma.local [hbm:s4], s20  }
0x9e: {  	_ =	swait.ge [sflag:s22], s20  }
0x9f: {  	s3 =	ssub.s32 $0x0, s20;
	[sflag:s22] =	ssyncset.done $0x0  }
0xa0: {  	[sflag:s22] =	ssyncadd.s32 s3;
	_ =	sdelay $0x1  }
0xa1: {  	s23 =	simm.s32 $0x1B8B  }
0xa2: {  	_ =	swait.ge [sflag:s23], $0x1  }
0xa3: {  	[sflag:s23] =	ssyncset.done $0x0  }
0xa4: {  	s25 =	simm.s32 $0x1B8E;
	s24 =	sld [smem:$0x3FFE];
	[sflag:s23] =	ssyncadd.s32 $0xFFFFFFFF  }
0xa5: {  	s26 =	simm.s32 $execute0_lowered;
	[smem:$0x3FD2] =	sst s25  }
0xa6: {  	s4 =	sshll.u32 s26, $0x1;
	_ =	strace $0x8000004C;
	[dreg:$0x1] =	wrdreg $0xFFFFFFFF  }
0xa7: {  	s28 =	simm.s32 $_size_execute0_lowered;
	s2 =	sadd.s32 s2, s4;
	[dreg:$0x0] =	wrdreg $0x0  }
0xa8: {  	s4 =	sshll.u32 s28, $0x1;
	[dreg:$0x2] =	wrdreg s2  }
0xa9: {  	[dreg:$0x3] =	wrdreg s4  }
0xaa: {  	[dreg:$0x4] =	wrdreg $0xC0  }
0xab: {  	_ =	task [dreg:s6], $0x5FFFF  }
0xac: {  	[dreg:$0x1] =	wrdreg $0xFFFFFFFF  }
0xad: {  	[dreg:$0x0] =	wrdreg $0x60  }
0xae: {  	[dreg:$0x2] =	wrdreg s24  }
0xaf: {  	[dreg:$0x3] =	wrdreg $0x76C00  }
0xb0: {  	[dreg:$0x4] =	wrdreg $0x9  }
0xb1: {  	_ =	task.clear_ibuf [dreg:s6], $0x5FFFF;
	_ =	strace $0x9000004C  }
0xb2: {  	s29 =	simm.s32 $0x9;
	_ =	strace $0x8000004E  }
0xb3: {  	_ =	swait.ge [sflag:s29], $0x1  }
0xb4: {  	[sflag:s29] =	ssyncadd.s32 $0xFFFFFFFF  }
0xb5: {  	_ =	strace $0x9000004E  }
0xb6: {  	_ =	sfence  }
0xb7: {  	s30 =	sld [smem:$0x0];
	_ =	sdelay $0x2  }
0xb8: {  	s31 =	sshll.u32 s1, $0xD;
	s1 =	sshrl.u32 s1, $0x2  }
0xb9: {  	s3 =	sand.u32 $0x4000, s31;
	s1 =	sadd.s32 s1, s30  }
0xba: {  	s0 =	sor.u32 s3, s0;
	s1 =	sshll.u32 s1, $0x11  }
0xbb: {  	s0 =	sor.u32 s1, s0  }
0xbc: {  	s0 =	sadd.s32 $0x8F2B, s0  }
0xbd: {  	[sflag:s0] =	ssyncadd.remote.s32 $0x1  }
0xbe: {  	_ =	sfence.sel $0xFFFF  }
0xbf: {  	[dreg:$0x0] =	wrdreg $0xFFFFFFFF;
	(pc) =	sbr.abs _section_cstart, $3  }
0xc0: {  	[dreg:$0x1] =	wrdreg $0xFFFFFFFF  }
0xc1: {  	_ =	task.clear_ibuf [dreg:s6], $0x2FFFF;
	_ =	strace $0x9FFFFFFF  }
0xc2: {  	(tm) =	ssettm $0x7FFFFFFF  }
0xc3: {  	_ =	shalt  }
tec
execute0_lowered:
.L_overlay_start_1:
0x0: {  	(tag) =	ssettag $0x1  }
0x1: {  	s8 =	rddreg [dreg:$0x0]  }
0x2: {  	s2 =	rddreg [dreg:$0x1]  }
0x3: {  	s0 =	rddreg [dreg:$0x2];
	s3 =	simm.s32 $0x0;
	s4 =	srdreg.scid  }
0x4: {  	s1 =	stileid.u32;
	s16 =	simm.s32 $0xC80;
	s17 =	simm.s32 $0x1  }
0x5: {  	s18 =	simm.s32 $0x320;
	s19 =	simm.s32 $0x640;
	s20 =	simm.s32 $0x12C0  }
0x6: {  	s21 =	simm.s32 $0x4;
	s22 =	simm.s32 $0x2;
	s23 =	simm.s32 $0x960  }
0x7: {  	s25 =	simm.s32 $0xFA0;
	s26 =	simm.s32 $0x0;
	[smem:$0x7FF] =	sst s3  }
0x8: {  	s24 =	sand.u32 $0x1, s4;
	s9 =	smul.u32 $0x18800, s1;
	s4 =	sadd.s32 $0x2E00, s8  }
0x9: {  	s5 =	sadd.s32 $0x1F5E00, s8;
	s7 =	sadd.s32 $0x64A00, s8;
	s6 =	smul.u32 $0x188000, s24  }
0xa: {  	s31 =	sshll.u32 s1, $0x6;
	_ =	strace $0x8000004D;
	s11 =	ssub.s32 $0x2, s24  }
0xb: {  	v0 =	vmov s24;
	s24 =	simm.s32 $0x44C0;
	s10 =	sadd.s32 s9, s6;
	s6 =	smul.u32 $0x186A0, s1  }
.Ltmp0:
0xc: {  	s12 =	sshrl.u32 s11, $0x1;
	s15 =	sadd.s32 s9, s2;
	(pc) =	sbr.rel .LBB2_1-.Ltmp0, $4  }
0xd: {  	s14 =	ssub.s32 s11, s12;
	s9 =	sor.u32 $0x1C03, s31;
	s10 =	sshrl.u32 s10, $0x3  }
0xe: {  	s13 =	sadd.s32 s10, s8;
	s30 =	sshrl.u32 s6, $0x3;
	s11 =	sadd.s32 $0x640, s6  }
0xf: {  	s8 =	sadd.s32 s4, s30;
	s12 =	sadd.s32 $0x6DE00, s13;
	s13 =	smax.u32 s14, $0x1  }
0x10: {  	s14 =	sshrl.u32 s15, $0x3;
	s15 =	simm.s32 $0x3;
	s10 =	sadd.s32 $0x30D40, s8  }
.LBB2_9:
0x11: {  	s26 =	sadd.s32 $0x1, s26  }
0x12: {  	p0 =	sne.s32 s26, s13  }
.Ltmp1:
0x13: {  	[bflag:$0x0] =	sbarrier.arrive $0xFFFF;
	(pc) =	sbr.rel @!p0 .LBB2_10-.Ltmp1, $4  }
0x14: {  	[hbm:s12], [sflag:s9] =	dma.local [spmem:s14], $0x3100  }
0x15: {  	_ =	swait.ge [sflag:s15], $0x3100  }
0x16: {  	[sflag:s15] =	ssyncset.done $0x0  }
0x17: {  	[sflag:s15] =	ssyncadd.s32 $0xFFFFCF00  }
.LBB2_1:
0x18: {  	[spmem:s14], [sflag:s9] =	dma.local [hbm:s7], $0x3100  }
0x19: {  	_ =	swait.ge [sflag:s15], $0x3100  }
0x1a: {  	[sflag:s15] =	ssyncset.done $0x0  }
.Ltmp2:
0x1b: {  	[sflag:s15] =	ssyncadd.s32 $0xFFFFCF00;
	(pc) =	sbr.rel .LBB2_2-.Ltmp2, $4  }
0x1c: {  	[bflag:$0x0] =	sbarrier.arrive $0xFFFF  }
0x1d: {  	[tilespmem:s3], [sflag:$0x1] =	stream.linear.gather [hbm4b:s8+s3], $0x320, $0x38;
	[tilespmem:$0x1FEC0] =	vst v63  }
0x1e: {  	s28 =	simm.s32 $0x0  }
0x1f: {  	[tilespmem:s16], [sflag:$0x1] =	stream.linear.gather [hbm4b:s10+s3], $0x320, $0x38;
	[tilespmem:$0x1FEC0] =	vst v63  }
.LBB2_8:
0x20: {  	s28 =	sadd.s32 $0x1, s28  }
0x21: {  	p0 =	sne.s32 s28, $0x3F  }
.Ltmp3:
0x22: {  	_ = 	snop;
	(pc) =	sbr.rel @!p0 .LBB2_9-.Ltmp3, $1  }
0x23: {  	_ =	sdelay $0x3  }
.LBB2_2:
0x24: {  	s29 =	sshllo.u32 s28, $0x1  }
0x25: {  	p0 =	sgt.u32 s29, $0x7C  }
0x26: {  	s29 =	smul.u32 @!p0 $0x320, s29;
	_ =	sdelay $0x1  }
0x27: {  	s29 =	sadd.s32 @!p0 s6, s29  }
0x28: {  	s29 =	sshrl.u32 @!p0 s29, $0x3  }
0x29: {  	s30 =	simm.s32 @!p0 $0x0;
	s31 =	simm.s32 @!p0 $0x320;
	s29 =	sadd.s32 @!p0 s4, s29  }
0x2a: {  	[tilespmem:s31], [sflag:$0x2] =	stream.linear.gather @!p0 [hbm4b:s29+s30], $0x320, $0x38;
	[tilespmem:$0x1FEC0] =	vst v63  }
0x2b: {  	s29 =	sadd.s32 @!p0 $0x30D40, s29;
	s31 =	simm.s32 @!p0 $0xFA0  }
0x2c: {  	[tilespmem:s31], [sflag:$0x2] =	stream.linear.gather @!p0 [hbm4b:s29+s30], $0x320, $0x38;
	[tilespmem:$0x1FEC0] =	vst v63  }
0x2d: {  	_ =	swait.ge [sflag:s17], $0x320  }
0x2e: {  	[sflag:s17] =	ssyncset.done $0x0  }
0x2f: {  	[sflag:s17] =	ssyncadd.s32 $0xFFFFFCE0  }
0x30: {  	_ =	swait.ge [sflag:s17], $0x320  }
0x31: {  	[sflag:s17] =	ssyncset.done $0x0  }
0x32: {  	s29 =	simm.s32 $0x0;
	[sflag:s17] =	ssyncadd.s32 $0xFFFFFCE0  }
0x33: {  	v1 =	vld [tilespmem:s29+$0x0]  }
0x34: {  	s30 =	simm.s32 $0x40  }
.LBB2_3:
0x35: {  	p1 =	sne.s32 s30, $0xC40  }
.Ltmp4:
0x36: {  	_ = 	snop;
	(pc) =	sbr.rel @p1 .LBB2_3-.Ltmp4, $4  }
0x37: {  	_ = 	snop  }
0x38: {  	s31 =	sshra.s32 s30, $0x2;
	s30 =	sadd.s32 $0x40, s30;
	v2 =	vshll.u32 v1, $0x1  }
0x39: {  	v1 =	vld [tilespmem:s31+$0x0];
	v2 =	vor.u32 v0, v2  }
0x3a: {  	[tilespmem:s29+$0x640] =	vst v2;
	s29 =	smov.u32 s31  }
0x3b: {  	_ =	sdelay $0x2  }
0x3c: {  	v1 =	vshll.u32 v1, $0x1  }
0x3d: {  	v1 =	vor.u32 v0, v1  }
0x3e: {  	[tilespmem:s29+$0x640] =	vst v1  }
0x3f: {  	[tilespmem:s20], [sflag:$0x4] =	stream.indirect.gather [hbm4b:s5+s18], $0x10, s19, s18, $0xb8;
	[tilespmem:$0x1FEC0] =	vst v63  }
0x40: {  	_ =	swait.ge [sflag:s21], $0x3200  }
0x41: {  	[sflag:s21] =	ssyncset.done $0x0  }
.Ltmp5:
0x42: {  	[sflag:s21] =	ssyncadd.s32 $0xFFFFCE00;
	(pc) =	sbr.rel @p0 .LBB2_8-.Ltmp5, $4  }
0x43: {  	[spmem:s2] =	stream.indirect.scatter.add.f32 [tilespmem:s20], [sflag:$0x4], $0x10, s16, s18, $0xb8;
	[tilespmem:$0x1FEC0] =	vst v63  }
0x44: {  	_ =	swait.ge [sflag:s21], $0x3200  }
0x45: {  	[sflag:s21] =	ssyncset.done $0x0  }
0x46: {  	[sflag:s21] =	ssyncadd.s32 $0xFFFFCE00  }
0x47: {  	s29 =	smul.u32 $0x640, s28;
	_ =	sdelay $0x1  }
0x48: {  	s29 =	sadd.s32 s29, s11  }
0x49: {  	s29 =	sshrl.u32 s29, $0x3  }
0x4a: {  	s30 =	simm.s32 $0x0;
	s29 =	sadd.s32 s4, s29  }
0x4b: {  	[tilespmem:s30], [sflag:$0x1] =	stream.linear.gather [hbm4b:s29+s30], $0x320, $0x38;
	[tilespmem:$0x1FEC0] =	vst v63  }
0x4c: {  	s29 =	sadd.s32 $0x30D40, s29  }
0x4d: {  	[tilespmem:s16], [sflag:$0x1] =	stream.linear.gather [hbm4b:s29+s30], $0x320, $0x38;
	[tilespmem:$0x1FEC0] =	vst v63  }
0x4e: {  	_ =	swait.ge [sflag:s22], $0x320  }
0x4f: {  	[sflag:s22] =	ssyncset.done $0x0  }
0x50: {  	[sflag:s22] =	ssyncadd.s32 $0xFFFFFCE0  }
0x51: {  	_ =	swait.ge [sflag:s22], $0x320  }
0x52: {  	[sflag:s22] =	ssyncset.done $0x0  }
0x53: {  	s29 =	simm.s32 $0x0;
	[sflag:s22] =	ssyncadd.s32 $0xFFFFFCE0  }
0x54: {  	v1 =	vld [tilespmem:s29+$0x320]  }
0x55: {  	s30 =	simm.s32 $0x40  }
.LBB2_6:
0x56: {  	p0 =	sne.s32 s30, $0xC40  }
.Ltmp6:
0x57: {  	_ = 	snop;
	(pc) =	sbr.rel @p0 .LBB2_6-.Ltmp6, $4  }
0x58: {  	_ = 	snop  }
0x59: {  	s31 =	sshra.s32 s30, $0x2;
	s30 =	sadd.s32 $0x40, s30;
	v2 =	vshll.u32 v1, $0x1  }
0x5a: {  	v1 =	vld [tilespmem:s31+$0x320];
	v2 =	vor.u32 v0, v2  }
0x5b: {  	[tilespmem:s29+$0x960] =	vst v2;
	s29 =	smov.u32 s31  }
0x5c: {  	_ =	sdelay $0x2  }
0x5d: {  	v1 =	vshll.u32 v1, $0x1  }
0x5e: {  	v1 =	vor.u32 v0, v1  }
0x5f: {  	[tilespmem:s29+$0x960] =	vst v1  }
0x60: {  	[tilespmem:s24], [sflag:$0x4] =	stream.indirect.gather [hbm4b:s5+s18], $0x10, s23, s18, $0xb8;
	[tilespmem:$0x1FEC0] =	vst v63  }
0x61: {  	_ =	swait.ge [sflag:s21], $0x3200  }
0x62: {  	[sflag:s21] =	ssyncset.done $0x0  }
.Ltmp7:
0x63: {  	[sflag:s21] =	ssyncadd.s32 $0xFFFFCE00;
	(pc) =	sbr.rel .LBB2_8-.Ltmp7, $4  }
0x64: {  	[spmem:s2] =	stream.indirect.scatter.add.f32 [tilespmem:s24], [sflag:$0x3], $0x10, s25, s18, $0xb8;
	[tilespmem:$0x1FEC0] =	vst v63  }
0x65: {  	_ =	swait.ge [sflag:s15], $0x3200  }
0x66: {  	[sflag:s15] =	ssyncset.done $0x0  }
0x67: {  	[sflag:s15] =	ssyncadd.s32 $0xFFFFCE00  }
.LBB2_10:
0x68: {  	_ =	sfence.sel $0x180000  }
0x69: {  	[bflag:$0x0] =	sbarrier.arrive $0xFFFF  }
0x6a: {  	p0 =	sne.s32 s1, $0x0;
	_ =	strace $0x9000004D  }
0x6b: {  	s0 =	sadd.s32 @!p0 $0x100000, s0;
	[bflag:$0x2] =	sbarrier.arrive $0xFFFF  }
0x6c: {  	[sflag:s0] =	ssyncadd.tile.s32 @!p0 $0x1;
	_ =	shalt  }
.Lfunc_end2:
_tile_overlayer_lowered:
.L_overlay_start_2:
0x6d: {  	(tag) =	ssettag $0x2  }
0x6e: {  	s0 =	rddreg [dreg:$0x0];
	s2 =	stileid.u32  }
0x6f: {  	s1 =	rddreg [dreg:$0x1];
	p0 =	sne.s32 s2, $0x0  }
0x70: {  	s3 =	rddreg [dreg:$0x2];
	[bflag:$0x3] =	sbarrier.arrive $0xFFFF;
	s2 =	simm.s32 @!p0 $0x1C03  }
0x71: {  	[timem:s3], [sflag:s2] =	dma.local @!p0 [hbm:s0], s1  }
0x72: {  	s0 =	simm.s32 @!p0 $0x3  }
0x73: {  	_ =	swait.ge @!p0 [sflag:s0], s1  }
0x74: {  	s1 =	ssub.s32 @!p0 $0x0, s1;
	[sflag:s0] =	ssyncset.done @!p0 $0x0  }
0x75: {  	[sflag:s0] =	ssyncadd.s32 @!p0 s1  }
0x76: {  	[bflag:$0x3] =	sbarrier.arrive $0xFFFF  }
0x77: {  	_ =	shalt  }

// kernel: kernel.18.cloned.1.call-start
scs
__scs_entry_jumppad:
0x0: {  	(pc) =	sbr.rel $0x88, $3  }
0x1: {  	(tag) =	ssettag $0x0;
	lr =	simm.s32 $0x1  }
0x2: {  	[smem:$0x3F96] =	sst lr;
	_ =	strace $0xD0000000  }
0x3: {  	_ = 	snop  }
0x4: {  	_ = 	snop  }
0x5: {  	_ = 	snop  }
0x6: {  	_ = 	snop  }
0x7: {  	_ = 	snop  }
__scs_overlays_trampoline_lowered:
0x8: {  	[smem:$0x3FA5] =	sst s0  }
0x9: {  	[smem:$0x3FA6] =	sst s1  }
0xa: {  	[smem:$0x3FA7] =	sst s2  }
0xb: {  	[smem:$0x3FA8] =	sst s3  }
0xc: {  	[smem:$0x3FA9] =	sst s4  }
0xd: {  	[smem:$0x3FAA] =	sst s5  }
0xe: {  	[smem:$0x3FAB] =	sst s6  }
0xf: {  	[smem:$0x3FAC] =	sst s7  }
0x10: {  	[smem:$0x3FAD] =	sst s8  }
0x11: {  	[smem:$0x3FAE] =	sst s9;
	s0 =	simm.s32 @!p0 $0x0  }
0x12: {  	s1 =	sld [smem:$0x3F94];
	s0 =	simm.s32 @p0 $0x1  }
0x13: {  	[smem:$0x3FAF] =	sst s0;
	s0 =	simm.s32 @!p1 $0x0  }
0x14: {  	s2 =	sld [smem:$0x3F93];
	s0 =	simm.s32 @p1 $0x1  }
0x15: {  	[smem:$0x3FB0] =	sst s0;
	s0 =	simm.s32 @!p2 $0x0  }
0x16: {  	s3 =	sld [smem:$0x3FDB];
	s0 =	simm.s32 @p2 $0x1  }
0x17: {  	s4 =	simm.s32 $0x1BF5;
	[smem:$0x3FB2] =	sst s0  }
0x18: {  	s0 =	sld [smem:$0x3F95];
	_ =	swait.ge [sflag:s4], $0x0  }
0x19: {  	s7 =	sld [smem:$0x3F96]  }
0x1a: {  	s8 =	sadd.s32 $0xFFFFE003, lr  }
0x1b: {  	s9 =	sadd.s32 $0xFFFFFEF7, lr;
	s5 =	simm.s32 $0xFFFFFFFF;
	p2 =	slt.u32 s8, $0xFFFFF086  }
0x1c: {  	p1 =	slt.u32 s9, $0xF7A;
	s5 =	simm.s32 @!p2 $0x0  }
0x1d: {  	s5 =	simm.s32 @p1 $0x1;
	p0 =	seq.s32 s7, s2  }
0x1e: {  	s7 =	smul.u32 @!p0 $0xF7A, s2;
	p2 =	seq.s32 @!p0 s5, $0x0  }
0x1f: {  	s9 =	smul.u32 $0xF7A, s1;
	s8 =	simm.s32 @!p0 $0x1BF5;
	p2 =	por !p2, p0  }
0x20: {  	[sflag:s8] =	ssyncset.s32 @!p0 $0xFFFFF086;
	s6 =	sadd.s32 @!p0 s3, s7;
	s7 =	simm.s32 @!p0 $0x108  }
0x21: {  	s3 =	sadd.s32 s3, s9;
	s6 =	sadd.s32 @!p0 $0x88, s6;
	s7 =	simm.s32 @p2 $0x1082  }
0x22: {  	[simem:s7], [sflag:s8] =	dma.local @!p0 [hbm:s6], $0xF7A  }
0x23: {  	s9 =	sor.u32 $0xD0000000, s2;
	s6 =	simm.s32 $0x108;
	_ =	swait.ge @!p0 [sflag:s8], $0x0  }
0x24: {  	s3 =	sadd.s32 $0x88, s3;
	s6 =	simm.s32 @!p1 $0x1082;
	[sflag:s4] =	ssyncset.s32 $0xFFFFF086  }
0x25: {  	[simem:s6], [sflag:s4] =	dma.local [hbm:s3], $0xF7A  }
0x26: {  	[smem:$0x3F96] =	sst s1;
	(tag) =	ssettag s2;
	_ =	strace s9  }
0x27: {  	s1 =	sld [smem:$0x3FA6]  }
0x28: {  	s2 =	sld [smem:$0x3FA7]  }
0x29: {  	s4 =	sld [smem:$0x3FA9]  }
0x2a: {  	p0 =	seq.s32 s5, $0x0;
	s5 =	sld [smem:$0x3FAA]  }
0x2b: {  	s6 =	sld [smem:$0x3FAB]  }
0x2c: {  	s7 =	sld [smem:$0x3FAC]  }
0x2d: {  	s3 =	simm.s32 $0x108;
	s8 =	sld [smem:$0x3FAD]  }
0x2e: {  	s3 =	simm.s32 @!p0 $0x1082;
	s9 =	sld [smem:$0x3FAE]  }
0x2f: {  	lr =	sadd.s32 s0, s3;
	s0 =	sld [smem:$0x3FA5]  }
0x30: {  	s3 =	sld [smem:$0x3FA8]  }
0x31: {  	[smem:$0x3FB1] =	sst s10  }
0x32: {  	s10 =	sld [smem:$0x3FAF];
	_ =	sdelay $0x3  }
0x33: {  	p0 =	seq.s32 s10, $0x1;
	s10 =	sld [smem:$0x3FB1];
	_ =	sdelay $0x3  }
0x34: {  	[smem:$0x3FB1] =	sst s10  }
0x35: {  	s10 =	sld [smem:$0x3FB0];
	_ =	sdelay $0x3  }
0x36: {  	p1 =	seq.s32 s10, $0x1;
	s10 =	sld [smem:$0x3FB1];
	_ =	sdelay $0x3  }
0x37: {  	[smem:$0x3FB1] =	sst s10  }
0x38: {  	s10 =	sld [smem:$0x3FB2]  }
0x39: {  	_ = 	snop;
	(pc) =	sbr.ind lr, $3  }
0x3a: {  	_ = 	snop  }
0x3b: {  	_ = 	snop  }
0x3c: {  	p2 =	seq.s32 s10, $0x1;
	s10 =	sld [smem:$0x3FB1]  }
0x3d: {  	_ =	shalt  }
0x3e: {  	_ =	shalt  }
0x3f: {  	_ =	shalt  }
0x40: {  	_ =	shalt  }
0x41: {  	_ =	shalt  }
0x42: {  	_ =	shalt  }
0x43: {  	_ =	shalt  }
0x44: {  	_ =	shalt  }
0x45: {  	_ =	shalt  }
0x46: {  	_ =	shalt  }
0x47: {  	_ =	shalt  }
0x48: {  	_ =	shalt  }
0x49: {  	_ =	shalt  }
0x4a: {  	_ =	shalt  }
0x4b: {  	_ =	shalt  }
0x4c: {  	_ =	shalt  }
0x4d: {  	_ =	shalt  }
0x4e: {  	_ =	shalt  }
0x4f: {  	_ =	shalt  }
0x50: {  	_ =	shalt  }
0x51: {  	_ =	shalt  }
0x52: {  	_ =	shalt  }
0x53: {  	_ =	shalt  }
0x54: {  	_ =	shalt  }
0x55: {  	_ =	shalt  }
0x56: {  	_ =	shalt  }
0x57: {  	_ =	shalt  }
0x58: {  	_ =	shalt  }
0x59: {  	_ =	shalt  }
0x5a: {  	_ =	shalt  }
0x5b: {  	_ =	shalt  }
0x5c: {  	_ =	shalt  }
0x5d: {  	_ =	shalt  }
0x5e: {  	_ =	shalt  }
0x5f: {  	_ =	shalt  }
0x60: {  	_ =	shalt  }
0x61: {  	_ =	shalt  }
0x62: {  	_ =	shalt  }
0x63: {  	_ =	shalt  }
0x64: {  	_ =	shalt  }
0x65: {  	_ =	shalt  }
0x66: {  	_ =	shalt  }
0x67: {  	_ =	shalt  }
0x68: {  	_ =	shalt  }
0x69: {  	_ =	shalt  }
0x6a: {  	_ =	shalt  }
0x6b: {  	_ =	shalt  }
0x6c: {  	_ =	shalt  }
0x6d: {  	_ =	shalt  }
0x6e: {  	_ =	shalt  }
0x6f: {  	_ =	shalt  }
0x70: {  	_ =	shalt  }
0x71: {  	_ =	shalt  }
0x72: {  	_ =	shalt  }
0x73: {  	_ =	shalt  }
0x74: {  	_ =	shalt  }
0x75: {  	_ =	shalt  }
0x76: {  	_ =	shalt  }
0x77: {  	_ =	shalt  }
0x78: {  	_ =	shalt  }
0x79: {  	_ =	shalt  }
0x7a: {  	_ =	shalt  }
0x7b: {  	_ =	shalt  }
0x7c: {  	_ =	shalt  }
0x7d: {  	_ =	shalt  }
0x7e: {  	_ =	shalt  }
0x7f: {  	_ =	shalt  }
0x80: {  	_ =	shalt  }
0x81: {  	_ =	shalt  }
0x82: {  	_ =	shalt  }
0x83: {  	_ =	shalt  }
0x84: {  	_ =	shalt  }
0x85: {  	_ =	shalt  }
0x86: {  	_ =	shalt  }
0x87: {  	_ =	shalt  }
.Lfunc_end0:
.L_simem_size_0:
called_computation.3_lowered:
.L_overlay_start_0:
0x88: {  	s2 =	sld [smem:$0x3FD9]  }
0x89: {  	s3 =	sld [smem:$0x3FFE];
	_ =	sdelay $0x1  }
0x8a: {  	s1 =	srdreg.scid  }
0x8b: {  	s0 =	sand.u32 $0x1, s1  }
0x8c: {  	s17 =	sshll.u32 s0, $0xA;
	s2 =	sadd.s32 s3, s2  }
0x8d: {  	s2 =	sadd.s32 s2, s17  }
0x8e: {  	[smem:$0x3FBD] =	sst s2  }
0x8f: {  	_ = 	snop  }
0x90: {  	s2 =	sld [smem:$0x3FC3];
	(tm) =	ssettm $0x1  }
0x91: {  	s18 =	sld [smem:$0x3FFB];
	_ =	sdelay $0x3  }
0x92: {  	_ =	strace s18  }
0x93: {  	s3 =	sld [smem:$0x3FFC];
	_ =	sdelay $0x3  }
0x94: {  	_ =	strace s3  }
0x95: {  	s3 =	sld [smem:$0x3FFD];
	_ =	sdelay $0x3  }
0x96: {  	_ =	strace s3  }
0x97: {  	_ =	strace $0x8FFFFFFF  }
0x98: {  	s19 =	sld [smem:$0x3FDB];
	_ =	sdelay $0x1  }
0x99: {  	s4 =	simm.s32 $_scs_section_size  }
0x9a: {  	s5 =	simm.s32 $_size__tile_overlayer_lowered;
	s6 =	simm.s32 $_tile_overlayer_lowered  }
0x9b: {  	s22 =	simm.s32 $0x1BFF;
	s21 =	sshll.u32 s6, $0x1;
	s3 =	sadd.s32 s4, s19  }
0x9c: {  	s7 =	simm.s32 $0x0;
	s20 =	sshll.u32 s5, $0x1;
	s5 =	sadd.s32 s21, s3  }
0x9d: {  	[timem:s7], [sflag:s22] =	dma.local [hbm:s5], s20  }
0x9e: {  	_ =	swait.ge [sflag:s22], s20  }
0x9f: {  	s4 =	ssub.s32 $0x0, s20;
	[sflag:s22] =	ssyncset.done $0x0  }
0xa0: {  	[sflag:s22] =	ssyncadd.s32 s4;
	_ =	sdelay $0x1  }
0xa1: {  	s23 =	simm.s32 $0x1B8B  }
0xa2: {  	_ =	swait.ge [sflag:s23], $0x1  }
0xa3: {  	[sflag:s23] =	ssyncset.done $0x0  }
0xa4: {  	s25 =	simm.s32 $0x1B8E;
	s24 =	sld [smem:$0x3FFE];
	[sflag:s23] =	ssyncadd.s32 $0xFFFFFFFF  }
0xa5: {  	s26 =	simm.s32 $execute0_lowered;
	[smem:$0x3FD2] =	sst s25  }
0xa6: {  	s5 =	sshll.u32 s26, $0x1;
	_ =	strace $0x8000004F;
	[dreg:$0x1] =	wrdreg $0xFFFFFFFF  }
0xa7: {  	s28 =	simm.s32 $_size_execute0_lowered;
	s3 =	sadd.s32 s3, s5;
	[dreg:$0x0] =	wrdreg $0x0  }
0xa8: {  	s5 =	sshll.u32 s28, $0x1;
	[dreg:$0x2] =	wrdreg s3  }
0xa9: {  	[dreg:$0x3] =	wrdreg s5  }
0xaa: {  	[dreg:$0x4] =	wrdreg $0xC0  }
0xab: {  	_ =	task [dreg:s7], $0x5FFFF  }
0xac: {  	[dreg:$0x1] =	wrdreg $0xFFFFFFFF  }
0xad: {  	[dreg:$0x0] =	wrdreg $0x60  }
0xae: {  	[dreg:$0x2] =	wrdreg s24  }
0xaf: {  	[dreg:$0x3] =	wrdreg s2  }
0xb0: {  	[dreg:$0x4] =	wrdreg $0x9  }
0xb1: {  	_ =	task.clear_ibuf [dreg:s7], $0x5FFFF;
	_ =	strace $0x9000004F  }
0xb2: {  	s29 =	simm.s32 $0x9;
	_ =	strace $0x80000051  }
0xb3: {  	_ =	swait.ge [sflag:s29], $0x1  }
0xb4: {  	[sflag:s29] =	ssyncadd.s32 $0xFFFFFFFF  }
0xb5: {  	_ =	strace $0x90000051  }
0xb6: {  	_ =	sfence  }
0xb7: {  	s30 =	sld [smem:$0x0];
	_ =	sdelay $0x2  }
0xb8: {  	s31 =	sshll.u32 s1, $0xD;
	s1 =	sshrl.u32 s1, $0x2  }
0xb9: {  	s3 =	sand.u32 $0x4000, s31;
	s1 =	sadd.s32 s1, s30  }
0xba: {  	s0 =	sor.u32 s3, s0;
	s1 =	sshll.u32 s1, $0x11  }
0xbb: {  	s0 =	sor.u32 s1, s0  }
0xbc: {  	s0 =	sadd.s32 $0x8F2B, s0  }
0xbd: {  	[sflag:s0] =	ssyncadd.remote.s32 $0x1  }
0xbe: {  	_ =	sfence.sel $0xFFFF  }
0xbf: {  	[dreg:$0x0] =	wrdreg $0xFFFFFFFF;
	(pc) =	sbr.abs _section_cstart, $3  }
0xc0: {  	[dreg:$0x1] =	wrdreg $0xFFFFFFFF  }
0xc1: {  	_ =	task.clear_ibuf [dreg:s7], $0x2FFFF;
	_ =	strace $0x9FFFFFFF  }
0xc2: {  	(tm) =	ssettm $0x7FFFFFFF  }
0xc3: {  	_ =	shalt  }
tec
execute0_lowered:
.L_overlay_start_1:
0x0: {  	(tag) =	ssettag $0x1  }
0x1: {  	s9 =	rddreg [dreg:$0x0]  }
0x2: {  	s1 =	rddreg [dreg:$0x1]  }
0x3: {  	s0 =	rddreg [dreg:$0x2];
	s2 =	simm.s32 $0x0;
	s3 =	srdreg.scid  }
0x4: {  	s13 =	simm.s32 $0x1;
	s14 =	simm.s32 $0x310;
	s15 =	simm.s32 $0x620  }
0x5: {  	s16 =	simm.s32 $0x3720;
	s17 =	simm.s32 $0x6820;
	s18 =	simm.s32 $0xCA20  }
0x6: {  	s19 =	simm.s32 $0x0;
	[smem:$0x7FF] =	sst s2;
	s6 =	sand.u32 $0x1, s3  }
0x7: {  	s4 =	sadd.s32 $0xCFE00, s9;
	s3 =	stileid.u32;
	s5 =	sadd.s32 $0x6AC00, s9  }
0x8: {  	_ =	strace $0x80000050;
	s7 =	sshll.u32 s6, $0x4;
	s10 =	ssub.s32 $0x2, s6  }
0x9: {  	s6 =	sadd.s32 $0x6DE00, s9;
	s8 =	sor.u32 s3, s7;
	s12 =	sshrl.u32 s10, $0x1  }
0xa: {  	s7 =	sadd.s32 $0x1F5E00, s9;
	s11 =	sshll.u32 s8, $0xC;
	s12 =	ssub.s32 s10, s12  }
0xb: {  	s8 =	smul.u32 $0xC40, s8;
	s11 =	sadd.s32 s11, s9;
	s9 =	sadd.s32 $0x9EE00, s9  }
0xc: {  	v0 =	vimm.f32 $-Inf;
	s10 =	sadd.s32 $0x2E00, s11;
	s11 =	smax.u32 s12, $0x1;
	s12 =	simm.s32 $0x14A40  }
.LBB2_1:
0xd: {  	s20 =	simm.s32 $0x40;
	s21 =	simm.s32 $0x0  }
.LBB2_2:
0xe: {  	p0 =	sne.s32 s20, $0x20040;
	[tilespmem:s21+$0xCA20] =	vst v0;
	s21 =	smov.u32 s20;
	s20 =	sadd.s32 $0x40, s20  }
.Ltmp0:
0xf: {  	(pc) =	sbr.rel @p0 .LBB2_2-.Ltmp0, $2  }
0x10: {  	_ =	sdelay $0x2  }
0x11: {  	s21 =	sshra.s32 s21, $0x2  }
0x12: {  	[tilespmem:s21+$0xCA20] =	vst v0;
	s20 =	simm.s32 $0x0  }
0x13: {  	[tilespmem:s12], [sflag:$0x1] =	stream.linear.gather [hbm4b:s1+s20], $0x20, $0x38;
	[tilespmem:$0x14A60] =	vst v63  }
0x14: {  	_ =	swait.ge [sflag:s13], $0x20  }
0x15: {  	[sflag:s13] =	ssyncset.done $0x0  }
0x16: {  	[sflag:s13] =	ssyncadd.s32 $0xFFFFFFE0  }
0x17: {  	v1 =	vld [tilespmem:$0x14A40]  }
0x18: {  	s21 =	simm.s32 $0x0;
	v2 =	vld [tilespmem:$0x14A50]  }
.LBB2_4:
0x19: {  	s22 =	smul.u32 $0x310, s21;
	_ =	sdelay $0x1  }
0x1a: {  	s22 =	sadd.s32 s8, s22  }
0x1b: {  	s23 =	sshrl.u32 s22, $0x3  }
0x1c: {  	s24 =	sadd.s32 s4, s23  }
0x1d: {  	[tilespmem:s20], [sflag:$0x1] =	stream.linear.gather [hbm4b:s24+s20], $0x310, $0x38;
	[tilespmem:$0x14A60] =	vst v63  }
0x1e: {  	_ =	swait.ge [sflag:s13], $0x310  }
0x1f: {  	[sflag:s13] =	ssyncset.done $0x0  }
0x20: {  	s23 =	sadd.s32 s5, s23;
	[sflag:s13] =	ssyncadd.s32 $0xFFFFFCF0  }
0x21: {  	[tilespmem:s14], [sflag:$0x1] =	stream.linear.gather [hbm4b:s23+s20], $0x310, $0x38;
	[tilespmem:$0x14A60] =	vst v63  }
0x22: {  	_ =	swait.ge [sflag:s13], $0x310  }
0x23: {  	s30 =	sshll.u32 s22, $0x1;
	[sflag:s13] =	ssyncset.done $0x0  }
0x24: {  	s31 =	sadd.s32 s6, s30;
	[sflag:s13] =	ssyncadd.s32 $0xFFFFFCF0  }
0x25: {  	[tilespmem:s15], [sflag:$0x1] =	stream.linear.gather [hbm4b:s31+s20], $0x3100, $0x38;
	[tilespmem:$0x14A60] =	vst v63  }
0x26: {  	_ =	swait.ge [sflag:s13], $0x3100  }
0x27: {  	[sflag:s13] =	ssyncset.done $0x0  }
0x28: {  	s23 =	sadd.s32 s30, s9;
	[sflag:s13] =	ssyncadd.s32 $0xFFFFCF00  }
0x29: {  	[tilespmem:s16], [sflag:$0x1] =	stream.linear.gather [hbm4b:s23+s20], $0x3100, $0x38;
	[tilespmem:$0x14A60] =	vst v63  }
0x2a: {  	_ =	swait.ge [sflag:s13], $0x3100  }
0x2b: {  	s22 =	sshll.u32 s22, $0x2;
	[sflag:s13] =	ssyncset.done $0x0  }
0x2c: {  	s22 =	sadd.s32 s7, s22;
	[sflag:s13] =	ssyncadd.s32 $0xFFFFCF00  }
0x2d: {  	[tilespmem:s17], [sflag:$0x1] =	stream.linear.gather [hbm4b:s22+s20], $0x6200, $0x38;
	[tilespmem:$0x14A60] =	vst v63  }
0x2e: {  	_ =	swait.ge [sflag:s13], $0x6200  }
0x2f: {  	s25 =	simm.s32 $0x0;
	s24 =	simm.s32 $0x6A0;
	[sflag:s13] =	ssyncset.done $0x0  }
0x30: {  	s23 =	simm.s32 $0x6920;
	s22 =	simm.s32 $0x37A0;
	[sflag:s13] =	ssyncadd.s32 $0xFFFF9E00  }
.LBB2_5:
0x31: {  	s26 =	sshra.s32 s25, $0x2  }
0x32: {  	v3 =	vld [tilespmem:s26+$0x0];
	_ =	sdelay $0x4  }
0x33: {  	v3 =	vshll.u32 v3, $0x7  }
0x34: {  	v4 =	vshra.s32 v3, $0x2  }
0x35: {  	(v2sf) =	vpush v4, $0x0;
	_ =	sdelay $0x6  }
0x36: {  	v5 =	vld [tilespmem:s24+$0xFFFFFF80]  }
0x37: {  	v6 =	vld [tilespmem:s23+$0xFFFFFF00]  }
0x38: {  	v3 =	vld [tilespmem:s26+$0x310];
	_ =	sdelay $0x4  }
0x39: {  	v5 =	vadd.f32 v6, v5;
	v41 =	vbroadcast v3, $0x0  }
0x3a: {  	s28 =	spop (v2sf)  }
0x3b: {  	v5 =	vmul.f32 v5, v41;
	v7 =	vld [tilespmem:s28+$0xCA20];
	_ =	sdelay $0x1  }
0x3c: {  	v5 =	vadd.f32 v5, v1;
	_ =	sdelay $0x1  }
0x3d: {  	v5 =	vmax.f32 v5, $0.0e+00  }
0x3e: {  	v5 =	vmax.f32 v7, v5  }
0x3f: {  	[tilespmem:s28+$0xCA20] =	vst v5  }
0x40: {  	v5 =	vld [tilespmem:s22+$0xFFFFFF80]  }
0x41: {  	v42 =	vld [tilespmem:s23+$0xFFFFFF10];
	_ =	sdelay $0x4  }
0x42: {  	v5 =	vadd.f32 v42, v5  }
0x43: {  	(v2sf) =	vpush v4, $0x1  }
0x44: {  	v43 =	vld [tilespmem:s28+$0xCA30];
	v5 =	vmul.f32 v5, v41;
	_ =	sdelay $0x1  }
0x45: {  	v5 =	vadd.f32 v5, v2;
	_ =	sdelay $0x1  }
0x46: {  	v5 =	vmax.f32 v5, $0.0e+00  }
0x47: {  	v5 =	vmax.f32 v43, v5  }
0x48: {  	[tilespmem:s28+$0xCA30] =	vst v5  }
0x49: {  	v5 =	vld [tilespmem:s24+$0xFFFFFF90]  }
0x4a: {  	v44 =	vld [tilespmem:s23+$0xFFFFFF20];
	_ =	sdelay $0x4  }
0x4b: {  	v45 =	vbroadcast v3, $0x1;
	v5 =	vadd.f32 v44, v5  }
0x4c: {  	s29 =	spop (v2sf)  }
0x4d: {  	v46 =	vld [tilespmem:s29+$0xCA20];
	v5 =	vmul.f32 v5, v45;
	_ =	sdelay $0x1  }
0x4e: {  	v5 =	vadd.f32 v5, v1;
	_ =	sdelay $0x1  }
0x4f: {  	v5 =	vmax.f32 v5, $0.0e+00  }
0x50: {  	v5 =	vmax.f32 v46, v5  }
0x51: {  	[tilespmem:s29+$0xCA20] =	vst v5  }
0x52: {  	v5 =	vld [tilespmem:s22+$0xFFFFFF90]  }
0x53: {  	v47 =	vld [tilespmem:s23+$0xFFFFFF30];
	_ =	sdelay $0x4  }
0x54: {  	v5 =	vadd.f32 v47, v5  }
0x55: {  	(v2sf) =	vpush v4, $0x2  }
0x56: {  	v48 =	vld [tilespmem:s29+$0xCA30];
	v5 =	vmul.f32 v5, v45;
	_ =	sdelay $0x1  }
0x57: {  	v5 =	vadd.f32 v5, v2;
	_ =	sdelay $0x1  }
0x58: {  	v5 =	vmax.f32 v5, $0.0e+00  }
0x59: {  	v5 =	vmax.f32 v48, v5  }
0x5a: {  	[tilespmem:s29+$0xCA30] =	vst v5  }
0x5b: {  	v5 =	vld [tilespmem:s24+$0xFFFFFFA0]  }
0x5c: {  	v49 =	vld [tilespmem:s23+$0xFFFFFF40];
	_ =	sdelay $0x4  }
0x5d: {  	v50 =	vbroadcast v3, $0x2;
	v5 =	vadd.f32 v49, v5  }
0x5e: {  	s30 =	spop (v2sf)  }
0x5f: {  	v51 =	vld [tilespmem:s30+$0xCA20];
	v5 =	vmul.f32 v5, v50;
	_ =	sdelay $0x1  }
0x60: {  	v5 =	vadd.f32 v5, v1;
	_ =	sdelay $0x1  }
0x61: {  	v5 =	vmax.f32 v5, $0.0e+00  }
0x62: {  	v5 =	vmax.f32 v51, v5  }
0x63: {  	[tilespmem:s30+$0xCA20] =	vst v5  }
0x64: {  	v5 =	vld [tilespmem:s22+$0xFFFFFFA0]  }
0x65: {  	v52 =	vld [tilespmem:s23+$0xFFFFFF50];
	_ =	sdelay $0x4  }
0x66: {  	v5 =	vadd.f32 v52, v5  }
0x67: {  	(v2sf) =	vpush v4, $0x3  }
0x68: {  	v53 =	vld [tilespmem:s30+$0xCA30];
	v5 =	vmul.f32 v5, v50;
	_ =	sdelay $0x1  }
0x69: {  	v5 =	vadd.f32 v5, v2;
	_ =	sdelay $0x1  }
0x6a: {  	v5 =	vmax.f32 v5, $0.0e+00  }
0x6b: {  	v5 =	vmax.f32 v53, v5  }
0x6c: {  	[tilespmem:s30+$0xCA30] =	vst v5  }
0x6d: {  	v5 =	vld [tilespmem:s24+$0xFFFFFFB0]  }
0x6e: {  	v54 =	vld [tilespmem:s23+$0xFFFFFF60];
	_ =	sdelay $0x4  }
0x6f: {  	v55 =	vbroadcast v3, $0x3;
	v5 =	vadd.f32 v54, v5  }
0x70: {  	s31 =	spop (v2sf)  }
0x71: {  	v56 =	vld [tilespmem:s31+$0xCA20];
	v5 =	vmul.f32 v5, v55;
	_ =	sdelay $0x1  }
0x72: {  	v5 =	vadd.f32 v5, v1;
	_ =	sdelay $0x1  }
0x73: {  	v5 =	vmax.f32 v5, $0.0e+00  }
0x74: {  	v5 =	vmax.f32 v56, v5  }
0x75: {  	[tilespmem:s31+$0xCA20] =	vst v5  }
0x76: {  	v5 =	vld [tilespmem:s22+$0xFFFFFFB0]  }
0x77: {  	v57 =	vld [tilespmem:s23+$0xFFFFFF70];
	_ =	sdelay $0x4  }
0x78: {  	v5 =	vadd.f32 v57, v5  }
0x79: {  	(v2sf) =	vpush v4, $0x4  }
0x7a: {  	v58 =	vld [tilespmem:s31+$0xCA30];
	v5 =	vmul.f32 v5, v55;
	_ =	sdelay $0x1  }
0x7b: {  	v5 =	vadd.f32 v5, v2;
	_ =	sdelay $0x1  }
0x7c: {  	v5 =	vmax.f32 v5, $0.0e+00  }
0x7d: {  	v5 =	vmax.f32 v58, v5  }
0x7e: {  	[tilespmem:s31+$0xCA30] =	vst v5  }
0x7f: {  	v5 =	vld [tilespmem:s24+$0xFFFFFFC0]  }
0x80: {  	v59 =	vld [tilespmem:s23+$0xFFFFFF80];
	_ =	sdelay $0x4  }
0x81: {  	v60 =	vbroadcast v3, $0x4;
	v5 =	vadd.f32 v59, v5  }
0x82: {  	s28 =	spop (v2sf)  }
0x83: {  	v61 =	vld [tilespmem:s28+$0xCA20];
	v5 =	vmul.f32 v5, v60;
	_ =	sdelay $0x1  }
0x84: {  	v5 =	vadd.f32 v5, v1;
	_ =	sdelay $0x1  }
0x85: {  	v5 =	vmax.f32 v5, $0.0e+00  }
0x86: {  	v5 =	vmax.f32 v61, v5  }
0x87: {  	[tilespmem:s28+$0xCA20] =	vst v5  }
0x88: {  	v5 =	vld [tilespmem:s22+$0xFFFFFFC0]  }
0x89: {  	v62 =	vld [tilespmem:s23+$0xFFFFFF90];
	_ =	sdelay $0x4  }
0x8a: {  	v5 =	vadd.f32 v62, v5  }
0x8b: {  	(v2sf) =	vpush v4, $0x5  }
0x8c: {  	v63 =	vld [tilespmem:s28+$0xCA30];
	v5 =	vmul.f32 v5, v60;
	_ =	sdelay $0x1  }
0x8d: {  	v5 =	vadd.f32 v5, v2;
	_ =	sdelay $0x1  }
0x8e: {  	v5 =	vmax.f32 v5, $0.0e+00  }
0x8f: {  	v5 =	vmax.f32 v63, v5  }
0x90: {  	[tilespmem:s28+$0xCA30] =	vst v5  }
0x91: {  	v5 =	vld [tilespmem:s24+$0xFFFFFFD0]  }
0x92: {  	v9 =	vld [tilespmem:s23+$0xFFFFFFA0];
	_ =	sdelay $0x4  }
0x93: {  	v10 =	vbroadcast v3, $0x5;
	v5 =	vadd.f32 v9, v5  }
0x94: {  	s29 =	spop (v2sf)  }
0x95: {  	v11 =	vld [tilespmem:s29+$0xCA20];
	v5 =	vmul.f32 v5, v10;
	_ =	sdelay $0x1  }
0x96: {  	v5 =	vadd.f32 v5, v1;
	_ =	sdelay $0x1  }
0x97: {  	v5 =	vmax.f32 v5, $0.0e+00  }
0x98: {  	v5 =	vmax.f32 v11, v5  }
0x99: {  	[tilespmem:s29+$0xCA20] =	vst v5  }
0x9a: {  	v5 =	vld [tilespmem:s22+$0xFFFFFFD0]  }
0x9b: {  	v12 =	vld [tilespmem:s23+$0xFFFFFFB0];
	_ =	sdelay $0x4  }
0x9c: {  	v5 =	vadd.f32 v12, v5  }
0x9d: {  	(v2sf) =	vpush v4, $0x6  }
0x9e: {  	v13 =	vld [tilespmem:s29+$0xCA30];
	v5 =	vmul.f32 v5, v10;
	_ =	sdelay $0x1  }
0x9f: {  	v5 =	vadd.f32 v5, v2;
	_ =	sdelay $0x1  }
0xa0: {  	v5 =	vmax.f32 v5, $0.0e+00  }
0xa1: {  	v5 =	vmax.f32 v13, v5  }
0xa2: {  	[tilespmem:s29+$0xCA30] =	vst v5  }
0xa3: {  	v5 =	vld [tilespmem:s24+$0xFFFFFFE0]  }
0xa4: {  	v14 =	vld [tilespmem:s23+$0xFFFFFFC0];
	_ =	sdelay $0x4  }
0xa5: {  	v15 =	vbroadcast v3, $0x6;
	v5 =	vadd.f32 v14, v5  }
0xa6: {  	s30 =	spop (v2sf)  }
0xa7: {  	v16 =	vld [tilespmem:s30+$0xCA20];
	v5 =	vmul.f32 v5, v15;
	_ =	sdelay $0x1  }
0xa8: {  	v5 =	vadd.f32 v5, v1;
	_ =	sdelay $0x1  }
0xa9: {  	v5 =	vmax.f32 v5, $0.0e+00  }
0xaa: {  	v5 =	vmax.f32 v16, v5  }
0xab: {  	[tilespmem:s30+$0xCA20] =	vst v5  }
0xac: {  	v5 =	vld [tilespmem:s22+$0xFFFFFFE0]  }
0xad: {  	v17 =	vld [tilespmem:s23+$0xFFFFFFD0];
	_ =	sdelay $0x4  }
0xae: {  	v5 =	vadd.f32 v17, v5  }
0xaf: {  	(v2sf) =	vpush v4, $0x7  }
0xb0: {  	v18 =	vld [tilespmem:s30+$0xCA30];
	v5 =	vmul.f32 v5, v15;
	_ =	sdelay $0x1  }
0xb1: {  	v5 =	vadd.f32 v5, v2;
	_ =	sdelay $0x1  }
0xb2: {  	v5 =	vmax.f32 v5, $0.0e+00  }
0xb3: {  	v5 =	vmax.f32 v18, v5  }
0xb4: {  	[tilespmem:s30+$0xCA30] =	vst v5  }
0xb5: {  	v5 =	vld [tilespmem:s24+$0xFFFFFFF0]  }
0xb6: {  	v19 =	vld [tilespmem:s23+$0xFFFFFFE0];
	_ =	sdelay $0x4  }
0xb7: {  	v20 =	vbroadcast v3, $0x7;
	v5 =	vadd.f32 v19, v5  }
0xb8: {  	s31 =	spop (v2sf)  }
0xb9: {  	v21 =	vld [tilespmem:s31+$0xCA20];
	v5 =	vmul.f32 v5, v20;
	_ =	sdelay $0x1  }
0xba: {  	v5 =	vadd.f32 v5, v1;
	_ =	sdelay $0x1  }
0xbb: {  	v5 =	vmax.f32 v5, $0.0e+00  }
0xbc: {  	v5 =	vmax.f32 v21, v5  }
0xbd: {  	[tilespmem:s31+$0xCA20] =	vst v5  }
0xbe: {  	v5 =	vld [tilespmem:s22+$0xFFFFFFF0]  }
0xbf: {  	v22 =	vld [tilespmem:s23+$0xFFFFFFF0];
	_ =	sdelay $0x4  }
0xc0: {  	v5 =	vadd.f32 v22, v5  }
0xc1: {  	(v2sf) =	vpush v4, $0x8  }
0xc2: {  	v23 =	vld [tilespmem:s31+$0xCA30];
	v5 =	vmul.f32 v5, v20;
	_ =	sdelay $0x1  }
0xc3: {  	v5 =	vadd.f32 v5, v2;
	_ =	sdelay $0x1  }
0xc4: {  	v5 =	vmax.f32 v5, $0.0e+00  }
0xc5: {  	v5 =	vmax.f32 v23, v5  }
0xc6: {  	[tilespmem:s31+$0xCA30] =	vst v5  }
0xc7: {  	v5 =	vld [tilespmem:s24+$0x0]  }
0xc8: {  	v24 =	vld [tilespmem:s23+$0x0];
	_ =	sdelay $0x4  }
0xc9: {  	v25 =	vbroadcast v3, $0x8;
	v5 =	vadd.f32 v24, v5  }
0xca: {  	s28 =	spop (v2sf)  }
0xcb: {  	v26 =	vld [tilespmem:s28+$0xCA20];
	v5 =	vmul.f32 v5, v25;
	_ =	sdelay $0x1  }
0xcc: {  	v5 =	vadd.f32 v5, v1;
	_ =	sdelay $0x1  }
0xcd: {  	v5 =	vmax.f32 v5, $0.0e+00  }
0xce: {  	v5 =	vmax.f32 v26, v5  }
0xcf: {  	[tilespmem:s28+$0xCA20] =	vst v5  }
0xd0: {  	v5 =	vld [tilespmem:s22+$0x0]  }
0xd1: {  	v27 =	vld [tilespmem:s23+$0x10];
	_ =	sdelay $0x4  }
0xd2: {  	v5 =	vadd.f32 v27, v5  }
0xd3: {  	(v2sf) =	vpush v4, $0x9  }
0xd4: {  	v28 =	vld [tilespmem:s28+$0xCA30];
	v5 =	vmul.f32 v5, v25;
	_ =	sdelay $0x1  }
0xd5: {  	v5 =	vadd.f32 v5, v2;
	_ =	sdelay $0x1  }
0xd6: {  	v5 =	vmax.f32 v5, $0.0e+00  }
0xd7: {  	v5 =	vmax.f32 v28, v5  }
0xd8: {  	[tilespmem:s28+$0xCA30] =	vst v5  }
0xd9: {  	v5 =	vld [tilespmem:s24+$0x10]  }
0xda: {  	v29 =	vld [tilespmem:s23+$0x20];
	_ =	sdelay $0x4  }
0xdb: {  	v30 =	vbroadcast v3, $0x9;
	v5 =	vadd.f32 v29, v5  }
0xdc: {  	s29 =	spop (v2sf)  }
0xdd: {  	v31 =	vld [tilespmem:s29+$0xCA20];
	v5 =	vmul.f32 v5, v30;
	_ =	sdelay $0x1  }
0xde: {  	v5 =	vadd.f32 v5, v1;
	_ =	sdelay $0x1  }
0xdf: {  	v5 =	vmax.f32 v5, $0.0e+00  }
0xe0: {  	v5 =	vmax.f32 v31, v5  }
0xe1: {  	[tilespmem:s29+$0xCA20] =	vst v5  }
0xe2: {  	v5 =	vld [tilespmem:s22+$0x10]  }
0xe3: {  	v32 =	vld [tilespmem:s23+$0x30];
	_ =	sdelay $0x4  }
0xe4: {  	v5 =	vadd.f32 v32, v5  }
0xe5: {  	(v2sf) =	vpush v4, $0xA  }
0xe6: {  	v33 =	vld [tilespmem:s29+$0xCA30];
	v5 =	vmul.f32 v5, v30;
	_ =	sdelay $0x1  }
0xe7: {  	v5 =	vadd.f32 v5, v2;
	_ =	sdelay $0x1  }
0xe8: {  	v5 =	vmax.f32 v5, $0.0e+00  }
0xe9: {  	v5 =	vmax.f32 v33, v5  }
0xea: {  	[tilespmem:s29+$0xCA30] =	vst v5  }
0xeb: {  	v5 =	vld [tilespmem:s24+$0x20]  }
0xec: {  	v34 =	vld [tilespmem:s23+$0x40];
	_ =	sdelay $0x4  }
0xed: {  	v35 =	vbroadcast v3, $0xA;
	v5 =	vadd.f32 v34, v5  }
0xee: {  	s30 =	spop (v2sf)  }
0xef: {  	v36 =	vld [tilespmem:s30+$0xCA20];
	v5 =	vmul.f32 v5, v35;
	_ =	sdelay $0x1  }
0xf0: {  	v5 =	vadd.f32 v5, v1;
	_ =	sdelay $0x1  }
0xf1: {  	v5 =	vmax.f32 v5, $0.0e+00  }
0xf2: {  	v5 =	vmax.f32 v36, v5  }
0xf3: {  	[tilespmem:s30+$0xCA20] =	vst v5  }
0xf4: {  	v5 =	vld [tilespmem:s22+$0x20]  }
0xf5: {  	v37 =	vld [tilespmem:s23+$0x50];
	_ =	sdelay $0x4  }
0xf6: {  	v5 =	vadd.f32 v37, v5  }
0xf7: {  	(v2sf) =	vpush v4, $0xB  }
0xf8: {  	v38 =	vld [tilespmem:s30+$0xCA30];
	v5 =	vmul.f32 v5, v35;
	_ =	sdelay $0x1  }
0xf9: {  	v5 =	vadd.f32 v5, v2;
	_ =	sdelay $0x1  }
0xfa: {  	v5 =	vmax.f32 v5, $0.0e+00  }
0xfb: {  	v5 =	vmax.f32 v38, v5  }
0xfc: {  	[tilespmem:s30+$0xCA30] =	vst v5  }
0xfd: {  	v5 =	vld [tilespmem:s24+$0x30]  }
0xfe: {  	v39 =	vld [tilespmem:s23+$0x60];
	_ =	sdelay $0x4  }
0xff: {  	v40 =	vbroadcast v3, $0xB;
	v5 =	vadd.f32 v39, v5  }
0x100: {  	s31 =	spop (v2sf)  }
0x101: {  	v41 =	vld [tilespmem:s31+$0xCA20];
	v5 =	vmul.f32 v5, v40;
	_ =	sdelay $0x1  }
0x102: {  	v5 =	vadd.f32 v5, v1;
	_ =	sdelay $0x1  }
0x103: {  	v5 =	vmax.f32 v5, $0.0e+00  }
0x104: {  	v5 =	vmax.f32 v41, v5  }
0x105: {  	[tilespmem:s31+$0xCA20] =	vst v5  }
0x106: {  	v5 =	vld [tilespmem:s22+$0x30]  }
0x107: {  	v42 =	vld [tilespmem:s23+$0x70];
	_ =	sdelay $0x4  }
0x108: {  	v5 =	vadd.f32 v42, v5  }
0x109: {  	(v2sf) =	vpush v4, $0xC  }
0x10a: {  	v43 =	vld [tilespmem:s31+$0xCA30];
	v5 =	vmul.f32 v5, v40;
	_ =	sdelay $0x1  }
0x10b: {  	v5 =	vadd.f32 v5, v2;
	_ =	sdelay $0x1  }
0x10c: {  	v5 =	vmax.f32 v5, $0.0e+00  }
0x10d: {  	v5 =	vmax.f32 v43, v5  }
0x10e: {  	[tilespmem:s31+$0xCA30] =	vst v5  }
0x10f: {  	v5 =	vld [tilespmem:s24+$0x40]  }
0x110: {  	v44 =	vld [tilespmem:s23+$0x80];
	_ =	sdelay $0x4  }
0x111: {  	v45 =	vbroadcast v3, $0xC;
	v5 =	vadd.f32 v44, v5  }
0x112: {  	s28 =	spop (v2sf)  }
0x113: {  	v46 =	vld [tilespmem:s28+$0xCA20];
	v5 =	vmul.f32 v5, v45;
	_ =	sdelay $0x1  }
0x114: {  	v5 =	vadd.f32 v5, v1;
	_ =	sdelay $0x1  }
0x115: {  	v5 =	vmax.f32 v5, $0.0e+00  }
0x116: {  	v5 =	vmax.f32 v46, v5  }
0x117: {  	[tilespmem:s28+$0xCA20] =	vst v5  }
0x118: {  	v5 =	vld [tilespmem:s22+$0x40]  }
0x119: {  	v47 =	vld [tilespmem:s23+$0x90];
	_ =	sdelay $0x4  }
0x11a: {  	v5 =	vadd.f32 v47, v5  }
0x11b: {  	(v2sf) =	vpush v4, $0xD  }
0x11c: {  	v48 =	vld [tilespmem:s28+$0xCA30];
	v5 =	vmul.f32 v5, v45;
	_ =	sdelay $0x1  }
0x11d: {  	v5 =	vadd.f32 v5, v2;
	_ =	sdelay $0x1  }
0x11e: {  	v5 =	vmax.f32 v5, $0.0e+00  }
0x11f: {  	v5 =	vmax.f32 v48, v5  }
0x120: {  	[tilespmem:s28+$0xCA30] =	vst v5  }
0x121: {  	v5 =	vld [tilespmem:s24+$0x50]  }
0x122: {  	v49 =	vld [tilespmem:s23+$0xA0];
	_ =	sdelay $0x4  }
0x123: {  	v50 =	vbroadcast v3, $0xD;
	v5 =	vadd.f32 v49, v5  }
0x124: {  	s29 =	spop (v2sf)  }
0x125: {  	v51 =	vld [tilespmem:s29+$0xCA20];
	v5 =	vmul.f32 v5, v50;
	_ =	sdelay $0x1  }
0x126: {  	v5 =	vadd.f32 v5, v1;
	_ =	sdelay $0x1  }
0x127: {  	v5 =	vmax.f32 v5, $0.0e+00  }
0x128: {  	v5 =	vmax.f32 v51, v5  }
0x129: {  	[tilespmem:s29+$0xCA20] =	vst v5  }
0x12a: {  	v5 =	vld [tilespmem:s22+$0x50]  }
0x12b: {  	v52 =	vld [tilespmem:s23+$0xB0];
	_ =	sdelay $0x4  }
0x12c: {  	v5 =	vadd.f32 v52, v5  }
0x12d: {  	(v2sf) =	vpush v4, $0xE  }
0x12e: {  	v53 =	vld [tilespmem:s29+$0xCA30];
	v5 =	vmul.f32 v5, v50;
	_ =	sdelay $0x1  }
0x12f: {  	v5 =	vadd.f32 v5, v2;
	_ =	sdelay $0x1  }
0x130: {  	v5 =	vmax.f32 v5, $0.0e+00  }
0x131: {  	v5 =	vmax.f32 v53, v5  }
0x132: {  	[tilespmem:s29+$0xCA30] =	vst v5  }
0x133: {  	v5 =	vld [tilespmem:s24+$0x60]  }
0x134: {  	v54 =	vld [tilespmem:s23+$0xC0];
	_ =	sdelay $0x4  }
0x135: {  	v55 =	vbroadcast v3, $0xE;
	v5 =	vadd.f32 v54, v5  }
0x136: {  	s30 =	spop (v2sf)  }
0x137: {  	v56 =	vld [tilespmem:s30+$0xCA20];
	v5 =	vmul.f32 v5, v55;
	_ =	sdelay $0x1  }
0x138: {  	v5 =	vadd.f32 v5, v1;
	_ =	sdelay $0x1  }
0x139: {  	v5 =	vmax.f32 v5, $0.0e+00  }
0x13a: {  	v5 =	vmax.f32 v56, v5  }
0x13b: {  	[tilespmem:s30+$0xCA20] =	vst v5  }
0x13c: {  	v5 =	vld [tilespmem:s22+$0x60]  }
0x13d: {  	v57 =	vld [tilespmem:s23+$0xD0];
	_ =	sdelay $0x4  }
0x13e: {  	v5 =	vadd.f32 v57, v5  }
0x13f: {  	(v2sf) =	vpush v4, $0xF  }
0x140: {  	v59 =	vld [tilespmem:s30+$0xCA30];
	v58 =	vmul.f32 v5, v55;
	_ =	sdelay $0x1  }
0x141: {  	v4 =	vadd.f32 v58, v2;
	_ =	sdelay $0x1  }
0x142: {  	v4 =	vmax.f32 v4, $0.0e+00  }
0x143: {  	v4 =	vmax.f32 v59, v4  }
0x144: {  	[tilespmem:s30+$0xCA30] =	vst v4  }
0x145: {  	v4 =	vld [tilespmem:s24+$0x70]  }
0x146: {  	v60 =	vld [tilespmem:s23+$0xE0];
	_ =	sdelay $0x4  }
0x147: {  	v3 =	vbroadcast v3, $0xF;
	v4 =	vadd.f32 v60, v4  }
0x148: {  	s31 =	spop (v2sf)  }
0x149: {  	v61 =	vld [tilespmem:s31+$0xCA20];
	v4 =	vmul.f32 v4, v3;
	_ =	sdelay $0x1  }
0x14a: {  	v4 =	vadd.f32 v4, v1;
	_ =	sdelay $0x1  }
0x14b: {  	v4 =	vmax.f32 v4, $0.0e+00  }
0x14c: {  	v4 =	vmax.f32 v61, v4  }
0x14d: {  	[tilespmem:s31+$0xCA20] =	vst v4  }
0x14e: {  	v4 =	vld [tilespmem:s22+$0x70]  }
0x14f: {  	v62 =	vld [tilespmem:s23+$0xF0];
	_ =	sdelay $0x4  }
0x150: {  	v4 =	vadd.f32 v62, v4;
	_ =	sdelay $0x1  }
0x151: {  	v63 =	vld [tilespmem:s31+$0xCA30];
	v3 =	vmul.f32 v4, v3  }
0x152: {  	p0 =	sne.s32 s25, $0xC00  }
.Ltmp1:
0x153: {  	v3 =	vadd.f32 v3, v2;
	(pc) =	sbr.rel @p0 .LBB2_5-.Ltmp1, $4  }
0x154: {  	_ = 	snop  }
0x155: {  	v3 =	vmax.f32 v3, $0.0e+00  }
0x156: {  	s25 =	sadd.s32 $0x40, s25;
	v3 =	vmax.f32 v63, v3  }
0x157: {  	s24 =	sadd.s32 $0x100, s24;
	s22 =	sadd.s32 $0x100, s22;
	s23 =	sadd.s32 $0x200, s23;
	[tilespmem:s31+$0xCA30] =	vst v3  }
0x158: {  	s21 =	sadd.s32 $0x1, s21  }
0x159: {  	p0 =	sne.s32 s21, $0x4  }
.Ltmp2:
0x15a: {  	_ = 	snop;
	(pc) =	sbr.rel @p0 .LBB2_4-.Ltmp2, $1  }
0x15b: {  	_ =	sdelay $0x3  }
0x15c: {  	s19 =	sadd.s32 $0x1, s19  }
0x15d: {  	p0 =	sne.s32 s19, s11  }
.Ltmp3:
0x15e: {  	_ = 	snop;
	(pc) =	sbr.rel @p0 .LBB2_1-.Ltmp3, $4  }
0x15f: {  	[hbm4b:s10+s2] =	stream.linear.scatter [tilespmem:s18], [sflag:$0x1], $0x8000, $0x38;
	[tilespmem:$0x14A60] =	vst v63  }
0x160: {  	_ =	swait.ge [sflag:s13], $0x8000  }
0x161: {  	[sflag:s13] =	ssyncset.done $0x0  }
0x162: {  	[sflag:s13] =	ssyncadd.s32 $0xFFFF8000  }
0x163: {  	_ =	sfence.sel $0x180000  }
0x164: {  	[bflag:$0x0] =	sbarrier.arrive $0xFFFF  }
0x165: {  	p0 =	sne.s32 s3, $0x0;
	_ =	strace $0x90000050  }
0x166: {  	s0 =	sadd.s32 @!p0 $0x100000, s0;
	[bflag:$0x2] =	sbarrier.arrive $0xFFFF  }
0x167: {  	[sflag:s0] =	ssyncadd.tile.s32 @!p0 $0x1;
	_ =	shalt  }
.Lfunc_end2:
_tile_overlayer_lowered:
.L_overlay_start_2:
0x168: {  	(tag) =	ssettag $0x2  }
0x169: {  	s0 =	rddreg [dreg:$0x0];
	s2 =	stileid.u32  }
0x16a: {  	s1 =	rddreg [dreg:$0x1];
	p0 =	sne.s32 s2, $0x0  }
0x16b: {  	s3 =	rddreg [dreg:$0x2];
	[bflag:$0x3] =	sbarrier.arrive $0xFFFF;
	s2 =	simm.s32 @!p0 $0x1C01  }
0x16c: {  	[timem:s3], [sflag:s2] =	dma.local @!p0 [hbm:s0], s1  }
0x16d: {  	s0 =	simm.s32 @!p0 $0x1  }
0x16e: {  	_ =	swait.ge @!p0 [sflag:s0], s1  }
0x16f: {  	s1 =	ssub.s32 @!p0 $0x0, s1;
	[sflag:s0] =	ssyncset.done @!p0 $0x0  }
0x170: {  	[sflag:s0] =	ssyncadd.s32 @!p0 s1  }
0x171: {  	[bflag:$0x3] =	sbarrier.arrive $0xFFFF  }
0x172: {  	_ =	shalt  }

// kernel: kernel.9.cloned.1.call-start
scs
__scs_entry_jumppad:
0x0: {  	(pc) =	sbr.rel $0x88, $3  }
0x1: {  	(tag) =	ssettag $0x0;
	lr =	simm.s32 $0x1  }
0x2: {  	[smem:$0x3F96] =	sst lr;
	_ =	strace $0xD0000000  }
0x3: {  	_ = 	snop  }
0x4: {  	_ = 	snop  }
0x5: {  	_ = 	snop  }
0x6: {  	_ = 	snop  }
0x7: {  	_ = 	snop  }
__scs_overlays_trampoline_lowered:
0x8: {  	[smem:$0x3FA5] =	sst s0  }
0x9: {  	[smem:$0x3FA6] =	sst s1  }
0xa: {  	[smem:$0x3FA7] =	sst s2  }
0xb: {  	[smem:$0x3FA8] =	sst s3  }
0xc: {  	[smem:$0x3FA9] =	sst s4  }
0xd: {  	[smem:$0x3FAA] =	sst s5  }
0xe: {  	[smem:$0x3FAB] =	sst s6  }
0xf: {  	[smem:$0x3FAC] =	sst s7  }
0x10: {  	[smem:$0x3FAD] =	sst s8  }
0x11: {  	[smem:$0x3FAE] =	sst s9;
	s0 =	simm.s32 @!p0 $0x0  }
0x12: {  	s1 =	sld [smem:$0x3F94];
	s0 =	simm.s32 @p0 $0x1  }
0x13: {  	[smem:$0x3FAF] =	sst s0;
	s0 =	simm.s32 @!p1 $0x0  }
0x14: {  	s2 =	sld [smem:$0x3F93];
	s0 =	simm.s32 @p1 $0x1  }
0x15: {  	[smem:$0x3FB0] =	sst s0;
	s0 =	simm.s32 @!p2 $0x0  }
0x16: {  	s3 =	sld [smem:$0x3FDB];
	s0 =	simm.s32 @p2 $0x1  }
0x17: {  	s4 =	simm.s32 $0x1BF5;
	[smem:$0x3FB2] =	sst s0  }
0x18: {  	s0 =	sld [smem:$0x3F95];
	_ =	swait.ge [sflag:s4], $0x0  }
0x19: {  	s7 =	sld [smem:$0x3F96]  }
0x1a: {  	s8 =	sadd.s32 $0xFFFFE003, lr  }
0x1b: {  	s9 =	sadd.s32 $0xFFFFFEF7, lr;
	s5 =	simm.s32 $0xFFFFFFFF;
	p2 =	slt.u32 s8, $0xFFFFF086  }
0x1c: {  	p1 =	slt.u32 s9, $0xF7A;
	s5 =	simm.s32 @!p2 $0x0  }
0x1d: {  	s5 =	simm.s32 @p1 $0x1;
	p0 =	seq.s32 s7, s2  }
0x1e: {  	s7 =	smul.u32 @!p0 $0xF7A, s2;
	p2 =	seq.s32 @!p0 s5, $0x0  }
0x1f: {  	s9 =	smul.u32 $0xF7A, s1;
	s8 =	simm.s32 @!p0 $0x1BF5;
	p2 =	por !p2, p0  }
0x20: {  	[sflag:s8] =	ssyncset.s32 @!p0 $0xFFFFF086;
	s6 =	sadd.s32 @!p0 s3, s7;
	s7 =	simm.s32 @!p0 $0x108  }
0x21: {  	s3 =	sadd.s32 s3, s9;
	s6 =	sadd.s32 @!p0 $0x88, s6;
	s7 =	simm.s32 @p2 $0x1082  }
0x22: {  	[simem:s7], [sflag:s8] =	dma.local @!p0 [hbm:s6], $0xF7A  }
0x23: {  	s9 =	sor.u32 $0xD0000000, s2;
	s6 =	simm.s32 $0x108;
	_ =	swait.ge @!p0 [sflag:s8], $0x0  }
0x24: {  	s3 =	sadd.s32 $0x88, s3;
	s6 =	simm.s32 @!p1 $0x1082;
	[sflag:s4] =	ssyncset.s32 $0xFFFFF086  }
0x25: {  	[simem:s6], [sflag:s4] =	dma.local [hbm:s3], $0xF7A  }
0x26: {  	[smem:$0x3F96] =	sst s1;
	(tag) =	ssettag s2;
	_ =	strace s9  }
0x27: {  	s1 =	sld [smem:$0x3FA6]  }
0x28: {  	s2 =	sld [smem:$0x3FA7]  }
0x29: {  	s4 =	sld [smem:$0x3FA9]  }
0x2a: {  	p0 =	seq.s32 s5, $0x0;
	s5 =	sld [smem:$0x3FAA]  }
0x2b: {  	s6 =	sld [smem:$0x3FAB]  }
0x2c: {  	s7 =	sld [smem:$0x3FAC]  }
0x2d: {  	s3 =	simm.s32 $0x108;
	s8 =	sld [smem:$0x3FAD]  }
0x2e: {  	s3 =	simm.s32 @!p0 $0x1082;
	s9 =	sld [smem:$0x3FAE]  }
0x2f: {  	lr =	sadd.s32 s0, s3;
	s0 =	sld [smem:$0x3FA5]  }
0x30: {  	s3 =	sld [smem:$0x3FA8]  }
0x31: {  	[smem:$0x3FB1] =	sst s10  }
0x32: {  	s10 =	sld [smem:$0x3FAF];
	_ =	sdelay $0x3  }
0x33: {  	p0 =	seq.s32 s10, $0x1;
	s10 =	sld [smem:$0x3FB1];
	_ =	sdelay $0x3  }
0x34: {  	[smem:$0x3FB1] =	sst s10  }
0x35: {  	s10 =	sld [smem:$0x3FB0];
	_ =	sdelay $0x3  }
0x36: {  	p1 =	seq.s32 s10, $0x1;
	s10 =	sld [smem:$0x3FB1];
	_ =	sdelay $0x3  }
0x37: {  	[smem:$0x3FB1] =	sst s10  }
0x38: {  	s10 =	sld [smem:$0x3FB2]  }
0x39: {  	_ = 	snop;
	(pc) =	sbr.ind lr, $3  }
0x3a: {  	_ = 	snop  }
0x3b: {  	_ = 	snop  }
0x3c: {  	p2 =	seq.s32 s10, $0x1;
	s10 =	sld [smem:$0x3FB1]  }
0x3d: {  	_ =	shalt  }
0x3e: {  	_ =	shalt  }
0x3f: {  	_ =	shalt  }
0x40: {  	_ =	shalt  }
0x41: {  	_ =	shalt  }
0x42: {  	_ =	shalt  }
0x43: {  	_ =	shalt  }
0x44: {  	_ =	shalt  }
0x45: {  	_ =	shalt  }
0x46: {  	_ =	shalt  }
0x47: {  	_ =	shalt  }
0x48: {  	_ =	shalt  }
0x49: {  	_ =	shalt  }
0x4a: {  	_ =	shalt  }
0x4b: {  	_ =	shalt  }
0x4c: {  	_ =	shalt  }
0x4d: {  	_ =	shalt  }
0x4e: {  	_ =	shalt  }
0x4f: {  	_ =	shalt  }
0x50: {  	_ =	shalt  }
0x51: {  	_ =	shalt  }
0x52: {  	_ =	shalt  }
0x53: {  	_ =	shalt  }
0x54: {  	_ =	shalt  }
0x55: {  	_ =	shalt  }
0x56: {  	_ =	shalt  }
0x57: {  	_ =	shalt  }
0x58: {  	_ =	shalt  }
0x59: {  	_ =	shalt  }
0x5a: {  	_ =	shalt  }
0x5b: {  	_ =	shalt  }
0x5c: {  	_ =	shalt  }
0x5d: {  	_ =	shalt  }
0x5e: {  	_ =	shalt  }
0x5f: {  	_ =	shalt  }
0x60: {  	_ =	shalt  }
0x61: {  	_ =	shalt  }
0x62: {  	_ =	shalt  }
0x63: {  	_ =	shalt  }
0x64: {  	_ =	shalt  }
0x65: {  	_ =	shalt  }
0x66: {  	_ =	shalt  }
0x67: {  	_ =	shalt  }
0x68: {  	_ =	shalt  }
0x69: {  	_ =	shalt  }
0x6a: {  	_ =	shalt  }
0x6b: {  	_ =	shalt  }
0x6c: {  	_ =	shalt  }
0x6d: {  	_ =	shalt  }
0x6e: {  	_ =	shalt  }
0x6f: {  	_ =	shalt  }
0x70: {  	_ =	shalt  }
0x71: {  	_ =	shalt  }
0x72: {  	_ =	shalt  }
0x73: {  	_ =	shalt  }
0x74: {  	_ =	shalt  }
0x75: {  	_ =	shalt  }
0x76: {  	_ =	shalt  }
0x77: {  	_ =	shalt  }
0x78: {  	_ =	shalt  }
0x79: {  	_ =	shalt  }
0x7a: {  	_ =	shalt  }
0x7b: {  	_ =	shalt  }
0x7c: {  	_ =	shalt  }
0x7d: {  	_ =	shalt  }
0x7e: {  	_ =	shalt  }
0x7f: {  	_ =	shalt  }
0x80: {  	_ =	shalt  }
0x81: {  	_ =	shalt  }
0x82: {  	_ =	shalt  }
0x83: {  	_ =	shalt  }
0x84: {  	_ =	shalt  }
0x85: {  	_ =	shalt  }
0x86: {  	_ =	shalt  }
0x87: {  	_ =	shalt  }
.Lfunc_end0:
.L_simem_size_0:
called_computation_lowered:
.L_overlay_start_0:
0x88: {  	s2 =	sld [smem:$0x3FD9]  }
0x89: {  	s3 =	sld [smem:$0x3FFE];
	_ =	sdelay $0x1  }
0x8a: {  	s1 =	srdreg.scid  }
0x8b: {  	s0 =	sand.u32 $0x1, s1  }
0x8c: {  	s16 =	sshll.u32 s0, $0xA;
	s2 =	sadd.s32 s3, s2  }
0x8d: {  	s2 =	sadd.s32 s2, s16  }
0x8e: {  	[smem:$0x3FBD] =	sst s2  }
0x8f: {  	_ = 	snop  }
0x90: {  	(tm) =	ssettm $0x1  }
0x91: {  	s17 =	sld [smem:$0x3FFB];
	_ =	sdelay $0x3  }
0x92: {  	_ =	strace s17  }
0x93: {  	s2 =	sld [smem:$0x3FFC];
	_ =	sdelay $0x3  }
0x94: {  	_ =	strace s2  }
0x95: {  	s2 =	sld [smem:$0x3FFD];
	_ =	sdelay $0x3  }
0x96: {  	_ =	strace s2  }
0x97: {  	_ =	strace $0x8FFFFFFF  }
0x98: {  	s18 =	sld [smem:$0x3FDB];
	_ =	sdelay $0x1  }
0x99: {  	s19 =	simm.s32 $_scs_section_size  }
0x9a: {  	s4 =	simm.s32 $_size__tile_overlayer_lowered;
	s5 =	simm.s32 $_tile_overlayer_lowered  }
0x9b: {  	s22 =	simm.s32 $0x1BFF;
	s21 =	sshll.u32 s5, $0x1;
	s2 =	sadd.s32 s19, s18  }
0x9c: {  	s6 =	simm.s32 $0x0;
	s20 =	sshll.u32 s4, $0x1;
	s4 =	sadd.s32 s21, s2  }
0x9d: {  	[timem:s6], [sflag:s22] =	dma.local [hbm:s4], s20  }
0x9e: {  	_ =	swait.ge [sflag:s22], s20  }
0x9f: {  	s3 =	ssub.s32 $0x0, s20;
	[sflag:s22] =	ssyncset.done $0x0  }
0xa0: {  	[sflag:s22] =	ssyncadd.s32 s3;
	_ =	sdelay $0x1  }
0xa1: {  	s23 =	simm.s32 $0x1B8B  }
0xa2: {  	_ =	swait.ge [sflag:s23], $0x1  }
0xa3: {  	[sflag:s23] =	ssyncset.done $0x0  }
0xa4: {  	s25 =	simm.s32 $0x1B8E;
	s24 =	sld [smem:$0x3FFE];
	[sflag:s23] =	ssyncadd.s32 $0xFFFFFFFF  }
0xa5: {  	s26 =	simm.s32 $execute0_lowered;
	[smem:$0x3FD2] =	sst s25  }
0xa6: {  	s4 =	sshll.u32 s26, $0x1;
	_ =	strace $0x80000046;
	[dreg:$0x1] =	wrdreg $0xFFFFFFFF  }
0xa7: {  	s28 =	simm.s32 $_size_execute0_lowered;
	s2 =	sadd.s32 s2, s4;
	[dreg:$0x0] =	wrdreg $0x0  }
0xa8: {  	s4 =	sshll.u32 s28, $0x1;
	[dreg:$0x2] =	wrdreg s2  }
0xa9: {  	[dreg:$0x3] =	wrdreg s4  }
0xaa: {  	[dreg:$0x4] =	wrdreg $0xC0  }
0xab: {  	_ =	task [dreg:s6], $0x5FFFF  }
0xac: {  	[dreg:$0x1] =	wrdreg $0xFFFFFFFF  }
0xad: {  	[dreg:$0x0] =	wrdreg $0x60  }
0xae: {  	[dreg:$0x2] =	wrdreg s24  }
0xaf: {  	[dreg:$0x3] =	wrdreg $0x28200  }
0xb0: {  	[dreg:$0x4] =	wrdreg $0x9  }
0xb1: {  	_ =	task.clear_ibuf [dreg:s6], $0x5FFFF;
	_ =	strace $0x90000046  }
0xb2: {  	s29 =	simm.s32 $0x9;
	_ =	strace $0x80000048  }
0xb3: {  	_ =	swait.ge [sflag:s29], $0x1  }
0xb4: {  	[sflag:s29] =	ssyncadd.s32 $0xFFFFFFFF  }
0xb5: {  	_ =	strace $0x90000048  }
0xb6: {  	_ =	sfence  }
0xb7: {  	s30 =	sld [smem:$0x0];
	_ =	sdelay $0x2  }
0xb8: {  	s31 =	sshll.u32 s1, $0xD;
	s1 =	sshrl.u32 s1, $0x2  }
0xb9: {  	s3 =	sand.u32 $0x4000, s31;
	s1 =	sadd.s32 s1, s30  }
0xba: {  	s0 =	sor.u32 s3, s0;
	s1 =	sshll.u32 s1, $0x11  }
0xbb: {  	s0 =	sor.u32 s1, s0  }
0xbc: {  	s0 =	sadd.s32 $0x8F2B, s0  }
0xbd: {  	[sflag:s0] =	ssyncadd.remote.s32 $0x1  }
0xbe: {  	_ =	sfence.sel $0xFFFF  }
0xbf: {  	[dreg:$0x0] =	wrdreg $0xFFFFFFFF;
	(pc) =	sbr.abs _section_cstart, $3  }
0xc0: {  	[dreg:$0x1] =	wrdreg $0xFFFFFFFF  }
0xc1: {  	_ =	task.clear_ibuf [dreg:s6], $0x2FFFF;
	_ =	strace $0x9FFFFFFF  }
0xc2: {  	(tm) =	ssettm $0x7FFFFFFF  }
0xc3: {  	_ =	shalt  }
tec
execute0_lowered:
.L_overlay_start_1:
0x0: {  	(tag) =	ssettag $0x1  }
0x1: {  	s6 =	rddreg [dreg:$0x0]  }
0x2: {  	s0 =	srdreg.scid;
	s2 =	rddreg [dreg:$0x1]  }
0x3: {  	s1 =	rddreg [dreg:$0x2];
	s4 =	sand.u32 $0x1, s0  }
0x4: {  	s0 =	stileid.u32;
	s5 =	smul.u32 $0xC3500, s4  }
0x5: {  	s3 =	simm.s32 $0x0;
	s10 =	simm.s32 $0x7D0;
	s7 =	smul.u32 $0xC350, s0  }
0x6: {  	s13 =	simm.s32 $0x0;
	[smem:$0x7FF] =	sst s3;
	s8 =	smul.u32 $0x1880, s0  }
0x7: {  	s9 =	smul.u32 $0x18800, s4;
	_ =	strace $0x80000047;
	s4 =	ssub.s32 $0x2, s4  }
0x8: {  	s11 =	sshll.u32 s0, $0x6;
	s31 =	sshrl.u32 s4, $0x1;
	s5 =	sadd.s32 s7, s5  }
0x9: {  	s11 =	sor.u32 $0x1C01, s11;
	s28 =	sadd.s32 s8, s9;
	s5 =	sadd.s32 $0x186A00, s5  }
0xa: {  	s9 =	simm.s32 $0x1;
	s7 =	sshrl.u32 s28, $0x3;
	s5 =	sshrl.u32 s5, $0x3  }
0xb: {  	s30 =	sadd.s32 s7, s6;
	s29 =	sadd.s32 s5, s6;
	s6 =	ssub.s32 s4, s31  }
0xc: {  	s4 =	sadd.s32 s8, s2;
	s5 =	sadd.s32 $0x64A00, s30;
	s8 =	simm.s32 $0xFA0  }
0xd: {  	v0 =	vimm.f32 $0.0e+00;
	v1 =	vimm.f32 $1.000000000e+00;
	s6 =	smax.u32 s6, $0x1;
	s7 =	sadd.s32 $0x2E00, s29;
	s12 =	sshrl.u32 s4, $0x3  }
.LBB2_1:
0xe: {  	s14 =	simm.s32 $0x0  }
.LBB2_2:
0xf: {  	p0 =	sne.s32 s14, $0x61C0  }
.Ltmp0:
0x10: {  	_ = 	snop;
	(pc) =	sbr.rel @p0 .LBB2_2-.Ltmp0, $3  }
0x11: {  	_ =	sdelay $0x1  }
0x12: {  	s15 =	sshra.s32 s14, $0x2  }
0x13: {  	s14 =	sadd.s32 $0x40, s14;
	[tilespmem:s15+$0xFA0] =	vst v0  }
0x14: {  	s14 =	simm.s32 $0x40;
	s15 =	simm.s32 $0x0  }
.LBB2_4:
0x15: {  	p0 =	sne.s32 s14, $0x1F00;
	[tilespmem:s15+$0x7D0] =	vst v1;
	s15 =	smov.u32 s14;
	s14 =	sadd.s32 $0x40, s14  }
.Ltmp1:
0x16: {  	(pc) =	sbr.rel @p0 .LBB2_4-.Ltmp1, $2  }
0x17: {  	_ =	sdelay $0x2  }
0x18: {  	s15 =	sshra.s32 s15, $0x2  }
0x19: {  	[tilespmem:s15+$0x7D0] =	vst v1  }
0x1a: {  	[spmem:s4] =	stream.linear.scatter [tilespmem:s8], [sflag:$0x1], $0x1880, $0x38;
	[tilespmem:$0x40A0] =	vst v63  }
0x1b: {  	_ =	swait.ge [sflag:s9], $0x1880  }
0x1c: {  	[sflag:s9] =	ssyncset.done $0x0  }
0x1d: {  	[sflag:s9] =	ssyncadd.s32 $0xFFFFE780  }
0x1e: {  	s14 =	sadd.s32 $0x0, s7;
	[bflag:$0x0] =	sbarrier.arrive $0xFFFF  }
0x1f: {  	[tilespmem:s3], [sflag:$0x1] =	stream.linear.gather [hbm4b:s14+s3], $0x7D0, $0x38;
	[tilespmem:$0x40A0] =	vst v63  }
0x20: {  	_ =	swait.ge [sflag:s9], $0x7D0  }
0x21: {  	[sflag:s9] =	ssyncset.done $0x0  }
0x22: {  	[sflag:s9] =	ssyncadd.s32 $0xFFFFF830  }
0x23: {  	[spmem:s2] =	stream.indirect.scatter.add.f32 [tilespmem:s10], [sflag:$0x1], $0x1, s3, s10, $0xb8;
	[tilespmem:$0x40A0] =	vst v63  }
0x24: {  	_ =	swait.ge [sflag:s9], $0x7D0  }
0x25: {  	s15 =	simm.s32 $0x1F4;
	s14 =	simm.s32 $0xFA;
	[sflag:s9] =	ssyncset.done $0x0  }
.LBB2_6:
0x26: {  	s16 =	sadd.s32 s14, s7  }
0x27: {  	[sflag:s9] =	ssyncadd.s32 $0xFFFFF830;
	s14 =	smov.u32 s15;
	s17 =	sadd.s32 $0xFA, s15  }
0x28: {  	[tilespmem:s3], [sflag:$0x1] =	stream.linear.gather [hbm4b:s16+s3], $0x7D0, $0x38;
	[tilespmem:$0x40A0] =	vst v63  }
0x29: {  	p0 =	sne.s32 s15, $0x1770;
	_ =	swait.ge [sflag:s9], $0x7D0  }
.Ltmp2:
0x2a: {  	[sflag:s9] =	ssyncset.done $0x0;
	(pc) =	sbr.rel @p0 .LBB2_6-.Ltmp2, $4  }
0x2b: {  	[sflag:s9] =	ssyncadd.s32 $0xFFFFF830  }
0x2c: {  	[spmem:s2] =	stream.indirect.scatter.add.f32 [tilespmem:s10], [sflag:$0x1], $0x1, s3, s10, $0xb8;
	[tilespmem:$0x40A0] =	vst v63  }
0x2d: {  	_ =	swait.ge [sflag:s9], $0x7D0  }
0x2e: {  	s15 =	smov.u32 s17;
	[sflag:s9] =	ssyncset.done $0x0  }
0x2f: {  	s14 =	sadd.s32 s14, s7;
	[sflag:s9] =	ssyncadd.s32 $0xFFFFF830  }
0x30: {  	[tilespmem:s3], [sflag:$0x1] =	stream.linear.gather [hbm4b:s14+s3], $0x7D0, $0x38;
	[tilespmem:$0x40A0] =	vst v63  }
0x31: {  	_ =	swait.ge [sflag:s9], $0x7D0  }
0x32: {  	[sflag:s9] =	ssyncset.done $0x0  }
0x33: {  	[sflag:s9] =	ssyncadd.s32 $0xFFFFF830  }
0x34: {  	[spmem:s2] =	stream.indirect.scatter.add.f32 [tilespmem:s10], [sflag:$0x1], $0x1, s3, s10, $0xb8;
	[tilespmem:$0x40A0] =	vst v63  }
0x35: {  	_ =	swait.ge [sflag:s9], $0x7D0  }
0x36: {  	s13 =	sadd.s32 $0x1, s13;
	[sflag:s9] =	ssyncset.done $0x0  }
0x37: {  	p0 =	sne.s32 s13, s6;
	[sflag:s9] =	ssyncadd.s32 $0xFFFFF830  }
.Ltmp3:
0x38: {  	[bflag:$0x0] =	sbarrier.arrive $0xFFFF;
	(pc) =	sbr.rel @p0 .LBB2_1-.Ltmp3, $4  }
0x39: {  	[hbm:s5], [sflag:s11] =	dma.local [spmem:s12], $0x310  }
0x3a: {  	_ =	swait.ge [sflag:s9], $0x310  }
0x3b: {  	[sflag:s9] =	ssyncset.done $0x0  }
0x3c: {  	[sflag:s9] =	ssyncadd.s32 $0xFFFFFCF0  }
0x3d: {  	_ =	sfence.sel $0x180000  }
0x3e: {  	[bflag:$0x0] =	sbarrier.arrive $0xFFFF  }
0x3f: {  	p0 =	sne.s32 s0, $0x0;
	_ =	strace $0x90000047  }
0x40: {  	s0 =	sadd.s32 @!p0 $0x100000, s1;
	[bflag:$0x2] =	sbarrier.arrive $0xFFFF  }
0x41: {  	[sflag:s0] =	ssyncadd.tile.s32 @!p0 $0x1;
	_ =	shalt  }
.Lfunc_end2:
_tile_overlayer_lowered:
.L_overlay_start_2:
0x42: {  	(tag) =	ssettag $0x2  }
0x43: {  	s0 =	rddreg [dreg:$0x0];
	s2 =	stileid.u32  }
0x44: {  	s1 =	rddreg [dreg:$0x1];
	p0 =	sne.s32 s2, $0x0  }
0x45: {  	s3 =	rddreg [dreg:$0x2];
	[bflag:$0x3] =	sbarrier.arrive $0xFFFF;
	s2 =	simm.s32 @!p0 $0x1C01  }
0x46: {  	[timem:s3], [sflag:s2] =	dma.local @!p0 [hbm:s0], s1  }
0x47: {  	s0 =	simm.s32 @!p0 $0x1  }
0x48: {  	_ =	swait.ge @!p0 [sflag:s0], s1  }
0x49: {  	s1 =	ssub.s32 @!p0 $0x0, s1;
	[sflag:s0] =	ssyncset.done @!p0 $0x0  }
0x4a: {  	[sflag:s0] =	ssyncadd.s32 @!p0 s1  }
0x4b: {  	[bflag:$0x3] =	sbarrier.arrive $0xFFFF  }
0x4c: {  	_ =	shalt  }

</sc_bundles>
